<compile_context>
chip_gen: v7x
topology: tpu7x:2x2x1
jax: 0.10.2.dev20260603
libtpu: 0.0.44.dev20260713+nightly
codegen_flags: <defaults>
</compile_context>

<pallas_src>
import functools

import jax
import jax.numpy as jnp
from jax import lax
from jax.experimental import pallas as pl
from jax.experimental.pallas import tpu as pltpu
from jax.experimental.pallas import tpu_sc as plsc

N = 10000
E = 320000
D_IN, D_HID, D_OUT = 128, 256, 128

NC, NS = 2, 16
K = 128
NCHUNK = 160
EP = NS * NCHUNK * K

NH = N // NC
NHPAD = NH + 16
RPS = 312
TAIL0 = NS * RPS
TAIL = NH - TAIL0

BN = 400
GRID = N // BN


def _sc_mesh():
  return plsc.VectorSubcoreMesh(core_axis_name="c", subcore_axis_name="s")


def _make_agg():
  @functools.partial(
      pl.kernel,
      out_type=jax.ShapeDtypeStruct((N, 128), jnp.float32),
      mesh=_sc_mesh(),
      scratch_types=[
          pltpu.VMEM((NCHUNK, K), jnp.int32),
          pltpu.VMEM((NCHUNK, K), jnp.int32),
          pltpu.VMEM((2, K, 128), jnp.float32),
          pltpu.VMEM_SHARED((NHPAD, 128), jnp.float32),
          pltpu.SemaphoreType.DMA,
          pltpu.SemaphoreType.DMA,
      ],
  )
  def agg_kernel(xp_hbm, srci_hbm, dsti_hbm, out_hbm,
                 src_v, dst_v, buf, acc, sem0, sem1):
    c = lax.axis_index("c")
    s = lax.axis_index("s")
    base = c * NH

    pltpu.sync_copy(srci_hbm.at[s], src_v)
    pltpu.sync_copy(dsti_hbm.at[s], dst_v)

    dump = jnp.full((16,), NH + s, jnp.int32)
    basev = jnp.full((16,), base, jnp.int32)

    def remap(i, _):
      jj = i // (K // 16)
      kk = (i % (K // 16)) * 16
      d = dst_v[jj, pl.ds(kk, 16)] - basev
      ok = (d >= 0) & (d < NH)
      dst_v[jj, pl.ds(kk, 16)] = jnp.where(ok, d, dump)
      return ()
    lax.fori_loop(0, NCHUNK * (K // 16), remap, ())

    pltpu.sync_copy(xp_hbm.at[pl.ds(base + s * RPS, RPS)],
                    acc.at[pl.ds(s * RPS, RPS)])

    @pl.when(s == 0)
    def _():
      pltpu.sync_copy(xp_hbm.at[pl.ds(base + TAIL0, TAIL)],
                      acc.at[pl.ds(TAIL0, TAIL)])
    plsc.subcore_barrier()

    sems = (sem0, sem1)
    pltpu.async_copy(xp_hbm.at[src_v.at[0]], buf.at[0], sem0)
    pltpu.async_copy(xp_hbm.at[src_v.at[1]], buf.at[1], sem1)

    def body(j0, _):
      for b in range(2):
        j = j0 * 2 + b
        pltpu.make_async_copy(xp_hbm.at[src_v.at[j]],
                              buf.at[b], sems[b]).wait()
        pltpu.sync_copy(buf.at[b], acc.at[dst_v.at[j]], add=True)

        @pl.when(j + 2 < NCHUNK)
        def _():
          pltpu.async_copy(xp_hbm.at[src_v.at[j + 2]], buf.at[b], sems[b])
      return ()
    lax.fori_loop(0, NCHUNK // 2, body, ())

    plsc.subcore_barrier()
    pltpu.sync_copy(acc.at[pl.ds(s * RPS, RPS)],
                    out_hbm.at[pl.ds(base + s * RPS, RPS)])

    @pl.when(s == 0)
    def _():
      pltpu.sync_copy(acc.at[pl.ds(TAIL0, TAIL)],
                      out_hbm.at[pl.ds(base + TAIL0, TAIL)])

  return agg_kernel


def _make_deg():
  @functools.partial(
      pl.kernel,
      out_type=jax.ShapeDtypeStruct((N, 128), jnp.float32),
      mesh=_sc_mesh(),
      scratch_types=[
          pltpu.VMEM((NCHUNK, K), jnp.int32),
          pltpu.VMEM((K, 128), jnp.float32),
          pltpu.VMEM_SHARED((NHPAD, 128), jnp.float32),
      ],
  )
  def deg_kernel(ones_hbm, dsti_hbm, out_hbm, dst_v, ones_v, acc):
    c = lax.axis_index("c")
    s = lax.axis_index("s")
    base = c * NH

    pltpu.sync_copy(ones_hbm, ones_v)
    pltpu.sync_copy(dsti_hbm.at[s], dst_v)

    dump = jnp.full((16,), NH + s, jnp.int32)
    basev = jnp.full((16,), base, jnp.int32)

    def remap(i, _):
      jj = i // (K // 16)
      kk = (i % (K // 16)) * 16
      d = dst_v[jj, pl.ds(kk, 16)] - basev
      ok = (d >= 0) & (d < NH)
      dst_v[jj, pl.ds(kk, 16)] = jnp.where(ok, d, dump)
      return ()
    lax.fori_loop(0, NCHUNK * (K // 16), remap, ())

    r0 = s * RPS
    pltpu.sync_copy(ones_v, acc.at[pl.ds(r0, K)])
    pltpu.sync_copy(ones_v, acc.at[pl.ds(r0 + K, K)])
    pltpu.sync_copy(ones_v.at[pl.ds(0, RPS - 2 * K)],
                    acc.at[pl.ds(r0 + 2 * K, RPS - 2 * K)])

    @pl.when(s == 0)
    def _():
      pltpu.sync_copy(ones_v.at[pl.ds(0, TAIL)], acc.at[pl.ds(TAIL0, TAIL)])
    plsc.subcore_barrier()

    def body(j, _):
      pltpu.sync_copy(ones_v, acc.at[dst_v.at[j]], add=True)
      return ()
    lax.fori_loop(0, NCHUNK, body, ())

    plsc.subcore_barrier()
    pltpu.sync_copy(acc.at[pl.ds(r0, RPS)],
                    out_hbm.at[pl.ds(base + r0, RPS)])

    @pl.when(s == 0)
    def _():
      pltpu.sync_copy(acc.at[pl.ds(TAIL0, TAIL)],
                      out_hbm.at[pl.ds(base + TAIL0, TAIL)])

  return deg_kernel


def _layer_norm(u, w, b, eps=1e-5):
  mu = jnp.mean(u, axis=-1, keepdims=True)
  d = u - mu
  var = jnp.mean(d * d, axis=-1, keepdims=True)
  return d * lax.rsqrt(var + eps) * w + b


def _prep_body(deg_ref, x_ref, dinv_ref, xp_ref):
  dinv = lax.rsqrt(deg_ref[:, 0:1])
  dinv_ref[...] = dinv
  xp_ref[...] = x_ref[...] * dinv


def _l1_body(agg_ref, dinv_ref, w1_ref, b1_ref, lw_ref, lb_ref,
             xpa_ref, xpb_ref):
  dinv = dinv_ref[...]
  ax = agg_ref[...] * dinv
  u = jnp.dot(ax, w1_ref[...], preferred_element_type=jnp.float32) + b1_ref[...]
  y = jax.nn.relu(_layer_norm(u, lw_ref[...], lb_ref[...]))
  xp = y * dinv
  dh = xp.shape[-1] // 2
  xpa_ref[...] = xp[:, :dh]
  xpb_ref[...] = xp[:, dh:]


def _l2_body(agga_ref, aggb_ref, dinv_ref, w2_ref, b2_ref, lw_ref, lb_ref,
             w3_ref, xp_ref):
  dinv = dinv_ref[...]
  ax = jnp.concatenate([agga_ref[...], aggb_ref[...]], axis=-1) * dinv
  u = jnp.dot(ax, w2_ref[...], preferred_element_type=jnp.float32) + b2_ref[...]
  y = jax.nn.relu(_layer_norm(u, lw_ref[...], lb_ref[...]))
  h3 = jnp.dot(y, w3_ref[...], preferred_element_type=jnp.float32)
  xp_ref[...] = h3 * dinv


def _out_body(agg_ref, dinv_ref, b3_ref, out_ref):
  out_ref[...] = agg_ref[...] * dinv_ref[...] + b3_ref[...]


def _row_spec(d):
  return pl.BlockSpec((BN, d), lambda i: (i, 0))


def _full_spec(shape):
  return pl.BlockSpec(shape, lambda i: tuple(0 for _ in shape))


def kernel(x, edge_index, W1, b1, ln1_w, ln1_b, W2, b2, ln2_w, ln2_b, W3, b3):
  src = edge_index[0]
  dst = edge_index[1]
  pad = EP - E
  srci = jnp.concatenate([src, jnp.zeros((pad,), jnp.int32)]
                         ).reshape(NS, NCHUNK, K)
  dsti = jnp.concatenate([dst, jnp.full((pad,), N, jnp.int32)]
                         ).reshape(NS, NCHUNK, K)

  agg = _make_agg()

  deg2d = _make_deg()(jnp.ones((K, 128), jnp.float32), dsti)

  dinv, xp0 = pl.pallas_call(
      _prep_body,
      grid=(GRID,),
      in_specs=[_row_spec(128), _row_spec(D_IN)],
      out_specs=[_row_spec(1), _row_spec(D_IN)],
      out_shape=[jax.ShapeDtypeStruct((N, 1), jnp.float32),
                 jax.ShapeDtypeStruct((N, D_IN), jnp.float32)],
  )(deg2d, x)

  agg1 = agg(xp0, srci, dsti)

  xp1a, xp1b = pl.pallas_call(
      _l1_body,
      grid=(GRID,),
      in_specs=[_row_spec(D_IN), _row_spec(1),
                _full_spec((D_IN, D_HID)), _full_spec((1, D_HID)),
                _full_spec((1, D_HID)), _full_spec((1, D_HID))],
      out_specs=[_row_spec(D_HID // 2), _row_spec(D_HID // 2)],
      out_shape=[jax.ShapeDtypeStruct((N, D_HID // 2), jnp.float32),
                 jax.ShapeDtypeStruct((N, D_HID // 2), jnp.float32)],
  )(agg1, dinv, W1, b1.reshape(1, -1), ln1_w.reshape(1, -1),
    ln1_b.reshape(1, -1))

  agg2a = agg(xp1a, srci, dsti)
  agg2b = agg(xp1b, srci, dsti)

  xp2 = pl.pallas_call(
      _l2_body,
      grid=(GRID,),
      in_specs=[_row_spec(D_HID // 2), _row_spec(D_HID // 2), _row_spec(1),
                _full_spec((D_HID, D_HID)), _full_spec((1, D_HID)),
                _full_spec((1, D_HID)), _full_spec((1, D_HID)),
                _full_spec((D_HID, D_OUT))],
      out_specs=_row_spec(D_OUT),
      out_shape=jax.ShapeDtypeStruct((N, D_OUT), jnp.float32),
  )(agg2a, agg2b, dinv, W2, b2.reshape(1, -1), ln2_w.reshape(1, -1),
    ln2_b.reshape(1, -1), W3)

  agg3 = agg(xp2, srci, dsti)

  out = pl.pallas_call(
      _out_body,
      grid=(GRID,),
      in_specs=[_row_spec(D_OUT), _row_spec(1), _full_spec((1, D_OUT))],
      out_specs=_row_spec(D_OUT),
      out_shape=jax.ShapeDtypeStruct((N, D_OUT), jnp.float32),
  )(agg3, dinv, b3.reshape(1, -1))

  return out

# --- scband reference (transcript-rebuilt; emitter-appended) ---
"""Pipeline reference for scband-gcn-21990232555610 (READ-ONLY COPY).

The authoritative reference and input builder live on the scoring server;
editing this copy changes nothing except your own understanding.
"""

import jax, jax.numpy as jnp
import numpy as np

N_NODES = 10000
N_EDGES = 320000
D_IN, D_HID, D_OUT = 128, 256, 128


def gcn_conv(x, edge_index, W, b):
    # Faithful PyG GCNConv: add self loops, symmetric normalization, x @ W, scatter-add, + bias
    n = x.shape[0]
    src = edge_index[0]
    dst = edge_index[1]
    loop = jnp.arange(n, dtype=edge_index.dtype)
    src = jnp.concatenate([src, loop])
    dst = jnp.concatenate([dst, loop])
    deg = jnp.zeros((n,), jnp.float32).at[dst].add(1.0)
    dinv = jnp.where(deg > 0, jax.lax.rsqrt(deg), 0.0)
    norm = dinv[src] * dinv[dst]
    h = x @ W
    msg = h[src] * norm[:, None]
    out = jnp.zeros((n, W.shape[1]), jnp.float32).at[dst].add(msg)
    return out + b


def layer_norm(x, w, b, eps=1e-5):
    mu = jnp.mean(x, axis=-1, keepdims=True)
    var = jnp.var(x, axis=-1, keepdims=True)
    return (x - mu) * jax.lax.rsqrt(var + eps) * w + b


def setup_inputs(seed: int = 0) -> dict:
    key = jax.random.key(seed)
    ks = jax.random.split(key, 12)
    x = jax.random.normal(ks[0], (N_NODES, D_IN), jnp.float32)
    edge_index = jax.random.randint(ks[1], (2, N_EDGES), 0, N_NODES, jnp.int32)
    W1 = jax.random.normal(ks[2], (D_IN, D_HID), jnp.float32) * (1.0 / np.sqrt(D_IN))
    b1 = jnp.zeros((D_HID,), jnp.float32)
    ln1_w = jnp.ones((D_HID,), jnp.float32)
    ln1_b = jnp.zeros((D_HID,), jnp.float32)
    W2 = jax.random.normal(ks[3], (D_HID, D_HID), jnp.float32) * (1.0 / np.sqrt(D_HID))
    b2 = jnp.zeros((D_HID,), jnp.float32)
    ln2_w = jnp.ones((D_HID,), jnp.float32)
    ln2_b = jnp.zeros((D_HID,), jnp.float32)
    W3 = jax.random.normal(ks[4], (D_HID, D_OUT), jnp.float32) * (1.0 / np.sqrt(D_HID))
    b3 = jnp.zeros((D_OUT,), jnp.float32)
    return {"x": x, "edge_index": edge_index, "W1": W1, "b1": b1, "ln1_w": ln1_w, "ln1_b": ln1_b,
            "W2": W2, "b2": b2, "ln2_w": ln2_w, "ln2_b": ln2_b, "W3": W3, "b3": b3}


def reference(x, edge_index, W1, b1, ln1_w, ln1_b, W2, b2, ln2_w, ln2_b, W3, b3):
    # task='node', use_bn=True, L=3; dropout is identity in eval mode
    h = gcn_conv(x, edge_index, W1, b1)
    h = layer_norm(h, ln1_w, ln1_b)
    h = jax.nn.relu(h)
    h = gcn_conv(h, edge_index, W2, b2)
    h = layer_norm(h, ln2_w, ln2_b)
    h = jax.nn.relu(h)
    h = gcn_conv(h, edge_index, W3, b3)
    return h

if __name__ == "__main__":
    import jax
    _d = setup_inputs()
    print(jax.jit(kernel)(*tuple(_d.values())))

</pallas_src>

<mosaic_0001>
#map = affine_map<(d0, d1) -> (0, 0)>
#map1 = affine_map<(d0, d1) -> (0, 0, 0)>
module attributes {stable_mosaic.version = 14 : i64} {
  func.func @deg_kernel(%arg0: i32, %arg1: i32, %arg2: memref<128x128xf32, #tpu.memory_space<hbm>>, %arg3: memref<16x160x128xi32, #tpu.memory_space<hbm>>, %arg4: memref<10000x128xf32, #tpu.memory_space<hbm>>, %arg5: memref<160x128xi32, #tpu.memory_space<vmem>>, %arg6: memref<128x128xf32, #tpu.memory_space<vmem>>, %arg7: memref<5016x128xf32, #tpu.memory_space<vmem_shared>>) attributes {dimension_semantics = [#tpu.dimension_semantics<core_parallel>, #tpu.dimension_semantics<subcore_parallel>], iteration_bounds = array<i64: 2, 16>, scalar_prefetch = 0 : i64, scratch_operands = 3 : i64, tpu.core_type = #tpu.core_type<sc_vector_subcore>, window_params = [{transform_indices = #map}, {transform_indices = #map1}, {transform_indices = #map}]} {
    %mul3A = arith.constant 5000 : i32
    %mul3A_0 = arith.muli %arg0, %mul3A : i32
    "tpu.region"() ({
      %run_scoped3A = tpu.sem_alloc : memref<!tpu.dma_semaphore, #tpu.memory_space<semaphore_mem>>
      tpu.enqueue_dma source(%arg2 : memref<128x128xf32, #tpu.memory_space<hbm>>) target(%arg6 : memref<128x128xf32, #tpu.memory_space<vmem>>) target_semaphore(%run_scoped3A : memref<!tpu.dma_semaphore, #tpu.memory_space<semaphore_mem>>)
      tpu.wait_dma2 semaphore(%run_scoped3A : memref<!tpu.dma_semaphore, #tpu.memory_space<semaphore_mem>>) src(%arg2 : memref<128x128xf32, #tpu.memory_space<hbm>>) dst(%arg6 : memref<128x128xf32, #tpu.memory_space<vmem>>)
      tpu.yield
    }) : () -> ()
    "tpu.region"() ({
      %run_scoped3A = tpu.sem_alloc : memref<!tpu.dma_semaphore, #tpu.memory_space<semaphore_mem>>
      %dma_start3A = arith.constant 0 : i32
      %dma_start3A_27 = arith.constant 0 : i32
      %dma_start3A_28 = tpu.memref_slice %arg3[%arg1, %dma_start3A, %dma_start3A_27] : memref<16x160x128xi32, #tpu.memory_space<hbm>> -> memref<1x160x128xi32, #tpu.memory_space<hbm>>
      %dma_start3A_29 = tpu.memref_squeeze %dma_start3A_28 : memref<1x160x128xi32, #tpu.memory_space<hbm>> -> memref<160x128xi32, #tpu.memory_space<hbm>>
      %dma_start3A_30 = arith.constant 0 : i32
      %dma_start3A_31 = arith.constant 0 : i32
      %dma_start3A_32 = tpu.memref_slice %arg3[%arg1, %dma_start3A_30, %dma_start3A_31] : memref<16x160x128xi32, #tpu.memory_space<hbm>> -> memref<1x160x128xi32, #tpu.memory_space<hbm>>
      %dma_start3A_33 = tpu.memref_squeeze %dma_start3A_32 : memref<1x160x128xi32, #tpu.memory_space<hbm>> -> memref<160x128xi32, #tpu.memory_space<hbm>>
      tpu.enqueue_dma source(%dma_start3A_33 : memref<160x128xi32, #tpu.memory_space<hbm>>) target(%arg5 : memref<160x128xi32, #tpu.memory_space<vmem>>) target_semaphore(%run_scoped3A : memref<!tpu.dma_semaphore, #tpu.memory_space<semaphore_mem>>)
      %dma_wait3A = arith.constant 0 : i32
      %dma_wait3A_34 = arith.constant 0 : i32
      %dma_wait3A_35 = tpu.memref_slice %arg3[%arg1, %dma_wait3A, %dma_wait3A_34] : memref<16x160x128xi32, #tpu.memory_space<hbm>> -> memref<1x160x128xi32, #tpu.memory_space<hbm>>
      %dma_wait3A_36 = tpu.memref_squeeze %dma_wait3A_35 : memref<1x160x128xi32, #tpu.memory_space<hbm>> -> memref<160x128xi32, #tpu.memory_space<hbm>>
      %dma_wait3A_37 = arith.constant 0 : i32
      %dma_wait3A_38 = arith.constant 0 : i32
      %dma_wait3A_39 = tpu.memref_slice %arg3[%arg1, %dma_wait3A_37, %dma_wait3A_38] : memref<16x160x128xi32, #tpu.memory_space<hbm>> -> memref<1x160x128xi32, #tpu.memory_space<hbm>>
      %dma_wait3A_40 = tpu.memref_squeeze %dma_wait3A_39 : memref<1x160x128xi32, #tpu.memory_space<hbm>> -> memref<160x128xi32, #tpu.memory_space<hbm>>
      tpu.wait_dma2 semaphore(%run_scoped3A : memref<!tpu.dma_semaphore, #tpu.memory_space<semaphore_mem>>) src(%dma_wait3A_40 : memref<160x128xi32, #tpu.memory_space<hbm>>) dst(%arg5 : memref<160x128xi32, #tpu.memory_space<vmem>>)
      tpu.yield
    }) : () -> ()
    %add3A = arith.constant 5000 : i32
    %add3A_1 = arith.addi %add3A, %arg1 : i32
    %broadcast_in_dim3A = vector.broadcast %add3A_1 : i32 to vector<16xi32>
    %broadcast_in_dim3A_2 = vector.broadcast %mul3A_0 : i32 to vector<16xi32>
    %scan3A = arith.constant 0 : i32
    %scan3A_3 = arith.constant 1280 : i32
    %scan3A_4 = arith.addi %scan3A, %scan3A_3 : i32
    %scan3A_5 = arith.constant 1 : i32
    scf.for %scan3A_27 = %scan3A to %scan3A_4 step %scan3A_5  : i32 {
      %jit3A = arith.constant 8 : i32
      %div3A = arith.divsi %scan3A_27, %jit3A : i32
      %sign3A = arith.constant 0 : i32
      %sign3A_28 = arith.cmpi sgt, %scan3A_27, %sign3A : i32
      %sign3A_29 = arith.extui %sign3A_28 : i1 to i32
      %sign3A_30 = arith.constant 0 : i32
      %sign3A_31 = arith.cmpi slt, %scan3A_27, %sign3A_30 : i32
      %sign3A_32 = arith.extui %sign3A_31 : i1 to i32
      %sign3A_33 = arith.subi %sign3A_29, %sign3A_32 : i32
      %sign3A_34 = arith.constant 0 : i32
      %sign3A_35 = arith.cmpi sgt, %jit3A, %sign3A_34 : i32
      %sign3A_36 = arith.extui %sign3A_35 : i1 to i32
      %sign3A_37 = arith.constant 0 : i32
      %sign3A_38 = arith.cmpi slt, %jit3A, %sign3A_37 : i32
      %sign3A_39 = arith.extui %sign3A_38 : i1 to i32
      %sign3A_40 = arith.subi %sign3A_36, %sign3A_39 : i32
      %ne3A = arith.cmpi ne, %sign3A_33, %sign3A_40 : i32
      %rem3A = arith.remsi %scan3A_27, %jit3A : i32
      %ne3A_41 = arith.constant 0 : i32
      %ne3A_42 = arith.cmpi ne, %rem3A, %ne3A_41 : i32
      %and3A = arith.andi %ne3A, %ne3A_42 : i1
      %sub3A = arith.constant 1 : i32
      %sub3A_43 = arith.subi %div3A, %sub3A : i32
      %select_n3A = arith.select %and3A, %sub3A_43, %div3A : i32
      %jit3A_44 = arith.constant 8 : i32
      %eq3A_45 = arith.constant 0 : i32
      %eq3A_46 = arith.cmpi eq, %jit3A_44, %eq3A_45 : i32
      %jit3A_47 = arith.constant 1 : i32
      %select_n3A_48 = arith.select %eq3A_46, %jit3A_47, %jit3A_44 : i32
      %rem3A_49 = arith.remsi %scan3A_27, %select_n3A_48 : i32
      %ne3A_50 = arith.constant 0 : i32
      %ne3A_51 = arith.cmpi ne, %rem3A_49, %ne3A_50 : i32
      %lt3A = arith.constant 0 : i32
      %lt3A_52 = arith.cmpi slt, %rem3A_49, %lt3A : i32
      %lt3A_53 = arith.constant 0 : i32
      %lt3A_54 = arith.cmpi slt, %select_n3A_48, %lt3A_53 : i32
      %ne3A_55 = arith.xori %lt3A_52, %lt3A_54 : i1
      %and3A_56 = arith.andi %ne3A_55, %ne3A_51 : i1
      %add3A_57 = arith.addi %rem3A_49, %select_n3A_48 : i32
      %select_n3A_58 = arith.select %and3A_56, %add3A_57, %rem3A_49 : i32
      %mul3A_59 = arith.constant 16 : i32
      %mul3A_60 = arith.muli %select_n3A_58, %mul3A_59 : i32
      %get3A = arith.index_cast %select_n3A : i32 to index
      %get3A_61 = arith.index_cast %mul3A_60 : i32 to index
      %get3A_62 = tpu.vector_load %arg5[%get3A, %get3A_61] {strides = array<i32>} : memref<160x128xi32, #tpu.memory_space<vmem>>, vector<1x16xi32>,
      %get3A_63 = vector.shape_cast %get3A_62 : vector<1x16xi32> to vector<16xi32>
      %sub3A_64 = arith.subi %get3A_63, %broadcast_in_dim3A_2 : vector<16xi32>
      %ge3A = arith.constant 0 : i32
      %ge3A_65 = vector.broadcast %ge3A : i32 to vector<16xi32>
      %ge3A_66 = arith.cmpi sge, %sub3A_64, %ge3A_65 : vector<16xi32>
      %lt3A_67 = arith.constant 5000 : i32
      %lt3A_68 = vector.broadcast %lt3A_67 : i32 to vector<16xi32>
      %lt3A_69 = arith.cmpi slt, %sub3A_64, %lt3A_68 : vector<16xi32>
      %and3A_70 = arith.andi %ge3A_66, %lt3A_69 : vector<16xi1>
      %select_n3A_71 = arith.select %and3A_70, %sub3A_64, %broadcast_in_dim3A : vector<16xi1>, vector<16xi32>
      %swap3A = arith.index_cast %select_n3A : i32 to index
      %swap3A_72 = arith.index_cast %mul3A_60 : i32 to index
      %swap3A_73 = tpu.vector_load %arg5[%swap3A, %swap3A_72] {strides = array<i32>} : memref<160x128xi32, #tpu.memory_space<vmem>>, vector<1x16xi32>,
      %swap3A_74 = vector.shape_cast %swap3A_73 : vector<1x16xi32> to vector<16xi32>
      %swap3A_75 = vector.shape_cast %select_n3A_71 : vector<16xi32> to vector<1x16xi32>
      tpu.vector_store %arg5[%swap3A, %swap3A_72], %swap3A_75 {strides = array<i32>} : memref<160x128xi32, #tpu.memory_space<vmem>>, vector<1x16xi32>,
    }
    %scan3A_6 = arith.constant 1280 : i32
    %mul3A_7 = arith.constant 312 : i32
    %mul3A_8 = arith.muli %arg1, %mul3A_7 : i32
    "tpu.region"() ({
      %run_scoped3A = tpu.sem_alloc : memref<!tpu.dma_semaphore, #tpu.memory_space<semaphore_mem>>
      %dma_start3A = arith.constant 0 : i32
      %dma_start3A_27 = tpu.memref_slice %arg7[%mul3A_8, %dma_start3A] : memref<5016x128xf32, #tpu.memory_space<vmem_shared>> -> memref<128x128xf32, #tpu.memory_space<vmem_shared>>
      %dma_start3A_28 = arith.constant 0 : i32
      %dma_start3A_29 = tpu.memref_slice %arg7[%mul3A_8, %dma_start3A_28] : memref<5016x128xf32, #tpu.memory_space<vmem_shared>> -> memref<128x128xf32, #tpu.memory_space<vmem_shared>>
      tpu.enqueue_dma source(%arg6 : memref<128x128xf32, #tpu.memory_space<vmem>>) target(%dma_start3A_29 : memref<128x128xf32, #tpu.memory_space<vmem_shared>>) target_semaphore(%run_scoped3A : memref<!tpu.dma_semaphore, #tpu.memory_space<semaphore_mem>>)
      %dma_wait3A = arith.constant 0 : i32
      %dma_wait3A_30 = tpu.memref_slice %arg7[%mul3A_8, %dma_wait3A] : memref<5016x128xf32, #tpu.memory_space<vmem_shared>> -> memref<128x128xf32, #tpu.memory_space<vmem_shared>>
      %dma_wait3A_31 = arith.constant 0 : i32
      %dma_wait3A_32 = tpu.memref_slice %arg7[%mul3A_8, %dma_wait3A_31] : memref<5016x128xf32, #tpu.memory_space<vmem_shared>> -> memref<128x128xf32, #tpu.memory_space<vmem_shared>>
      tpu.wait_dma2 semaphore(%run_scoped3A : memref<!tpu.dma_semaphore, #tpu.memory_space<semaphore_mem>>) src(%arg6 : memref<128x128xf32, #tpu.memory_space<vmem>>) dst(%dma_wait3A_32 : memref<128x128xf32, #tpu.memory_space<vmem_shared>>)
      tpu.yield
    }) : () -> ()
    %add3A_9 = arith.constant 128 : i32
    %add3A_10 = arith.addi %mul3A_8, %add3A_9 : i32
    "tpu.region"() ({
      %run_scoped3A = tpu.sem_alloc : memref<!tpu.dma_semaphore, #tpu.memory_space<semaphore_mem>>
      %dma_start3A = arith.constant 0 : i32
      %dma_start3A_27 = tpu.memref_slice %arg7[%add3A_10, %dma_start3A] : memref<5016x128xf32, #tpu.memory_space<vmem_shared>> -> memref<128x128xf32, #tpu.memory_space<vmem_shared>>
      %dma_start3A_28 = arith.constant 0 : i32
      %dma_start3A_29 = tpu.memref_slice %arg7[%add3A_10, %dma_start3A_28] : memref<5016x128xf32, #tpu.memory_space<vmem_shared>> -> memref<128x128xf32, #tpu.memory_space<vmem_shared>>
      tpu.enqueue_dma source(%arg6 : memref<128x128xf32, #tpu.memory_space<vmem>>) target(%dma_start3A_29 : memref<128x128xf32, #tpu.memory_space<vmem_shared>>) target_semaphore(%run_scoped3A : memref<!tpu.dma_semaphore, #tpu.memory_space<semaphore_mem>>)
      %dma_wait3A = arith.constant 0 : i32
      %dma_wait3A_30 = tpu.memref_slice %arg7[%add3A_10, %dma_wait3A] : memref<5016x128xf32, #tpu.memory_space<vmem_shared>> -> memref<128x128xf32, #tpu.memory_space<vmem_shared>>
      %dma_wait3A_31 = arith.constant 0 : i32
      %dma_wait3A_32 = tpu.memref_slice %arg7[%add3A_10, %dma_wait3A_31] : memref<5016x128xf32, #tpu.memory_space<vmem_shared>> -> memref<128x128xf32, #tpu.memory_space<vmem_shared>>
      tpu.wait_dma2 semaphore(%run_scoped3A : memref<!tpu.dma_semaphore, #tpu.memory_space<semaphore_mem>>) src(%arg6 : memref<128x128xf32, #tpu.memory_space<vmem>>) dst(%dma_wait3A_32 : memref<128x128xf32, #tpu.memory_space<vmem_shared>>)
      tpu.yield
    }) : () -> ()
    %add3A_11 = arith.constant 256 : i32
    %add3A_12 = arith.addi %mul3A_8, %add3A_11 : i32
    "tpu.region"() ({
      %run_scoped3A = tpu.sem_alloc : memref<!tpu.dma_semaphore, #tpu.memory_space<semaphore_mem>>
      %dma_start3A = arith.constant 0 : i32
      %dma_start3A_27 = arith.constant 0 : i32
      %dma_start3A_28 = tpu.memref_slice %arg6[%dma_start3A, %dma_start3A_27] : memref<128x128xf32, #tpu.memory_space<vmem>> -> memref<56x128xf32, #tpu.memory_space<vmem>>
      %dma_start3A_29 = arith.constant 0 : i32
      %dma_start3A_30 = tpu.memref_slice %arg7[%add3A_12, %dma_start3A_29] : memref<5016x128xf32, #tpu.memory_space<vmem_shared>> -> memref<56x128xf32, #tpu.memory_space<vmem_shared>>
      %dma_start3A_31 = arith.constant 0 : i32
      %dma_start3A_32 = tpu.memref_slice %arg7[%add3A_12, %dma_start3A_31] : memref<5016x128xf32, #tpu.memory_space<vmem_shared>> -> memref<56x128xf32, #tpu.memory_space<vmem_shared>>
      %dma_start3A_33 = arith.constant 0 : i32
      %dma_start3A_34 = arith.constant 0 : i32
      %dma_start3A_35 = tpu.memref_slice %arg6[%dma_start3A_33, %dma_start3A_34] : memref<128x128xf32, #tpu.memory_space<vmem>> -> memref<56x128xf32, #tpu.memory_space<vmem>>
      tpu.enqueue_dma source(%dma_start3A_35 : memref<56x128xf32, #tpu.memory_space<vmem>>) target(%dma_start3A_32 : memref<56x128xf32, #tpu.memory_space<vmem_shared>>) target_semaphore(%run_scoped3A : memref<!tpu.dma_semaphore, #tpu.memory_space<semaphore_mem>>)
      %dma_wait3A = arith.constant 0 : i32
      %dma_wait3A_36 = arith.constant 0 : i32
      %dma_wait3A_37 = tpu.memref_slice %arg6[%dma_wait3A, %dma_wait3A_36] : memref<128x128xf32, #tpu.memory_space<vmem>> -> memref<56x128xf32, #tpu.memory_space<vmem>>
      %dma_wait3A_38 = arith.constant 0 : i32
      %dma_wait3A_39 = tpu.memref_slice %arg7[%add3A_12, %dma_wait3A_38] : memref<5016x128xf32, #tpu.memory_space<vmem_shared>> -> memref<56x128xf32, #tpu.memory_space<vmem_shared>>
      %dma_wait3A_40 = arith.constant 0 : i32
      %dma_wait3A_41 = tpu.memref_slice %arg7[%add3A_12, %dma_wait3A_40] : memref<5016x128xf32, #tpu.memory_space<vmem_shared>> -> memref<56x128xf32, #tpu.memory_space<vmem_shared>>
      %dma_wait3A_42 = arith.constant 0 : i32
      %dma_wait3A_43 = arith.constant 0 : i32
      %dma_wait3A_44 = tpu.memref_slice %arg6[%dma_wait3A_42, %dma_wait3A_43] : memref<128x128xf32, #tpu.memory_space<vmem>> -> memref<56x128xf32, #tpu.memory_space<vmem>>
      tpu.wait_dma2 semaphore(%run_scoped3A : memref<!tpu.dma_semaphore, #tpu.memory_space<semaphore_mem>>) src(%dma_wait3A_44 : memref<56x128xf32, #tpu.memory_space<vmem>>) dst(%dma_wait3A_41 : memref<56x128xf32, #tpu.memory_space<vmem_shared>>)
      tpu.yield
    }) : () -> ()
    %eq3A = arith.constant 0 : i32
    %eq3A_13 = arith.cmpi eq, %arg1, %eq3A : i32
    %convert_element_type3A = arith.extui %eq3A_13 : i1 to i32
    %cond3A = arith.constant 0 : i32
    %cond3A_14 = arith.cmpi ne, %convert_element_type3A, %cond3A : i32
    scf.if %cond3A_14 {
      "tpu.region"() ({
        %run_scoped3A = tpu.sem_alloc : memref<!tpu.dma_semaphore, #tpu.memory_space<semaphore_mem>>
        %dma_start3A = arith.constant 0 : i32
        %dma_start3A_27 = arith.constant 0 : i32
        %dma_start3A_28 = tpu.memref_slice %arg6[%dma_start3A, %dma_start3A_27] : memref<128x128xf32, #tpu.memory_space<vmem>> -> memref<8x128xf32, #tpu.memory_space<vmem>>
        %dma_start3A_29 = arith.constant 4992 : i32
        %dma_start3A_30 = arith.constant 0 : i32
        %dma_start3A_31 = tpu.memref_slice %arg7[%dma_start3A_29, %dma_start3A_30] : memref<5016x128xf32, #tpu.memory_space<vmem_shared>> -> memref<8x128xf32, #tpu.memory_space<vmem_shared>>
        %dma_start3A_32 = arith.constant 4992 : i32
        %dma_start3A_33 = arith.constant 0 : i32
        %dma_start3A_34 = tpu.memref_slice %arg7[%dma_start3A_32, %dma_start3A_33] : memref<5016x128xf32, #tpu.memory_space<vmem_shared>> -> memref<8x128xf32, #tpu.memory_space<vmem_shared>>
        %dma_start3A_35 = arith.constant 0 : i32
        %dma_start3A_36 = arith.constant 0 : i32
        %dma_start3A_37 = tpu.memref_slice %arg6[%dma_start3A_35, %dma_start3A_36] : memref<128x128xf32, #tpu.memory_space<vmem>> -> memref<8x128xf32, #tpu.memory_space<vmem>>
        tpu.enqueue_dma source(%dma_start3A_37 : memref<8x128xf32, #tpu.memory_space<vmem>>) target(%dma_start3A_34 : memref<8x128xf32, #tpu.memory_space<vmem_shared>>) target_semaphore(%run_scoped3A : memref<!tpu.dma_semaphore, #tpu.memory_space<semaphore_mem>>)
        %dma_wait3A = arith.constant 0 : i32
        %dma_wait3A_38 = arith.constant 0 : i32
        %dma_wait3A_39 = tpu.memref_slice %arg6[%dma_wait3A, %dma_wait3A_38] : memref<128x128xf32, #tpu.memory_space<vmem>> -> memref<8x128xf32, #tpu.memory_space<vmem>>
        %dma_wait3A_40 = arith.constant 4992 : i32
        %dma_wait3A_41 = arith.constant 0 : i32
        %dma_wait3A_42 = tpu.memref_slice %arg7[%dma_wait3A_40, %dma_wait3A_41] : memref<5016x128xf32, #tpu.memory_space<vmem_shared>> -> memref<8x128xf32, #tpu.memory_space<vmem_shared>>
        %dma_wait3A_43 = arith.constant 4992 : i32
        %dma_wait3A_44 = arith.constant 0 : i32
        %dma_wait3A_45 = tpu.memref_slice %arg7[%dma_wait3A_43, %dma_wait3A_44] : memref<5016x128xf32, #tpu.memory_space<vmem_shared>> -> memref<8x128xf32, #tpu.memory_space<vmem_shared>>
        %dma_wait3A_46 = arith.constant 0 : i32
        %dma_wait3A_47 = arith.constant 0 : i32
        %dma_wait3A_48 = tpu.memref_slice %arg6[%dma_wait3A_46, %dma_wait3A_47] : memref<128x128xf32, #tpu.memory_space<vmem>> -> memref<8x128xf32, #tpu.memory_space<vmem>>
        tpu.wait_dma2 semaphore(%run_scoped3A : memref<!tpu.dma_semaphore, #tpu.memory_space<semaphore_mem>>) src(%dma_wait3A_48 : memref<8x128xf32, #tpu.memory_space<vmem>>) dst(%dma_wait3A_45 : memref<8x128xf32, #tpu.memory_space<vmem_shared>>)
        tpu.yield
      }) : () -> ()
    } else {
    }
    %barrier3A = arith.constant 0 : index
    tpu.barrier barrier_id(%barrier3A)
    %scan3A_15 = arith.constant 0 : i32
    %scan3A_16 = arith.constant 160 : i32
    %scan3A_17 = arith.addi %scan3A_15, %scan3A_16 : i32
    %scan3A_18 = arith.constant 1 : i32
    scf.for %scan3A_27 = %scan3A_15 to %scan3A_17 step %scan3A_18  : i32 {
      "tpu.region"() ({
        %run_scoped3A = tpu.sem_alloc : memref<!tpu.dma_semaphore, #tpu.memory_space<semaphore_mem>>
        %dma_start3A = arith.constant 0 : i32
        %dma_start3A_28 = tpu.memref_slice %arg5[%scan3A_27, %dma_start3A] : memref<160x128xi32, #tpu.memory_space<vmem>> -> memref<1x128xi32, #tpu.memory_space<vmem>>
        %dma_start3A_29 = tpu.memref_squeeze %dma_start3A_28 : memref<1x128xi32, #tpu.memory_space<vmem>> -> memref<128xi32, #tpu.memory_space<vmem>>
        %dma_start3A_30 = arith.constant 0 : i32
        %dma_start3A_31 = arith.constant 0 : i32
        %dma_start3A_32 = tpu.memref_slice %arg7[%dma_start3A_30, %dma_start3A_31] : memref<5016x128xf32, #tpu.memory_space<vmem_shared>> -> memref<5016x128xf32, #tpu.memory_space<vmem_shared>>
        tpu.enqueue_indirect_dma source(%arg6 : memref<128x128xf32, #tpu.memory_space<vmem>>) target(%dma_start3A_32 : memref<5016x128xf32, #tpu.memory_space<vmem_shared>>) offsets(%dma_start3A_29 : memref<128xi32, #tpu.memory_space<vmem>>) semaphore(%run_scoped3A : memref<!tpu.dma_semaphore, #tpu.memory_space<semaphore_mem>>) {add = true}
        %dma_wait3A = arith.constant 0 : i32
        %dma_wait3A_33 = tpu.memref_slice %arg5[%scan3A_27, %dma_wait3A] : memref<160x128xi32, #tpu.memory_space<vmem>> -> memref<1x128xi32, #tpu.memory_space<vmem>>
        %dma_wait3A_34 = tpu.memref_squeeze %dma_wait3A_33 : memref<1x128xi32, #tpu.memory_space<vmem>> -> memref<128xi32, #tpu.memory_space<vmem>>
        %dma_wait3A_35 = arith.constant 0 : i32
        %dma_wait3A_36 = arith.constant 0 : i32
        %dma_wait3A_37 = tpu.memref_slice %arg7[%dma_wait3A_35, %dma_wait3A_36] : memref<5016x128xf32, #tpu.memory_space<vmem_shared>> -> memref<5016x128xf32, #tpu.memory_space<vmem_shared>>
        tpu.wait_indirect_dma semaphore(%run_scoped3A : memref<!tpu.dma_semaphore, #tpu.memory_space<semaphore_mem>>) src(%arg6 : memref<128x128xf32, #tpu.memory_space<vmem>>) dst(%dma_wait3A_37 : memref<5016x128xf32, #tpu.memory_space<vmem_shared>>)
        tpu.yield
      }) : () -> ()
    }
    %scan3A_19 = arith.constant 160 : i32
    %barrier3A_20 = arith.constant 0 : index
    tpu.barrier barrier_id(%barrier3A_20)
    %add3A_21 = arith.addi %mul3A_0, %mul3A_8 : i32
    "tpu.region"() ({
      %run_scoped3A = tpu.sem_alloc : memref<!tpu.dma_semaphore, #tpu.memory_space<semaphore_mem>>
      %dma_start3A = arith.constant 0 : i32
      %dma_start3A_27 = tpu.memref_slice %arg4[%add3A_21, %dma_start3A] : memref<10000x128xf32, #tpu.memory_space<hbm>> -> memref<312x128xf32, #tpu.memory_space<hbm>>
      %dma_start3A_28 = arith.constant 0 : i32
      %dma_start3A_29 = tpu.memref_slice %arg7[%mul3A_8, %dma_start3A_28] : memref<5016x128xf32, #tpu.memory_space<vmem_shared>> -> memref<312x128xf32, #tpu.memory_space<vmem_shared>>
      tpu.enqueue_dma source(%dma_start3A_29 : memref<312x128xf32, #tpu.memory_space<vmem_shared>>) target(%dma_start3A_27 : memref<312x128xf32, #tpu.memory_space<hbm>>) target_semaphore(%run_scoped3A : memref<!tpu.dma_semaphore, #tpu.memory_space<semaphore_mem>>)
      %dma_wait3A = arith.constant 0 : i32
      %dma_wait3A_30 = tpu.memref_slice %arg4[%add3A_21, %dma_wait3A] : memref<10000x128xf32, #tpu.memory_space<hbm>> -> memref<312x128xf32, #tpu.memory_space<hbm>>
      %dma_wait3A_31 = arith.constant 0 : i32
      %dma_wait3A_32 = tpu.memref_slice %arg7[%mul3A_8, %dma_wait3A_31] : memref<5016x128xf32, #tpu.memory_space<vmem_shared>> -> memref<312x128xf32, #tpu.memory_space<vmem_shared>>
      tpu.wait_dma2 semaphore(%run_scoped3A : memref<!tpu.dma_semaphore, #tpu.memory_space<semaphore_mem>>) src(%dma_wait3A_32 : memref<312x128xf32, #tpu.memory_space<vmem_shared>>) dst(%dma_wait3A_30 : memref<312x128xf32, #tpu.memory_space<hbm>>)
      tpu.yield
    }) : () -> ()
    %eq3A_22 = arith.constant 0 : i32
    %eq3A_23 = arith.cmpi eq, %arg1, %eq3A_22 : i32
    %convert_element_type3A_24 = arith.extui %eq3A_23 : i1 to i32
    %cond3A_25 = arith.constant 0 : i32
    %cond3A_26 = arith.cmpi ne, %convert_element_type3A_24, %cond3A_25 : i32
    scf.if %cond3A_26 {
      %add3A_27 = arith.constant 4992 : i32
      %add3A_28 = arith.addi %mul3A_0, %add3A_27 : i32
      "tpu.region"() ({
        %run_scoped3A = tpu.sem_alloc : memref<!tpu.dma_semaphore, #tpu.memory_space<semaphore_mem>>
        %dma_start3A = arith.constant 0 : i32
        %dma_start3A_29 = tpu.memref_slice %arg4[%add3A_28, %dma_start3A] : memref<10000x128xf32, #tpu.memory_space<hbm>> -> memref<8x128xf32, #tpu.memory_space<hbm>>
        %dma_start3A_30 = arith.constant 4992 : i32
        %dma_start3A_31 = arith.constant 0 : i32
        %dma_start3A_32 = tpu.memref_slice %arg7[%dma_start3A_30, %dma_start3A_31] : memref<5016x128xf32, #tpu.memory_space<vmem_shared>> -> memref<8x128xf32, #tpu.memory_space<vmem_shared>>
        tpu.enqueue_dma source(%dma_start3A_32 : memref<8x128xf32, #tpu.memory_space<vmem_shared>>) target(%dma_start3A_29 : memref<8x128xf32, #tpu.memory_space<hbm>>) target_semaphore(%run_scoped3A : memref<!tpu.dma_semaphore, #tpu.memory_space<semaphore_mem>>)
        %dma_wait3A = arith.constant 0 : i32
        %dma_wait3A_33 = tpu.memref_slice %arg4[%add3A_28, %dma_wait3A] : memref<10000x128xf32, #tpu.memory_space<hbm>> -> memref<8x128xf32, #tpu.memory_space<hbm>>
        %dma_wait3A_34 = arith.constant 4992 : i32
        %dma_wait3A_35 = arith.constant 0 : i32
        %dma_wait3A_36 = tpu.memref_slice %arg7[%dma_wait3A_34, %dma_wait3A_35] : memref<5016x128xf32, #tpu.memory_space<vmem_shared>> -> memref<8x128xf32, #tpu.memory_space<vmem_shared>>
        tpu.wait_dma2 semaphore(%run_scoped3A : memref<!tpu.dma_semaphore, #tpu.memory_space<semaphore_mem>>) src(%dma_wait3A_36 : memref<8x128xf32, #tpu.memory_space<vmem_shared>>) dst(%dma_wait3A_33 : memref<8x128xf32, #tpu.memory_space<hbm>>)
        tpu.yield
      }) : () -> ()
    } else {
    }
    return
  }
}

#map = affine_map<(d0, d1) -> (0, 0)>
#map1 = affine_map<(d0, d1) -> (0, 0, 0)>
module attributes {stable_mosaic.version = 14 : i64} {
  func.func @agg_kernel(%arg0: i32, %arg1: i32, %arg2: memref<10000x128xf32, #tpu.memory_space<hbm>>, %arg3: memref<16x160x128xi32, #tpu.memory_space<hbm>>, %arg4: memref<16x160x128xi32, #tpu.memory_space<hbm>>, %arg5: memref<10000x128xf32, #tpu.memory_space<hbm>>, %arg6: memref<160x128xi32, #tpu.memory_space<vmem>>, %arg7: memref<160x128xi32, #tpu.memory_space<vmem>>, %arg8: memref<2x128x128xf32, #tpu.memory_space<vmem>>, %arg9: memref<5016x128xf32, #tpu.memory_space<vmem_shared>>, %arg10: memref<!tpu.dma_semaphore, #tpu.memory_space<semaphore_mem>>, %arg11: memref<!tpu.dma_semaphore, #tpu.memory_space<semaphore_mem>>) attributes {dimension_semantics = [#tpu.dimension_semantics<core_parallel>, #tpu.dimension_semantics<subcore_parallel>], iteration_bounds = array<i64: 2, 16>, scalar_prefetch = 0 : i64, scratch_operands = 6 : i64, tpu.core_type = #tpu.core_type<sc_vector_subcore>, window_params = [{transform_indices = #map}, {transform_indices = #map1}, {transform_indices = #map1}, {transform_indices = #map}]} {
    %mul3A = arith.constant 5000 : i32
    %mul3A_0 = arith.muli %arg0, %mul3A : i32
    "tpu.region"() ({
      %run_scoped3A = tpu.sem_alloc : memref<!tpu.dma_semaphore, #tpu.memory_space<semaphore_mem>>
      %dma_start3A_53 = arith.constant 0 : i32
      %dma_start3A_54 = arith.constant 0 : i32
      %dma_start3A_55 = tpu.memref_slice %arg3[%arg1, %dma_start3A_53, %dma_start3A_54] : memref<16x160x128xi32, #tpu.memory_space<hbm>> -> memref<1x160x128xi32, #tpu.memory_space<hbm>>
      %dma_start3A_56 = tpu.memref_squeeze %dma_start3A_55 : memref<1x160x128xi32, #tpu.memory_space<hbm>> -> memref<160x128xi32, #tpu.memory_space<hbm>>
      %dma_start3A_57 = arith.constant 0 : i32
      %dma_start3A_58 = arith.constant 0 : i32
      %dma_start3A_59 = tpu.memref_slice %arg3[%arg1, %dma_start3A_57, %dma_start3A_58] : memref<16x160x128xi32, #tpu.memory_space<hbm>> -> memref<1x160x128xi32, #tpu.memory_space<hbm>>
      %dma_start3A_60 = tpu.memref_squeeze %dma_start3A_59 : memref<1x160x128xi32, #tpu.memory_space<hbm>> -> memref<160x128xi32, #tpu.memory_space<hbm>>
      tpu.enqueue_dma source(%dma_start3A_60 : memref<160x128xi32, #tpu.memory_space<hbm>>) target(%arg6 : memref<160x128xi32, #tpu.memory_space<vmem>>) target_semaphore(%run_scoped3A : memref<!tpu.dma_semaphore, #tpu.memory_space<semaphore_mem>>)
      %dma_wait3A = arith.constant 0 : i32
      %dma_wait3A_61 = arith.constant 0 : i32
      %dma_wait3A_62 = tpu.memref_slice %arg3[%arg1, %dma_wait3A, %dma_wait3A_61] : memref<16x160x128xi32, #tpu.memory_space<hbm>> -> memref<1x160x128xi32, #tpu.memory_space<hbm>>
      %dma_wait3A_63 = tpu.memref_squeeze %dma_wait3A_62 : memref<1x160x128xi32, #tpu.memory_space<hbm>> -> memref<160x128xi32, #tpu.memory_space<hbm>>
      %dma_wait3A_64 = arith.constant 0 : i32
      %dma_wait3A_65 = arith.constant 0 : i32
      %dma_wait3A_66 = tpu.memref_slice %arg3[%arg1, %dma_wait3A_64, %dma_wait3A_65] : memref<16x160x128xi32, #tpu.memory_space<hbm>> -> memref<1x160x128xi32, #tpu.memory_space<hbm>>
      %dma_wait3A_67 = tpu.memref_squeeze %dma_wait3A_66 : memref<1x160x128xi32, #tpu.memory_space<hbm>> -> memref<160x128xi32, #tpu.memory_space<hbm>>
      tpu.wait_dma2 semaphore(%run_scoped3A : memref<!tpu.dma_semaphore, #tpu.memory_space<semaphore_mem>>) src(%dma_wait3A_67 : memref<160x128xi32, #tpu.memory_space<hbm>>) dst(%arg6 : memref<160x128xi32, #tpu.memory_space<vmem>>)
      tpu.yield
    }) : () -> ()
    "tpu.region"() ({
      %run_scoped3A = tpu.sem_alloc : memref<!tpu.dma_semaphore, #tpu.memory_space<semaphore_mem>>
      %dma_start3A_53 = arith.constant 0 : i32
      %dma_start3A_54 = arith.constant 0 : i32
      %dma_start3A_55 = tpu.memref_slice %arg4[%arg1, %dma_start3A_53, %dma_start3A_54] : memref<16x160x128xi32, #tpu.memory_space<hbm>> -> memref<1x160x128xi32, #tpu.memory_space<hbm>>
      %dma_start3A_56 = tpu.memref_squeeze %dma_start3A_55 : memref<1x160x128xi32, #tpu.memory_space<hbm>> -> memref<160x128xi32, #tpu.memory_space<hbm>>
      %dma_start3A_57 = arith.constant 0 : i32
      %dma_start3A_58 = arith.constant 0 : i32
      %dma_start3A_59 = tpu.memref_slice %arg4[%arg1, %dma_start3A_57, %dma_start3A_58] : memref<16x160x128xi32, #tpu.memory_space<hbm>> -> memref<1x160x128xi32, #tpu.memory_space<hbm>>
      %dma_start3A_60 = tpu.memref_squeeze %dma_start3A_59 : memref<1x160x128xi32, #tpu.memory_space<hbm>> -> memref<160x128xi32, #tpu.memory_space<hbm>>
      tpu.enqueue_dma source(%dma_start3A_60 : memref<160x128xi32, #tpu.memory_space<hbm>>) target(%arg7 : memref<160x128xi32, #tpu.memory_space<vmem>>) target_semaphore(%run_scoped3A : memref<!tpu.dma_semaphore, #tpu.memory_space<semaphore_mem>>)
      %dma_wait3A = arith.constant 0 : i32
      %dma_wait3A_61 = arith.constant 0 : i32
      %dma_wait3A_62 = tpu.memref_slice %arg4[%arg1, %dma_wait3A, %dma_wait3A_61] : memref<16x160x128xi32, #tpu.memory_space<hbm>> -> memref<1x160x128xi32, #tpu.memory_space<hbm>>
      %dma_wait3A_63 = tpu.memref_squeeze %dma_wait3A_62 : memref<1x160x128xi32, #tpu.memory_space<hbm>> -> memref<160x128xi32, #tpu.memory_space<hbm>>
      %dma_wait3A_64 = arith.constant 0 : i32
      %dma_wait3A_65 = arith.constant 0 : i32
      %dma_wait3A_66 = tpu.memref_slice %arg4[%arg1, %dma_wait3A_64, %dma_wait3A_65] : memref<16x160x128xi32, #tpu.memory_space<hbm>> -> memref<1x160x128xi32, #tpu.memory_space<hbm>>
      %dma_wait3A_67 = tpu.memref_squeeze %dma_wait3A_66 : memref<1x160x128xi32, #tpu.memory_space<hbm>> -> memref<160x128xi32, #tpu.memory_space<hbm>>
      tpu.wait_dma2 semaphore(%run_scoped3A : memref<!tpu.dma_semaphore, #tpu.memory_space<semaphore_mem>>) src(%dma_wait3A_67 : memref<160x128xi32, #tpu.memory_space<hbm>>) dst(%arg7 : memref<160x128xi32, #tpu.memory_space<vmem>>)
      tpu.yield
    }) : () -> ()
    %add3A = arith.constant 5000 : i32
    %add3A_1 = arith.addi %add3A, %arg1 : i32
    %broadcast_in_dim3A = vector.broadcast %add3A_1 : i32 to vector<16xi32>
    %broadcast_in_dim3A_2 = vector.broadcast %mul3A_0 : i32 to vector<16xi32>
    %scan3A = arith.constant 0 : i32
    %scan3A_3 = arith.constant 1280 : i32
    %scan3A_4 = arith.addi %scan3A, %scan3A_3 : i32
    %scan3A_5 = arith.constant 1 : i32
    scf.for %scan3A_53 = %scan3A to %scan3A_4 step %scan3A_5  : i32 {
      %jit3A = arith.constant 8 : i32
      %div3A = arith.divsi %scan3A_53, %jit3A : i32
      %sign3A = arith.constant 0 : i32
      %sign3A_54 = arith.cmpi sgt, %scan3A_53, %sign3A : i32
      %sign3A_55 = arith.extui %sign3A_54 : i1 to i32
      %sign3A_56 = arith.constant 0 : i32
      %sign3A_57 = arith.cmpi slt, %scan3A_53, %sign3A_56 : i32
      %sign3A_58 = arith.extui %sign3A_57 : i1 to i32
      %sign3A_59 = arith.subi %sign3A_55, %sign3A_58 : i32
      %sign3A_60 = arith.constant 0 : i32
      %sign3A_61 = arith.cmpi sgt, %jit3A, %sign3A_60 : i32
      %sign3A_62 = arith.extui %sign3A_61 : i1 to i32
      %sign3A_63 = arith.constant 0 : i32
      %sign3A_64 = arith.cmpi slt, %jit3A, %sign3A_63 : i32
      %sign3A_65 = arith.extui %sign3A_64 : i1 to i32
      %sign3A_66 = arith.subi %sign3A_62, %sign3A_65 : i32
      %ne3A = arith.cmpi ne, %sign3A_59, %sign3A_66 : i32
      %rem3A = arith.remsi %scan3A_53, %jit3A : i32
      %ne3A_67 = arith.constant 0 : i32
      %ne3A_68 = arith.cmpi ne, %rem3A, %ne3A_67 : i32
      %and3A = arith.andi %ne3A, %ne3A_68 : i1
      %sub3A = arith.constant 1 : i32
      %sub3A_69 = arith.subi %div3A, %sub3A : i32
      %select_n3A = arith.select %and3A, %sub3A_69, %div3A : i32
      %jit3A_70 = arith.constant 8 : i32
      %eq3A_71 = arith.constant 0 : i32
      %eq3A_72 = arith.cmpi eq, %jit3A_70, %eq3A_71 : i32
      %jit3A_73 = arith.constant 1 : i32
      %select_n3A_74 = arith.select %eq3A_72, %jit3A_73, %jit3A_70 : i32
      %rem3A_75 = arith.remsi %scan3A_53, %select_n3A_74 : i32
      %ne3A_76 = arith.constant 0 : i32
      %ne3A_77 = arith.cmpi ne, %rem3A_75, %ne3A_76 : i32
      %lt3A = arith.constant 0 : i32
      %lt3A_78 = arith.cmpi slt, %rem3A_75, %lt3A : i32
      %lt3A_79 = arith.constant 0 : i32
      %lt3A_80 = arith.cmpi slt, %select_n3A_74, %lt3A_79 : i32
      %ne3A_81 = arith.xori %lt3A_78, %lt3A_80 : i1
      %and3A_82 = arith.andi %ne3A_81, %ne3A_77 : i1
      %add3A_83 = arith.addi %rem3A_75, %select_n3A_74 : i32
      %select_n3A_84 = arith.select %and3A_82, %add3A_83, %rem3A_75 : i32
      %mul3A_85 = arith.constant 16 : i32
      %mul3A_86 = arith.muli %select_n3A_84, %mul3A_85 : i32
      %get3A = arith.index_cast %select_n3A : i32 to index
      %get3A_87 = arith.index_cast %mul3A_86 : i32 to index
      %get3A_88 = tpu.vector_load %arg7[%get3A, %get3A_87] {strides = array<i32>} : memref<160x128xi32, #tpu.memory_space<vmem>>, vector<1x16xi32>,
      %get3A_89 = vector.shape_cast %get3A_88 : vector<1x16xi32> to vector<16xi32>
      %sub3A_90 = arith.subi %get3A_89, %broadcast_in_dim3A_2 : vector<16xi32>
      %ge3A = arith.constant 0 : i32
      %ge3A_91 = vector.broadcast %ge3A : i32 to vector<16xi32>
      %ge3A_92 = arith.cmpi sge, %sub3A_90, %ge3A_91 : vector<16xi32>
      %lt3A_93 = arith.constant 5000 : i32
      %lt3A_94 = vector.broadcast %lt3A_93 : i32 to vector<16xi32>
      %lt3A_95 = arith.cmpi slt, %sub3A_90, %lt3A_94 : vector<16xi32>
      %and3A_96 = arith.andi %ge3A_92, %lt3A_95 : vector<16xi1>
      %select_n3A_97 = arith.select %and3A_96, %sub3A_90, %broadcast_in_dim3A : vector<16xi1>, vector<16xi32>
      %swap3A = arith.index_cast %select_n3A : i32 to index
      %swap3A_98 = arith.index_cast %mul3A_86 : i32 to index
      %swap3A_99 = tpu.vector_load %arg7[%swap3A, %swap3A_98] {strides = array<i32>} : memref<160x128xi32, #tpu.memory_space<vmem>>, vector<1x16xi32>,
      %swap3A_100 = vector.shape_cast %swap3A_99 : vector<1x16xi32> to vector<16xi32>
      %swap3A_101 = vector.shape_cast %select_n3A_97 : vector<16xi32> to vector<1x16xi32>
      tpu.vector_store %arg7[%swap3A, %swap3A_98], %swap3A_101 {strides = array<i32>} : memref<160x128xi32, #tpu.memory_space<vmem>>, vector<1x16xi32>,
    }
    %scan3A_6 = arith.constant 1280 : i32
    %mul3A_7 = arith.constant 312 : i32
    %mul3A_8 = arith.muli %arg1, %mul3A_7 : i32
    %add3A_9 = arith.addi %mul3A_0, %mul3A_8 : i32
    %mul3A_10 = arith.constant 312 : i32
    %mul3A_11 = arith.muli %arg1, %mul3A_10 : i32
    "tpu.region"() ({
      %run_scoped3A = tpu.sem_alloc : memref<!tpu.dma_semaphore, #tpu.memory_space<semaphore_mem>>
      %dma_start3A_53 = arith.constant 0 : i32
      %dma_start3A_54 = tpu.memref_slice %arg9[%mul3A_11, %dma_start3A_53] : memref<5016x128xf32, #tpu.memory_space<vmem_shared>> -> memref<312x128xf32, #tpu.memory_space<vmem_shared>>
      %dma_start3A_55 = arith.constant 0 : i32
      %dma_start3A_56 = tpu.memref_slice %arg2[%add3A_9, %dma_start3A_55] : memref<10000x128xf32, #tpu.memory_space<hbm>> -> memref<312x128xf32, #tpu.memory_space<hbm>>
      tpu.enqueue_dma source(%dma_start3A_56 : memref<312x128xf32, #tpu.memory_space<hbm>>) target(%dma_start3A_54 : memref<312x128xf32, #tpu.memory_space<vmem_shared>>) target_semaphore(%run_scoped3A : memref<!tpu.dma_semaphore, #tpu.memory_space<semaphore_mem>>)
      %dma_wait3A = arith.constant 0 : i32
      %dma_wait3A_57 = tpu.memref_slice %arg9[%mul3A_11, %dma_wait3A] : memref<5016x128xf32, #tpu.memory_space<vmem_shared>> -> memref<312x128xf32, #tpu.memory_space<vmem_shared>>
      %dma_wait3A_58 = arith.constant 0 : i32
      %dma_wait3A_59 = tpu.memref_slice %arg2[%add3A_9, %dma_wait3A_58] : memref<10000x128xf32, #tpu.memory_space<hbm>> -> memref<312x128xf32, #tpu.memory_space<hbm>>
      tpu.wait_dma2 semaphore(%run_scoped3A : memref<!tpu.dma_semaphore, #tpu.memory_space<semaphore_mem>>) src(%dma_wait3A_59 : memref<312x128xf32, #tpu.memory_space<hbm>>) dst(%dma_wait3A_57 : memref<312x128xf32, #tpu.memory_space<vmem_shared>>)
      tpu.yield
    }) : () -> ()
    %eq3A = arith.constant 0 : i32
    %eq3A_12 = arith.cmpi eq, %arg1, %eq3A : i32
    %convert_element_type3A = arith.extui %eq3A_12 : i1 to i32
    %cond3A = arith.constant 0 : i32
    %cond3A_13 = arith.cmpi ne, %convert_element_type3A, %cond3A : i32
    scf.if %cond3A_13 {
      %add3A_53 = arith.constant 4992 : i32
      %add3A_54 = arith.addi %mul3A_0, %add3A_53 : i32
      "tpu.region"() ({
        %run_scoped3A = tpu.sem_alloc : memref<!tpu.dma_semaphore, #tpu.memory_space<semaphore_mem>>
        %dma_start3A_55 = arith.constant 4992 : i32
        %dma_start3A_56 = arith.constant 0 : i32
        %dma_start3A_57 = tpu.memref_slice %arg9[%dma_start3A_55, %dma_start3A_56] : memref<5016x128xf32, #tpu.memory_space<vmem_shared>> -> memref<8x128xf32, #tpu.memory_space<vmem_shared>>
        %dma_start3A_58 = arith.constant 0 : i32
        %dma_start3A_59 = tpu.memref_slice %arg2[%add3A_54, %dma_start3A_58] : memref<10000x128xf32, #tpu.memory_space<hbm>> -> memref<8x128xf32, #tpu.memory_space<hbm>>
        tpu.enqueue_dma source(%dma_start3A_59 : memref<8x128xf32, #tpu.memory_space<hbm>>) target(%dma_start3A_57 : memref<8x128xf32, #tpu.memory_space<vmem_shared>>) target_semaphore(%run_scoped3A : memref<!tpu.dma_semaphore, #tpu.memory_space<semaphore_mem>>)
        %dma_wait3A = arith.constant 4992 : i32
        %dma_wait3A_60 = arith.constant 0 : i32
        %dma_wait3A_61 = tpu.memref_slice %arg9[%dma_wait3A, %dma_wait3A_60] : memref<5016x128xf32, #tpu.memory_space<vmem_shared>> -> memref<8x128xf32, #tpu.memory_space<vmem_shared>>
        %dma_wait3A_62 = arith.constant 0 : i32
        %dma_wait3A_63 = tpu.memref_slice %arg2[%add3A_54, %dma_wait3A_62] : memref<10000x128xf32, #tpu.memory_space<hbm>> -> memref<8x128xf32, #tpu.memory_space<hbm>>
        tpu.wait_dma2 semaphore(%run_scoped3A : memref<!tpu.dma_semaphore, #tpu.memory_space<semaphore_mem>>) src(%dma_wait3A_63 : memref<8x128xf32, #tpu.memory_space<hbm>>) dst(%dma_wait3A_61 : memref<8x128xf32, #tpu.memory_space<vmem_shared>>)
        tpu.yield
      }) : () -> ()
    } else {
    }
    %barrier3A = arith.constant 0 : index
    tpu.barrier barrier_id(%barrier3A)
    %dma_start3A = arith.constant 0 : i32
    %dma_start3A_14 = arith.constant 0 : i32
    %dma_start3A_15 = arith.constant 0 : i32
    %dma_start3A_16 = arith.constant 0 : i32
    %dma_start3A_17 = tpu.memref_slice %arg8[%dma_start3A_14, %dma_start3A_15, %dma_start3A_16] : memref<2x128x128xf32, #tpu.memory_space<vmem>> -> memref<1x128x128xf32, #tpu.memory_space<vmem>>
    %dma_start3A_18 = tpu.memref_squeeze %dma_start3A_17 : memref<1x128x128xf32, #tpu.memory_space<vmem>> -> memref<128x128xf32, #tpu.memory_space<vmem>>
    %dma_start3A_19 = arith.constant 0 : i32
    %dma_start3A_20 = tpu.memref_slice %arg6[%dma_start3A, %dma_start3A_19] : memref<160x128xi32, #tpu.memory_space<vmem>> -> memref<1x128xi32, #tpu.memory_space<vmem>>
    %dma_start3A_21 = tpu.memref_squeeze %dma_start3A_20 : memref<1x128xi32, #tpu.memory_space<vmem>> -> memref<128xi32, #tpu.memory_space<vmem>>
    %dma_start3A_22 = arith.constant 0 : i32
    %dma_start3A_23 = arith.constant 0 : i32
    %dma_start3A_24 = tpu.memref_slice %arg2[%dma_start3A_22, %dma_start3A_23] : memref<10000x128xf32, #tpu.memory_space<hbm>> -> memref<10000x128xf32, #tpu.memory_space<hbm>>
    tpu.enqueue_indirect_dma source(%dma_start3A_24 : memref<10000x128xf32, #tpu.memory_space<hbm>>) target(%dma_start3A_18 : memref<128x128xf32, #tpu.memory_space<vmem>>) offsets(%dma_start3A_21 : memref<128xi32, #tpu.memory_space<vmem>>) semaphore(%arg10 : memref<!tpu.dma_semaphore, #tpu.memory_space<semaphore_mem>>)
    %dma_start3A_25 = arith.constant 1 : i32
    %dma_start3A_26 = arith.constant 1 : i32
    %dma_start3A_27 = arith.constant 0 : i32
    %dma_start3A_28 = arith.constant 0 : i32
    %dma_start3A_29 = tpu.memref_slice %arg8[%dma_start3A_26, %dma_start3A_27, %dma_start3A_28] : memref<2x128x128xf32, #tpu.memory_space<vmem>> -> memref<1x128x128xf32, #tpu.memory_space<vmem>>
    %dma_start3A_30 = tpu.memref_squeeze %dma_start3A_29 : memref<1x128x128xf32, #tpu.memory_space<vmem>> -> memref<128x128xf32, #tpu.memory_space<vmem>>
    %dma_start3A_31 = arith.constant 0 : i32
    %dma_start3A_32 = tpu.memref_slice %arg6[%dma_start3A_25, %dma_start3A_31] : memref<160x128xi32, #tpu.memory_space<vmem>> -> memref<1x128xi32, #tpu.memory_space<vmem>>
    %dma_start3A_33 = tpu.memref_squeeze %dma_start3A_32 : memref<1x128xi32, #tpu.memory_space<vmem>> -> memref<128xi32, #tpu.memory_space<vmem>>
    %dma_start3A_34 = arith.constant 0 : i32
    %dma_start3A_35 = arith.constant 0 : i32
    %dma_start3A_36 = tpu.memref_slice %arg2[%dma_start3A_34, %dma_start3A_35] : memref<10000x128xf32, #tpu.memory_space<hbm>> -> memref<10000x128xf32, #tpu.memory_space<hbm>>
    tpu.enqueue_indirect_dma source(%dma_start3A_36 : memref<10000x128xf32, #tpu.memory_space<hbm>>) target(%dma_start3A_30 : memref<128x128xf32, #tpu.memory_space<vmem>>) offsets(%dma_start3A_33 : memref<128xi32, #tpu.memory_space<vmem>>) semaphore(%arg11 : memref<!tpu.dma_semaphore, #tpu.memory_space<semaphore_mem>>)
    %scan3A_37 = arith.constant 0 : i32
    %scan3A_38 = arith.constant 80 : i32
    %scan3A_39 = arith.addi %scan3A_37, %scan3A_38 : i32
    %scan3A_40 = arith.constant 1 : i32
    scf.for %scan3A_53 = %scan3A_37 to %scan3A_39 step %scan3A_40  : i32 {
      %mul3A_54 = arith.constant 2 : i32
      %mul3A_55 = arith.muli %scan3A_53, %mul3A_54 : i32
      %add3A_56 = arith.constant 0 : i32
      %add3A_57 = arith.addi %mul3A_55, %add3A_56 : i32
      %dma_wait3A = arith.constant 0 : i32
      %dma_wait3A_58 = arith.constant 0 : i32
      %dma_wait3A_59 = arith.constant 0 : i32
      %dma_wait3A_60 = tpu.memref_slice %arg8[%dma_wait3A, %dma_wait3A_58, %dma_wait3A_59] : memref<2x128x128xf32, #tpu.memory_space<vmem>> -> memref<1x128x128xf32, #tpu.memory_space<vmem>>
      %dma_wait3A_61 = tpu.memref_squeeze %dma_wait3A_60 : memref<1x128x128xf32, #tpu.memory_space<vmem>> -> memref<128x128xf32, #tpu.memory_space<vmem>>
      %dma_wait3A_62 = arith.constant 0 : i32
      %dma_wait3A_63 = tpu.memref_slice %arg6[%add3A_57, %dma_wait3A_62] : memref<160x128xi32, #tpu.memory_space<vmem>> -> memref<1x128xi32, #tpu.memory_space<vmem>>
      %dma_wait3A_64 = tpu.memref_squeeze %dma_wait3A_63 : memref<1x128xi32, #tpu.memory_space<vmem>> -> memref<128xi32, #tpu.memory_space<vmem>>
      %dma_wait3A_65 = arith.constant 0 : i32
      %dma_wait3A_66 = arith.constant 0 : i32
      %dma_wait3A_67 = tpu.memref_slice %arg2[%dma_wait3A_65, %dma_wait3A_66] : memref<10000x128xf32, #tpu.memory_space<hbm>> -> memref<10000x128xf32, #tpu.memory_space<hbm>>
      tpu.wait_indirect_dma semaphore(%arg10 : memref<!tpu.dma_semaphore, #tpu.memory_space<semaphore_mem>>) src(%dma_wait3A_67 : memref<10000x128xf32, #tpu.memory_space<hbm>>) dst(%dma_wait3A_61 : memref<128x128xf32, #tpu.memory_space<vmem>>)
      %run_scoped3A = arith.constant 0 : i32
      "tpu.region"() ({
        %run_scoped3A_97 = tpu.sem_alloc : memref<!tpu.dma_semaphore, #tpu.memory_space<semaphore_mem>>
        %dma_start3A_98 = arith.constant 0 : i32
        %dma_start3A_99 = arith.constant 0 : i32
        %dma_start3A_100 = tpu.memref_slice %arg8[%run_scoped3A, %dma_start3A_98, %dma_start3A_99] : memref<2x128x128xf32, #tpu.memory_space<vmem>> -> memref<1x128x128xf32, #tpu.memory_space<vmem>>
        %dma_start3A_101 = tpu.memref_squeeze %dma_start3A_100 : memref<1x128x128xf32, #tpu.memory_space<vmem>> -> memref<128x128xf32, #tpu.memory_space<vmem>>
        %dma_start3A_102 = arith.constant 0 : i32
        %dma_start3A_103 = tpu.memref_slice %arg7[%add3A_57, %dma_start3A_102] : memref<160x128xi32, #tpu.memory_space<vmem>> -> memref<1x128xi32, #tpu.memory_space<vmem>>
        %dma_start3A_104 = tpu.memref_squeeze %dma_start3A_103 : memref<1x128xi32, #tpu.memory_space<vmem>> -> memref<128xi32, #tpu.memory_space<vmem>>
        %dma_start3A_105 = arith.constant 0 : i32
        %dma_start3A_106 = arith.constant 0 : i32
        %dma_start3A_107 = tpu.memref_slice %arg9[%dma_start3A_105, %dma_start3A_106] : memref<5016x128xf32, #tpu.memory_space<vmem_shared>> -> memref<5016x128xf32, #tpu.memory_space<vmem_shared>>
        tpu.enqueue_indirect_dma source(%dma_start3A_101 : memref<128x128xf32, #tpu.memory_space<vmem>>) target(%dma_start3A_107 : memref<5016x128xf32, #tpu.memory_space<vmem_shared>>) offsets(%dma_start3A_104 : memref<128xi32, #tpu.memory_space<vmem>>) semaphore(%run_scoped3A_97 : memref<!tpu.dma_semaphore, #tpu.memory_space<semaphore_mem>>) {add = true}
        %dma_wait3A_108 = arith.constant 0 : i32
        %dma_wait3A_109 = arith.constant 0 : i32
        %dma_wait3A_110 = tpu.memref_slice %arg8[%run_scoped3A, %dma_wait3A_108, %dma_wait3A_109] : memref<2x128x128xf32, #tpu.memory_space<vmem>> -> memref<1x128x128xf32, #tpu.memory_space<vmem>>
        %dma_wait3A_111 = tpu.memref_squeeze %dma_wait3A_110 : memref<1x128x128xf32, #tpu.memory_space<vmem>> -> memref<128x128xf32, #tpu.memory_space<vmem>>
        %dma_wait3A_112 = arith.constant 0 : i32
        %dma_wait3A_113 = tpu.memref_slice %arg7[%add3A_57, %dma_wait3A_112] : memref<160x128xi32, #tpu.memory_space<vmem>> -> memref<1x128xi32, #tpu.memory_space<vmem>>
        %dma_wait3A_114 = tpu.memref_squeeze %dma_wait3A_113 : memref<1x128xi32, #tpu.memory_space<vmem>> -> memref<128xi32, #tpu.memory_space<vmem>>
        %dma_wait3A_115 = arith.constant 0 : i32
        %dma_wait3A_116 = arith.constant 0 : i32
        %dma_wait3A_117 = tpu.memref_slice %arg9[%dma_wait3A_115, %dma_wait3A_116] : memref<5016x128xf32, #tpu.memory_space<vmem_shared>> -> memref<5016x128xf32, #tpu.memory_space<vmem_shared>>
        tpu.wait_indirect_dma semaphore(%run_scoped3A_97 : memref<!tpu.dma_semaphore, #tpu.memory_space<semaphore_mem>>) src(%dma_wait3A_111 : memref<128x128xf32, #tpu.memory_space<vmem>>) dst(%dma_wait3A_117 : memref<5016x128xf32, #tpu.memory_space<vmem_shared>>)
        tpu.yield
      }) : () -> ()
      %add3A_68 = arith.constant 2 : i32
      %add3A_69 = arith.addi %add3A_57, %add3A_68 : i32
      %lt3A = arith.constant 160 : i32
      %lt3A_70 = arith.cmpi slt, %add3A_69, %lt3A : i32
      %convert_element_type3A_71 = arith.extui %lt3A_70 : i1 to i32
      %cond3A_72 = arith.constant 0 : i32
      %cond3A_73 = arith.cmpi ne, %convert_element_type3A_71, %cond3A_72 : i32
      scf.if %cond3A_73 {
        %add3A_97 = arith.constant 2 : i32
        %add3A_98 = arith.addi %add3A_57, %add3A_97 : i32
        %dma_start3A_99 = arith.constant 0 : i32
        %dma_start3A_100 = arith.constant 0 : i32
        %dma_start3A_101 = arith.constant 0 : i32
        %dma_start3A_102 = tpu.memref_slice %arg8[%dma_start3A_99, %dma_start3A_100, %dma_start3A_101] : memref<2x128x128xf32, #tpu.memory_space<vmem>> -> memref<1x128x128xf32, #tpu.memory_space<vmem>>
        %dma_start3A_103 = tpu.memref_squeeze %dma_start3A_102 : memref<1x128x128xf32, #tpu.memory_space<vmem>> -> memref<128x128xf32, #tpu.memory_space<vmem>>
        %dma_start3A_104 = arith.constant 0 : i32
        %dma_start3A_105 = tpu.memref_slice %arg6[%add3A_98, %dma_start3A_104] : memref<160x128xi32, #tpu.memory_space<vmem>> -> memref<1x128xi32, #tpu.memory_space<vmem>>
        %dma_start3A_106 = tpu.memref_squeeze %dma_start3A_105 : memref<1x128xi32, #tpu.memory_space<vmem>> -> memref<128xi32, #tpu.memory_space<vmem>>
        %dma_start3A_107 = arith.constant 0 : i32
        %dma_start3A_108 = arith.constant 0 : i32
        %dma_start3A_109 = tpu.memref_slice %arg2[%dma_start3A_107, %dma_start3A_108] : memref<10000x128xf32, #tpu.memory_space<hbm>> -> memref<10000x128xf32, #tpu.memory_space<hbm>>
        tpu.enqueue_indirect_dma source(%dma_start3A_109 : memref<10000x128xf32, #tpu.memory_space<hbm>>) target(%dma_start3A_103 : memref<128x128xf32, #tpu.memory_space<vmem>>) offsets(%dma_start3A_106 : memref<128xi32, #tpu.memory_space<vmem>>) semaphore(%arg10 : memref<!tpu.dma_semaphore, #tpu.memory_space<semaphore_mem>>)
      } else {
      }
      %mul3A_74 = arith.constant 2 : i32
      %mul3A_75 = arith.muli %scan3A_53, %mul3A_74 : i32
      %add3A_76 = arith.constant 1 : i32
      %add3A_77 = arith.addi %mul3A_75, %add3A_76 : i32
      %dma_wait3A_78 = arith.constant 1 : i32
      %dma_wait3A_79 = arith.constant 0 : i32
      %dma_wait3A_80 = arith.constant 0 : i32
      %dma_wait3A_81 = tpu.memref_slice %arg8[%dma_wait3A_78, %dma_wait3A_79, %dma_wait3A_80] : memref<2x128x128xf32, #tpu.memory_space<vmem>> -> memref<1x128x128xf32, #tpu.memory_space<vmem>>
      %dma_wait3A_82 = tpu.memref_squeeze %dma_wait3A_81 : memref<1x128x128xf32, #tpu.memory_space<vmem>> -> memref<128x128xf32, #tpu.memory_space<vmem>>
      %dma_wait3A_83 = arith.constant 0 : i32
      %dma_wait3A_84 = tpu.memref_slice %arg6[%add3A_77, %dma_wait3A_83] : memref<160x128xi32, #tpu.memory_space<vmem>> -> memref<1x128xi32, #tpu.memory_space<vmem>>
      %dma_wait3A_85 = tpu.memref_squeeze %dma_wait3A_84 : memref<1x128xi32, #tpu.memory_space<vmem>> -> memref<128xi32, #tpu.memory_space<vmem>>
      %dma_wait3A_86 = arith.constant 0 : i32
      %dma_wait3A_87 = arith.constant 0 : i32
      %dma_wait3A_88 = tpu.memref_slice %arg2[%dma_wait3A_86, %dma_wait3A_87] : memref<10000x128xf32, #tpu.memory_space<hbm>> -> memref<10000x128xf32, #tpu.memory_space<hbm>>
      tpu.wait_indirect_dma semaphore(%arg11 : memref<!tpu.dma_semaphore, #tpu.memory_space<semaphore_mem>>) src(%dma_wait3A_88 : memref<10000x128xf32, #tpu.memory_space<hbm>>) dst(%dma_wait3A_82 : memref<128x128xf32, #tpu.memory_space<vmem>>)
      %run_scoped3A_89 = arith.constant 1 : i32
      "tpu.region"() ({
        %run_scoped3A_97 = tpu.sem_alloc : memref<!tpu.dma_semaphore, #tpu.memory_space<semaphore_mem>>
        %dma_start3A_98 = arith.constant 0 : i32
        %dma_start3A_99 = arith.constant 0 : i32
        %dma_start3A_100 = tpu.memref_slice %arg8[%run_scoped3A_89, %dma_start3A_98, %dma_start3A_99] : memref<2x128x128xf32, #tpu.memory_space<vmem>> -> memref<1x128x128xf32, #tpu.memory_space<vmem>>
        %dma_start3A_101 = tpu.memref_squeeze %dma_start3A_100 : memref<1x128x128xf32, #tpu.memory_space<vmem>> -> memref<128x128xf32, #tpu.memory_space<vmem>>
        %dma_start3A_102 = arith.constant 0 : i32
        %dma_start3A_103 = tpu.memref_slice %arg7[%add3A_77, %dma_start3A_102] : memref<160x128xi32, #tpu.memory_space<vmem>> -> memref<1x128xi32, #tpu.memory_space<vmem>>
        %dma_start3A_104 = tpu.memref_squeeze %dma_start3A_103 : memref<1x128xi32, #tpu.memory_space<vmem>> -> memref<128xi32, #tpu.memory_space<vmem>>
        %dma_start3A_105 = arith.constant 0 : i32
        %dma_start3A_106 = arith.constant 0 : i32
        %dma_start3A_107 = tpu.memref_slice %arg9[%dma_start3A_105, %dma_start3A_106] : memref<5016x128xf32, #tpu.memory_space<vmem_shared>> -> memref<5016x128xf32, #tpu.memory_space<vmem_shared>>
        tpu.enqueue_indirect_dma source(%dma_start3A_101 : memref<128x128xf32, #tpu.memory_space<vmem>>) target(%dma_start3A_107 : memref<5016x128xf32, #tpu.memory_space<vmem_shared>>) offsets(%dma_start3A_104 : memref<128xi32, #tpu.memory_space<vmem>>) semaphore(%run_scoped3A_97 : memref<!tpu.dma_semaphore, #tpu.memory_space<semaphore_mem>>) {add = true}
        %dma_wait3A_108 = arith.constant 0 : i32
        %dma_wait3A_109 = arith.constant 0 : i32
        %dma_wait3A_110 = tpu.memref_slice %arg8[%run_scoped3A_89, %dma_wait3A_108, %dma_wait3A_109] : memref<2x128x128xf32, #tpu.memory_space<vmem>> -> memref<1x128x128xf32, #tpu.memory_space<vmem>>
        %dma_wait3A_111 = tpu.memref_squeeze %dma_wait3A_110 : memref<1x128x128xf32, #tpu.memory_space<vmem>> -> memref<128x128xf32, #tpu.memory_space<vmem>>
        %dma_wait3A_112 = arith.constant 0 : i32
        %dma_wait3A_113 = tpu.memref_slice %arg7[%add3A_77, %dma_wait3A_112] : memref<160x128xi32, #tpu.memory_space<vmem>> -> memref<1x128xi32, #tpu.memory_space<vmem>>
        %dma_wait3A_114 = tpu.memref_squeeze %dma_wait3A_113 : memref<1x128xi32, #tpu.memory_space<vmem>> -> memref<128xi32, #tpu.memory_space<vmem>>
        %dma_wait3A_115 = arith.constant 0 : i32
        %dma_wait3A_116 = arith.constant 0 : i32
        %dma_wait3A_117 = tpu.memref_slice %arg9[%dma_wait3A_115, %dma_wait3A_116] : memref<5016x128xf32, #tpu.memory_space<vmem_shared>> -> memref<5016x128xf32, #tpu.memory_space<vmem_shared>>
        tpu.wait_indirect_dma semaphore(%run_scoped3A_97 : memref<!tpu.dma_semaphore, #tpu.memory_space<semaphore_mem>>) src(%dma_wait3A_111 : memref<128x128xf32, #tpu.memory_space<vmem>>) dst(%dma_wait3A_117 : memref<5016x128xf32, #tpu.memory_space<vmem_shared>>)
        tpu.yield
      }) : () -> ()
      %add3A_90 = arith.constant 2 : i32
      %add3A_91 = arith.addi %add3A_77, %add3A_90 : i32
      %lt3A_92 = arith.constant 160 : i32
      %lt3A_93 = arith.cmpi slt, %add3A_91, %lt3A_92 : i32
      %convert_element_type3A_94 = arith.extui %lt3A_93 : i1 to i32
      %cond3A_95 = arith.constant 0 : i32
      %cond3A_96 = arith.cmpi ne, %convert_element_type3A_94, %cond3A_95 : i32
      scf.if %cond3A_96 {
        %add3A_97 = arith.constant 2 : i32
        %add3A_98 = arith.addi %add3A_77, %add3A_97 : i32
        %dma_start3A_99 = arith.constant 1 : i32
        %dma_start3A_100 = arith.constant 0 : i32
        %dma_start3A_101 = arith.constant 0 : i32
        %dma_start3A_102 = tpu.memref_slice %arg8[%dma_start3A_99, %dma_start3A_100, %dma_start3A_101] : memref<2x128x128xf32, #tpu.memory_space<vmem>> -> memref<1x128x128xf32, #tpu.memory_space<vmem>>
        %dma_start3A_103 = tpu.memref_squeeze %dma_start3A_102 : memref<1x128x128xf32, #tpu.memory_space<vmem>> -> memref<128x128xf32, #tpu.memory_space<vmem>>
        %dma_start3A_104 = arith.constant 0 : i32
        %dma_start3A_105 = tpu.memref_slice %arg6[%add3A_98, %dma_start3A_104] : memref<160x128xi32, #tpu.memory_space<vmem>> -> memref<1x128xi32, #tpu.memory_space<vmem>>
        %dma_start3A_106 = tpu.memref_squeeze %dma_start3A_105 : memref<1x128xi32, #tpu.memory_space<vmem>> -> memref<128xi32, #tpu.memory_space<vmem>>
        %dma_start3A_107 = arith.constant 0 : i32
        %dma_start3A_108 = arith.constant 0 : i32
        %dma_start3A_109 = tpu.memref_slice %arg2[%dma_start3A_107, %dma_start3A_108] : memref<10000x128xf32, #tpu.memory_space<hbm>> -> memref<10000x128xf32, #tpu.memory_space<hbm>>
        tpu.enqueue_indirect_dma source(%dma_start3A_109 : memref<10000x128xf32, #tpu.memory_space<hbm>>) target(%dma_start3A_103 : memref<128x128xf32, #tpu.memory_space<vmem>>) offsets(%dma_start3A_106 : memref<128xi32, #tpu.memory_space<vmem>>) semaphore(%arg11 : memref<!tpu.dma_semaphore, #tpu.memory_space<semaphore_mem>>)
      } else {
      }
    }
    %scan3A_41 = arith.constant 80 : i32
    %barrier3A_42 = arith.constant 0 : index
    tpu.barrier barrier_id(%barrier3A_42)
    %mul3A_43 = arith.constant 312 : i32
    %mul3A_44 = arith.muli %arg1, %mul3A_43 : i32
    %mul3A_45 = arith.constant 312 : i32
    %mul3A_46 = arith.muli %arg1, %mul3A_45 : i32
    %add3A_47 = arith.addi %mul3A_0, %mul3A_46 : i32
    "tpu.region"() ({
      %run_scoped3A = tpu.sem_alloc : memref<!tpu.dma_semaphore, #tpu.memory_space<semaphore_mem>>
      %dma_start3A_53 = arith.constant 0 : i32
      %dma_start3A_54 = tpu.memref_slice %arg5[%add3A_47, %dma_start3A_53] : memref<10000x128xf32, #tpu.memory_space<hbm>> -> memref<312x128xf32, #tpu.memory_space<hbm>>
      %dma_start3A_55 = arith.constant 0 : i32
      %dma_start3A_56 = tpu.memref_slice %arg9[%mul3A_44, %dma_start3A_55] : memref<5016x128xf32, #tpu.memory_space<vmem_shared>> -> memref<312x128xf32, #tpu.memory_space<vmem_shared>>
      tpu.enqueue_dma source(%dma_start3A_56 : memref<312x128xf32, #tpu.memory_space<vmem_shared>>) target(%dma_start3A_54 : memref<312x128xf32, #tpu.memory_space<hbm>>) target_semaphore(%run_scoped3A : memref<!tpu.dma_semaphore, #tpu.memory_space<semaphore_mem>>)
      %dma_wait3A = arith.constant 0 : i32
      %dma_wait3A_57 = tpu.memref_slice %arg5[%add3A_47, %dma_wait3A] : memref<10000x128xf32, #tpu.memory_space<hbm>> -> memref<312x128xf32, #tpu.memory_space<hbm>>
      %dma_wait3A_58 = arith.constant 0 : i32
      %dma_wait3A_59 = tpu.memref_slice %arg9[%mul3A_44, %dma_wait3A_58] : memref<5016x128xf32, #tpu.memory_space<vmem_shared>> -> memref<312x128xf32, #tpu.memory_space<vmem_shared>>
      tpu.wait_dma2 semaphore(%run_scoped3A : memref<!tpu.dma_semaphore, #tpu.memory_space<semaphore_mem>>) src(%dma_wait3A_59 : memref<312x128xf32, #tpu.memory_space<vmem_shared>>) dst(%dma_wait3A_57 : memref<312x128xf32, #tpu.memory_space<hbm>>)
      tpu.yield
    }) : () -> ()
    %eq3A_48 = arith.constant 0 : i32
    %eq3A_49 = arith.cmpi eq, %arg1, %eq3A_48 : i32
    %convert_element_type3A_50 = arith.extui %eq3A_49 : i1 to i32
    %cond3A_51 = arith.constant 0 : i32
    %cond3A_52 = arith.cmpi ne, %convert_element_type3A_50, %cond3A_51 : i32
    scf.if %cond3A_52 {
      %add3A_53 = arith.constant 4992 : i32
      %add3A_54 = arith.addi %mul3A_0, %add3A_53 : i32
      "tpu.region"() ({
        %run_scoped3A = tpu.sem_alloc : memref<!tpu.dma_semaphore, #tpu.memory_space<semaphore_mem>>
        %dma_start3A_55 = arith.constant 0 : i32
        %dma_start3A_56 = tpu.memref_slice %arg5[%add3A_54, %dma_start3A_55] : memref<10000x128xf32, #tpu.memory_space<hbm>> -> memref<8x128xf32, #tpu.memory_space<hbm>>
        %dma_start3A_57 = arith.constant 4992 : i32
        %dma_start3A_58 = arith.constant 0 : i32
        %dma_start3A_59 = tpu.memref_slice %arg9[%dma_start3A_57, %dma_start3A_58] : memref<5016x128xf32, #tpu.memory_space<vmem_shared>> -> memref<8x128xf32, #tpu.memory_space<vmem_shared>>
        tpu.enqueue_dma source(%dma_start3A_59 : memref<8x128xf32, #tpu.memory_space<vmem_shared>>) target(%dma_start3A_56 : memref<8x128xf32, #tpu.memory_space<hbm>>) target_semaphore(%run_scoped3A : memref<!tpu.dma_semaphore, #tpu.memory_space<semaphore_mem>>)
        %dma_wait3A = arith.constant 0 : i32
        %dma_wait3A_60 = tpu.memref_slice %arg5[%add3A_54, %dma_wait3A] : memref<10000x128xf32, #tpu.memory_space<hbm>> -> memref<8x128xf32, #tpu.memory_space<hbm>>
        %dma_wait3A_61 = arith.constant 4992 : i32
        %dma_wait3A_62 = arith.constant 0 : i32
        %dma_wait3A_63 = tpu.memref_slice %arg9[%dma_wait3A_61, %dma_wait3A_62] : memref<5016x128xf32, #tpu.memory_space<vmem_shared>> -> memref<8x128xf32, #tpu.memory_space<vmem_shared>>
        tpu.wait_dma2 semaphore(%run_scoped3A : memref<!tpu.dma_semaphore, #tpu.memory_space<semaphore_mem>>) src(%dma_wait3A_63 : memref<8x128xf32, #tpu.memory_space<vmem_shared>>) dst(%dma_wait3A_60 : memref<8x128xf32, #tpu.memory_space<hbm>>)
        tpu.yield
      }) : () -> ()
    } else {
    }
    return
  }
}

#map = affine_map<(d0, d1) -> (0, 0)>
#map1 = affine_map<(d0, d1) -> (0, 0, 0)>
module attributes {stable_mosaic.version = 14 : i64} {
  func.func @agg_kernel(%arg0: i32, %arg1: i32, %arg2: memref<10000x128xf32, #tpu.memory_space<hbm>>, %arg3: memref<16x160x128xi32, #tpu.memory_space<hbm>>, %arg4: memref<16x160x128xi32, #tpu.memory_space<hbm>>, %arg5: memref<10000x128xf32, #tpu.memory_space<hbm>>, %arg6: memref<160x128xi32, #tpu.memory_space<vmem>>, %arg7: memref<160x128xi32, #tpu.memory_space<vmem>>, %arg8: memref<2x128x128xf32, #tpu.memory_space<vmem>>, %arg9: memref<5016x128xf32, #tpu.memory_space<vmem_shared>>, %arg10: memref<!tpu.dma_semaphore, #tpu.memory_space<semaphore_mem>>, %arg11: memref<!tpu.dma_semaphore, #tpu.memory_space<semaphore_mem>>) attributes {dimension_semantics = [#tpu.dimension_semantics<core_parallel>, #tpu.dimension_semantics<subcore_parallel>], iteration_bounds = array<i64: 2, 16>, scalar_prefetch = 0 : i64, scratch_operands = 6 : i64, tpu.core_type = #tpu.core_type<sc_vector_subcore>, window_params = [{transform_indices = #map}, {transform_indices = #map1}, {transform_indices = #map1}, {transform_indices = #map}]} {
    %mul3A = arith.constant 5000 : i32
    %mul3A_0 = arith.muli %arg0, %mul3A : i32
    "tpu.region"() ({
      %run_scoped3A = tpu.sem_alloc : memref<!tpu.dma_semaphore, #tpu.memory_space<semaphore_mem>>
      %dma_start3A_53 = arith.constant 0 : i32
      %dma_start3A_54 = arith.constant 0 : i32
      %dma_start3A_55 = tpu.memref_slice %arg3[%arg1, %dma_start3A_53, %dma_start3A_54] : memref<16x160x128xi32, #tpu.memory_space<hbm>> -> memref<1x160x128xi32, #tpu.memory_space<hbm>>
      %dma_start3A_56 = tpu.memref_squeeze %dma_start3A_55 : memref<1x160x128xi32, #tpu.memory_space<hbm>> -> memref<160x128xi32, #tpu.memory_space<hbm>>
      %dma_start3A_57 = arith.constant 0 : i32
      %dma_start3A_58 = arith.constant 0 : i32
      %dma_start3A_59 = tpu.memref_slice %arg3[%arg1, %dma_start3A_57, %dma_start3A_58] : memref<16x160x128xi32, #tpu.memory_space<hbm>> -> memref<1x160x128xi32, #tpu.memory_space<hbm>>
      %dma_start3A_60 = tpu.memref_squeeze %dma_start3A_59 : memref<1x160x128xi32, #tpu.memory_space<hbm>> -> memref<160x128xi32, #tpu.memory_space<hbm>>
      tpu.enqueue_dma source(%dma_start3A_60 : memref<160x128xi32, #tpu.memory_space<hbm>>) target(%arg6 : memref<160x128xi32, #tpu.memory_space<vmem>>) target_semaphore(%run_scoped3A : memref<!tpu.dma_semaphore, #tpu.memory_space<semaphore_mem>>)
      %dma_wait3A = arith.constant 0 : i32
      %dma_wait3A_61 = arith.constant 0 : i32
      %dma_wait3A_62 = tpu.memref_slice %arg3[%arg1, %dma_wait3A, %dma_wait3A_61] : memref<16x160x128xi32, #tpu.memory_space<hbm>> -> memref<1x160x128xi32, #tpu.memory_space<hbm>>
      %dma_wait3A_63 = tpu.memref_squeeze %dma_wait3A_62 : memref<1x160x128xi32, #tpu.memory_space<hbm>> -> memref<160x128xi32, #tpu.memory_space<hbm>>
      %dma_wait3A_64 = arith.constant 0 : i32
      %dma_wait3A_65 = arith.constant 0 : i32
      %dma_wait3A_66 = tpu.memref_slice %arg3[%arg1, %dma_wait3A_64, %dma_wait3A_65] : memref<16x160x128xi32, #tpu.memory_space<hbm>> -> memref<1x160x128xi32, #tpu.memory_space<hbm>>
      %dma_wait3A_67 = tpu.memref_squeeze %dma_wait3A_66 : memref<1x160x128xi32, #tpu.memory_space<hbm>> -> memref<160x128xi32, #tpu.memory_space<hbm>>
      tpu.wait_dma2 semaphore(%run_scoped3A : memref<!tpu.dma_semaphore, #tpu.memory_space<semaphore_mem>>) src(%dma_wait3A_67 : memref<160x128xi32, #tpu.memory_space<hbm>>) dst(%arg6 : memref<160x128xi32, #tpu.memory_space<vmem>>)
      tpu.yield
    }) : () -> ()
    "tpu.region"() ({
      %run_scoped3A = tpu.sem_alloc : memref<!tpu.dma_semaphore, #tpu.memory_space<semaphore_mem>>
      %dma_start3A_53 = arith.constant 0 : i32
      %dma_start3A_54 = arith.constant 0 : i32
      %dma_start3A_55 = tpu.memref_slice %arg4[%arg1, %dma_start3A_53, %dma_start3A_54] : memref<16x160x128xi32, #tpu.memory_space<hbm>> -> memref<1x160x128xi32, #tpu.memory_space<hbm>>
      %dma_start3A_56 = tpu.memref_squeeze %dma_start3A_55 : memref<1x160x128xi32, #tpu.memory_space<hbm>> -> memref<160x128xi32, #tpu.memory_space<hbm>>
      %dma_start3A_57 = arith.constant 0 : i32
      %dma_start3A_58 = arith.constant 0 : i32
      %dma_start3A_59 = tpu.memref_slice %arg4[%arg1, %dma_start3A_57, %dma_start3A_58] : memref<16x160x128xi32, #tpu.memory_space<hbm>> -> memref<1x160x128xi32, #tpu.memory_space<hbm>>
      %dma_start3A_60 = tpu.memref_squeeze %dma_start3A_59 : memref<1x160x128xi32, #tpu.memory_space<hbm>> -> memref<160x128xi32, #tpu.memory_space<hbm>>
      tpu.enqueue_dma source(%dma_start3A_60 : memref<160x128xi32, #tpu.memory_space<hbm>>) target(%arg7 : memref<160x128xi32, #tpu.memory_space<vmem>>) target_semaphore(%run_scoped3A : memref<!tpu.dma_semaphore, #tpu.memory_space<semaphore_mem>>)
      %dma_wait3A = arith.constant 0 : i32
      %dma_wait3A_61 = arith.constant 0 : i32
      %dma_wait3A_62 = tpu.memref_slice %arg4[%arg1, %dma_wait3A, %dma_wait3A_61] : memref<16x160x128xi32, #tpu.memory_space<hbm>> -> memref<1x160x128xi32, #tpu.memory_space<hbm>>
      %dma_wait3A_63 = tpu.memref_squeeze %dma_wait3A_62 : memref<1x160x128xi32, #tpu.memory_space<hbm>> -> memref<160x128xi32, #tpu.memory_space<hbm>>
      %dma_wait3A_64 = arith.constant 0 : i32
      %dma_wait3A_65 = arith.constant 0 : i32
      %dma_wait3A_66 = tpu.memref_slice %arg4[%arg1, %dma_wait3A_64, %dma_wait3A_65] : memref<16x160x128xi32, #tpu.memory_space<hbm>> -> memref<1x160x128xi32, #tpu.memory_space<hbm>>
      %dma_wait3A_67 = tpu.memref_squeeze %dma_wait3A_66 : memref<1x160x128xi32, #tpu.memory_space<hbm>> -> memref<160x128xi32, #tpu.memory_space<hbm>>
      tpu.wait_dma2 semaphore(%run_scoped3A : memref<!tpu.dma_semaphore, #tpu.memory_space<semaphore_mem>>) src(%dma_wait3A_67 : memref<160x128xi32, #tpu.memory_space<hbm>>) dst(%arg7 : memref<160x128xi32, #tpu.memory_space<vmem>>)
      tpu.yield
    }) : () -> ()
    %add3A = arith.constant 5000 : i32
    %add3A_1 = arith.addi %add3A, %arg1 : i32
    %broadcast_in_dim3A = vector.broadcast %add3A_1 : i32 to vector<16xi32>
    %broadcast_in_dim3A_2 = vector.broadcast %mul3A_0 : i32 to vector<16xi32>
    %scan3A = arith.constant 0 : i32
    %scan3A_3 = arith.constant 1280 : i32
    %scan3A_4 = arith.addi %scan3A, %scan3A_3 : i32
    %scan3A_5 = arith.constant 1 : i32
    scf.for %scan3A_53 = %scan3A to %scan3A_4 step %scan3A_5  : i32 {
      %jit3A = arith.constant 8 : i32
      %div3A = arith.divsi %scan3A_53, %jit3A : i32
      %sign3A = arith.constant 0 : i32
      %sign3A_54 = arith.cmpi sgt, %scan3A_53, %sign3A : i32
      %sign3A_55 = arith.extui %sign3A_54 : i1 to i32
      %sign3A_56 = arith.constant 0 : i32
      %sign3A_57 = arith.cmpi slt, %scan3A_53, %sign3A_56 : i32
      %sign3A_58 = arith.extui %sign3A_57 : i1 to i32
      %sign3A_59 = arith.subi %sign3A_55, %sign3A_58 : i32
      %sign3A_60 = arith.constant 0 : i32
      %sign3A_61 = arith.cmpi sgt, %jit3A, %sign3A_60 : i32
      %sign3A_62 = arith.extui %sign3A_61 : i1 to i32
      %sign3A_63 = arith.constant 0 : i32
      %sign3A_64 = arith.cmpi slt, %jit3A, %sign3A_63 : i32
      %sign3A_65 = arith.extui %sign3A_64 : i1 to i32
      %sign3A_66 = arith.subi %sign3A_62, %sign3A_65 : i32
      %ne3A = arith.cmpi ne, %sign3A_59, %sign3A_66 : i32
      %rem3A = arith.remsi %scan3A_53, %jit3A : i32
      %ne3A_67 = arith.constant 0 : i32
      %ne3A_68 = arith.cmpi ne, %rem3A, %ne3A_67 : i32
      %and3A = arith.andi %ne3A, %ne3A_68 : i1
      %sub3A = arith.constant 1 : i32
      %sub3A_69 = arith.subi %div3A, %sub3A : i32
      %select_n3A = arith.select %and3A, %sub3A_69, %div3A : i32
      %jit3A_70 = arith.constant 8 : i32
      %eq3A_71 = arith.constant 0 : i32
      %eq3A_72 = arith.cmpi eq, %jit3A_70, %eq3A_71 : i32
      %jit3A_73 = arith.constant 1 : i32
      %select_n3A_74 = arith.select %eq3A_72, %jit3A_73, %jit3A_70 : i32
      %rem3A_75 = arith.remsi %scan3A_53, %select_n3A_74 : i32
      %ne3A_76 = arith.constant 0 : i32
      %ne3A_77 = arith.cmpi ne, %rem3A_75, %ne3A_76 : i32
      %lt3A = arith.constant 0 : i32
      %lt3A_78 = arith.cmpi slt, %rem3A_75, %lt3A : i32
      %lt3A_79 = arith.constant 0 : i32
      %lt3A_80 = arith.cmpi slt, %select_n3A_74, %lt3A_79 : i32
      %ne3A_81 = arith.xori %lt3A_78, %lt3A_80 : i1
      %and3A_82 = arith.andi %ne3A_81, %ne3A_77 : i1
      %add3A_83 = arith.addi %rem3A_75, %select_n3A_74 : i32
      %select_n3A_84 = arith.select %and3A_82, %add3A_83, %rem3A_75 : i32
      %mul3A_85 = arith.constant 16 : i32
      %mul3A_86 = arith.muli %select_n3A_84, %mul3A_85 : i32
      %get3A = arith.index_cast %select_n3A : i32 to index
      %get3A_87 = arith.index_cast %mul3A_86 : i32 to index
      %get3A_88 = tpu.vector_load %arg7[%get3A, %get3A_87] {strides = array<i32>} : memref<160x128xi32, #tpu.memory_space<vmem>>, vector<1x16xi32>,
      %get3A_89 = vector.shape_cast %get3A_88 : vector<1x16xi32> to vector<16xi32>
      %sub3A_90 = arith.subi %get3A_89, %broadcast_in_dim3A_2 : vector<16xi32>
      %ge3A = arith.constant 0 : i32
      %ge3A_91 = vector.broadcast %ge3A : i32 to vector<16xi32>
      %ge3A_92 = arith.cmpi sge, %sub3A_90, %ge3A_91 : vector<16xi32>
      %lt3A_93 = arith.constant 5000 : i32
      %lt3A_94 = vector.broadcast %lt3A_93 : i32 to vector<16xi32>
      %lt3A_95 = arith.cmpi slt, %sub3A_90, %lt3A_94 : vector<16xi32>
      %and3A_96 = arith.andi %ge3A_92, %lt3A_95 : vector<16xi1>
      %select_n3A_97 = arith.select %and3A_96, %sub3A_90, %broadcast_in_dim3A : vector<16xi1>, vector<16xi32>
      %swap3A = arith.index_cast %select_n3A : i32 to index
      %swap3A_98 = arith.index_cast %mul3A_86 : i32 to index
      %swap3A_99 = tpu.vector_load %arg7[%swap3A, %swap3A_98] {strides = array<i32>} : memref<160x128xi32, #tpu.memory_space<vmem>>, vector<1x16xi32>,
      %swap3A_100 = vector.shape_cast %swap3A_99 : vector<1x16xi32> to vector<16xi32>
      %swap3A_101 = vector.shape_cast %select_n3A_97 : vector<16xi32> to vector<1x16xi32>
      tpu.vector_store %arg7[%swap3A, %swap3A_98], %swap3A_101 {strides = array<i32>} : memref<160x128xi32, #tpu.memory_space<vmem>>, vector<1x16xi32>,
    }
    %scan3A_6 = arith.constant 1280 : i32
    %mul3A_7 = arith.constant 312 : i32
    %mul3A_8 = arith.muli %arg1, %mul3A_7 : i32
    %add3A_9 = arith.addi %mul3A_0, %mul3A_8 : i32
    %mul3A_10 = arith.constant 312 : i32
    %mul3A_11 = arith.muli %arg1, %mul3A_10 : i32
    "tpu.region"() ({
      %run_scoped3A = tpu.sem_alloc : memref<!tpu.dma_semaphore, #tpu.memory_space<semaphore_mem>>
      %dma_start3A_53 = arith.constant 0 : i32
      %dma_start3A_54 = tpu.memref_slice %arg9[%mul3A_11, %dma_start3A_53] : memref<5016x128xf32, #tpu.memory_space<vmem_shared>> -> memref<312x128xf32, #tpu.memory_space<vmem_shared>>
      %dma_start3A_55 = arith.constant 0 : i32
      %dma_start3A_56 = tpu.memref_slice %arg2[%add3A_9, %dma_start3A_55] : memref<10000x128xf32, #tpu.memory_space<hbm>> -> memref<312x128xf32, #tpu.memory_space<hbm>>
      tpu.enqueue_dma source(%dma_start3A_56 : memref<312x128xf32, #tpu.memory_space<hbm>>) target(%dma_start3A_54 : memref<312x128xf32, #tpu.memory_space<vmem_shared>>) target_semaphore(%run_scoped3A : memref<!tpu.dma_semaphore, #tpu.memory_space<semaphore_mem>>)
      %dma_wait3A = arith.constant 0 : i32
      %dma_wait3A_57 = tpu.memref_slice %arg9[%mul3A_11, %dma_wait3A] : memref<5016x128xf32, #tpu.memory_space<vmem_shared>> -> memref<312x128xf32, #tpu.memory_space<vmem_shared>>
      %dma_wait3A_58 = arith.constant 0 : i32
      %dma_wait3A_59 = tpu.memref_slice %arg2[%add3A_9, %dma_wait3A_58] : memref<10000x128xf32, #tpu.memory_space<hbm>> -> memref<312x128xf32, #tpu.memory_space<hbm>>
      tpu.wait_dma2 semaphore(%run_scoped3A : memref<!tpu.dma_semaphore, #tpu.memory_space<semaphore_mem>>) src(%dma_wait3A_59 : memref<312x128xf32, #tpu.memory_space<hbm>>) dst(%dma_wait3A_57 : memref<312x128xf32, #tpu.memory_space<vmem_shared>>)
      tpu.yield
    }) : () -> ()
    %eq3A = arith.constant 0 : i32
    %eq3A_12 = arith.cmpi eq, %arg1, %eq3A : i32
    %convert_element_type3A = arith.extui %eq3A_12 : i1 to i32
    %cond3A = arith.constant 0 : i32
    %cond3A_13 = arith.cmpi ne, %convert_element_type3A, %cond3A : i32
    scf.if %cond3A_13 {
      %add3A_53 = arith.constant 4992 : i32
      %add3A_54 = arith.addi %mul3A_0, %add3A_53 : i32
      "tpu.region"() ({
        %run_scoped3A = tpu.sem_alloc : memref<!tpu.dma_semaphore, #tpu.memory_space<semaphore_mem>>
        %dma_start3A_55 = arith.constant 4992 : i32
        %dma_start3A_56 = arith.constant 0 : i32
        %dma_start3A_57 = tpu.memref_slice %arg9[%dma_start3A_55, %dma_start3A_56] : memref<5016x128xf32, #tpu.memory_space<vmem_shared>> -> memref<8x128xf32, #tpu.memory_space<vmem_shared>>
        %dma_start3A_58 = arith.constant 0 : i32
        %dma_start3A_59 = tpu.memref_slice %arg2[%add3A_54, %dma_start3A_58] : memref<10000x128xf32, #tpu.memory_space<hbm>> -> memref<8x128xf32, #tpu.memory_space<hbm>>
        tpu.enqueue_dma source(%dma_start3A_59 : memref<8x128xf32, #tpu.memory_space<hbm>>) target(%dma_start3A_57 : memref<8x128xf32, #tpu.memory_space<vmem_shared>>) target_semaphore(%run_scoped3A : memref<!tpu.dma_semaphore, #tpu.memory_space<semaphore_mem>>)
        %dma_wait3A = arith.constant 4992 : i32
        %dma_wait3A_60 = arith.constant 0 : i32
        %dma_wait3A_61 = tpu.memref_slice %arg9[%dma_wait3A, %dma_wait3A_60] : memref<5016x128xf32, #tpu.memory_space<vmem_shared>> -> memref<8x128xf32, #tpu.memory_space<vmem_shared>>
        %dma_wait3A_62 = arith.constant 0 : i32
        %dma_wait3A_63 = tpu.memref_slice %arg2[%add3A_54, %dma_wait3A_62] : memref<10000x128xf32, #tpu.memory_space<hbm>> -> memref<8x128xf32, #tpu.memory_space<hbm>>
        tpu.wait_dma2 semaphore(%run_scoped3A : memref<!tpu.dma_semaphore, #tpu.memory_space<semaphore_mem>>) src(%dma_wait3A_63 : memref<8x128xf32, #tpu.memory_space<hbm>>) dst(%dma_wait3A_61 : memref<8x128xf32, #tpu.memory_space<vmem_shared>>)
        tpu.yield
      }) : () -> ()
    } else {
    }
    %barrier3A = arith.constant 0 : index
    tpu.barrier barrier_id(%barrier3A)
    %dma_start3A = arith.constant 0 : i32
    %dma_start3A_14 = arith.constant 0 : i32
    %dma_start3A_15 = arith.constant 0 : i32
    %dma_start3A_16 = arith.constant 0 : i32
    %dma_start3A_17 = tpu.memref_slice %arg8[%dma_start3A_14, %dma_start3A_15, %dma_start3A_16] : memref<2x128x128xf32, #tpu.memory_space<vmem>> -> memref<1x128x128xf32, #tpu.memory_space<vmem>>
    %dma_start3A_18 = tpu.memref_squeeze %dma_start3A_17 : memref<1x128x128xf32, #tpu.memory_space<vmem>> -> memref<128x128xf32, #tpu.memory_space<vmem>>
    %dma_start3A_19 = arith.constant 0 : i32
    %dma_start3A_20 = tpu.memref_slice %arg6[%dma_start3A, %dma_start3A_19] : memref<160x128xi32, #tpu.memory_space<vmem>> -> memref<1x128xi32, #tpu.memory_space<vmem>>
    %dma_start3A_21 = tpu.memref_squeeze %dma_start3A_20 : memref<1x128xi32, #tpu.memory_space<vmem>> -> memref<128xi32, #tpu.memory_space<vmem>>
    %dma_start3A_22 = arith.constant 0 : i32
    %dma_start3A_23 = arith.constant 0 : i32
    %dma_start3A_24 = tpu.memref_slice %arg2[%dma_start3A_22, %dma_start3A_23] : memref<10000x128xf32, #tpu.memory_space<hbm>> -> memref<10000x128xf32, #tpu.memory_space<hbm>>
    tpu.enqueue_indirect_dma source(%dma_start3A_24 : memref<10000x128xf32, #tpu.memory_space<hbm>>) target(%dma_start3A_18 : memref<128x128xf32, #tpu.memory_space<vmem>>) offsets(%dma_start3A_21 : memref<128xi32, #tpu.memory_space<vmem>>) semaphore(%arg10 : memref<!tpu.dma_semaphore, #tpu.memory_space<semaphore_mem>>)
    %dma_start3A_25 = arith.constant 1 : i32
    %dma_start3A_26 = arith.constant 1 : i32
    %dma_start3A_27 = arith.constant 0 : i32
    %dma_start3A_28 = arith.constant 0 : i32
    %dma_start3A_29 = tpu.memref_slice %arg8[%dma_start3A_26, %dma_start3A_27, %dma_start3A_28] : memref<2x128x128xf32, #tpu.memory_space<vmem>> -> memref<1x128x128xf32, #tpu.memory_space<vmem>>
    %dma_start3A_30 = tpu.memref_squeeze %dma_start3A_29 : memref<1x128x128xf32, #tpu.memory_space<vmem>> -> memref<128x128xf32, #tpu.memory_space<vmem>>
    %dma_start3A_31 = arith.constant 0 : i32
    %dma_start3A_32 = tpu.memref_slice %arg6[%dma_start3A_25, %dma_start3A_31] : memref<160x128xi32, #tpu.memory_space<vmem>> -> memref<1x128xi32, #tpu.memory_space<vmem>>
    %dma_start3A_33 = tpu.memref_squeeze %dma_start3A_32 : memref<1x128xi32, #tpu.memory_space<vmem>> -> memref<128xi32, #tpu.memory_space<vmem>>
    %dma_start3A_34 = arith.constant 0 : i32
    %dma_start3A_35 = arith.constant 0 : i32
    %dma_start3A_36 = tpu.memref_slice %arg2[%dma_start3A_34, %dma_start3A_35] : memref<10000x128xf32, #tpu.memory_space<hbm>> -> memref<10000x128xf32, #tpu.memory_space<hbm>>
    tpu.enqueue_indirect_dma source(%dma_start3A_36 : memref<10000x128xf32, #tpu.memory_space<hbm>>) target(%dma_start3A_30 : memref<128x128xf32, #tpu.memory_space<vmem>>) offsets(%dma_start3A_33 : memref<128xi32, #tpu.memory_space<vmem>>) semaphore(%arg11 : memref<!tpu.dma_semaphore, #tpu.memory_space<semaphore_mem>>)
    %scan3A_37 = arith.constant 0 : i32
    %scan3A_38 = arith.constant 80 : i32
    %scan3A_39 = arith.addi %scan3A_37, %scan3A_38 : i32
    %scan3A_40 = arith.constant 1 : i32
    scf.for %scan3A_53 = %scan3A_37 to %scan3A_39 step %scan3A_40  : i32 {
      %mul3A_54 = arith.constant 2 : i32
      %mul3A_55 = arith.muli %scan3A_53, %mul3A_54 : i32
      %add3A_56 = arith.constant 0 : i32
      %add3A_57 = arith.addi %mul3A_55, %add3A_56 : i32
      %dma_wait3A = arith.constant 0 : i32
      %dma_wait3A_58 = arith.constant 0 : i32
      %dma_wait3A_59 = arith.constant 0 : i32
      %dma_wait3A_60 = tpu.memref_slice %arg8[%dma_wait3A, %dma_wait3A_58, %dma_wait3A_59] : memref<2x128x128xf32, #tpu.memory_space<vmem>> -> memref<1x128x128xf32, #tpu.memory_space<vmem>>
      %dma_wait3A_61 = tpu.memref_squeeze %dma_wait3A_60 : memref<1x128x128xf32, #tpu.memory_space<vmem>> -> memref<128x128xf32, #tpu.memory_space<vmem>>
      %dma_wait3A_62 = arith.constant 0 : i32
      %dma_wait3A_63 = tpu.memref_slice %arg6[%add3A_57, %dma_wait3A_62] : memref<160x128xi32, #tpu.memory_space<vmem>> -> memref<1x128xi32, #tpu.memory_space<vmem>>
      %dma_wait3A_64 = tpu.memref_squeeze %dma_wait3A_63 : memref<1x128xi32, #tpu.memory_space<vmem>> -> memref<128xi32, #tpu.memory_space<vmem>>
      %dma_wait3A_65 = arith.constant 0 : i32
      %dma_wait3A_66 = arith.constant 0 : i32
      %dma_wait3A_67 = tpu.memref_slice %arg2[%dma_wait3A_65, %dma_wait3A_66] : memref<10000x128xf32, #tpu.memory_space<hbm>> -> memref<10000x128xf32, #tpu.memory_space<hbm>>
      tpu.wait_indirect_dma semaphore(%arg10 : memref<!tpu.dma_semaphore, #tpu.memory_space<semaphore_mem>>) src(%dma_wait3A_67 : memref<10000x128xf32, #tpu.memory_space<hbm>>) dst(%dma_wait3A_61 : memref<128x128xf32, #tpu.memory_space<vmem>>)
      %run_scoped3A = arith.constant 0 : i32
      "tpu.region"() ({
        %run_scoped3A_97 = tpu.sem_alloc : memref<!tpu.dma_semaphore, #tpu.memory_space<semaphore_mem>>
        %dma_start3A_98 = arith.constant 0 : i32
        %dma_start3A_99 = arith.constant 0 : i32
        %dma_start3A_100 = tpu.memref_slice %arg8[%run_scoped3A, %dma_start3A_98, %dma_start3A_99] : memref<2x128x128xf32, #tpu.memory_space<vmem>> -> memref<1x128x128xf32, #tpu.memory_space<vmem>>
        %dma_start3A_101 = tpu.memref_squeeze %dma_start3A_100 : memref<1x128x128xf32, #tpu.memory_space<vmem>> -> memref<128x128xf32, #tpu.memory_space<vmem>>
        %dma_start3A_102 = arith.constant 0 : i32
        %dma_start3A_103 = tpu.memref_slice %arg7[%add3A_57, %dma_start3A_102] : memref<160x128xi32, #tpu.memory_space<vmem>> -> memref<1x128xi32, #tpu.memory_space<vmem>>
        %dma_start3A_104 = tpu.memref_squeeze %dma_start3A_103 : memref<1x128xi32, #tpu.memory_space<vmem>> -> memref<128xi32, #tpu.memory_space<vmem>>
        %dma_start3A_105 = arith.constant 0 : i32
        %dma_start3A_106 = arith.constant 0 : i32
        %dma_start3A_107 = tpu.memref_slice %arg9[%dma_start3A_105, %dma_start3A_106] : memref<5016x128xf32, #tpu.memory_space<vmem_shared>> -> memref<5016x128xf32, #tpu.memory_space<vmem_shared>>
        tpu.enqueue_indirect_dma source(%dma_start3A_101 : memref<128x128xf32, #tpu.memory_space<vmem>>) target(%dma_start3A_107 : memref<5016x128xf32, #tpu.memory_space<vmem_shared>>) offsets(%dma_start3A_104 : memref<128xi32, #tpu.memory_space<vmem>>) semaphore(%run_scoped3A_97 : memref<!tpu.dma_semaphore, #tpu.memory_space<semaphore_mem>>) {add = true}
        %dma_wait3A_108 = arith.constant 0 : i32
        %dma_wait3A_109 = arith.constant 0 : i32
        %dma_wait3A_110 = tpu.memref_slice %arg8[%run_scoped3A, %dma_wait3A_108, %dma_wait3A_109] : memref<2x128x128xf32, #tpu.memory_space<vmem>> -> memref<1x128x128xf32, #tpu.memory_space<vmem>>
        %dma_wait3A_111 = tpu.memref_squeeze %dma_wait3A_110 : memref<1x128x128xf32, #tpu.memory_space<vmem>> -> memref<128x128xf32, #tpu.memory_space<vmem>>
        %dma_wait3A_112 = arith.constant 0 : i32
        %dma_wait3A_113 = tpu.memref_slice %arg7[%add3A_57, %dma_wait3A_112] : memref<160x128xi32, #tpu.memory_space<vmem>> -> memref<1x128xi32, #tpu.memory_space<vmem>>
        %dma_wait3A_114 = tpu.memref_squeeze %dma_wait3A_113 : memref<1x128xi32, #tpu.memory_space<vmem>> -> memref<128xi32, #tpu.memory_space<vmem>>
        %dma_wait3A_115 = arith.constant 0 : i32
        %dma_wait3A_116 = arith.constant 0 : i32
        %dma_wait3A_117 = tpu.memref_slice %arg9[%dma_wait3A_115, %dma_wait3A_116] : memref<5016x128xf32, #tpu.memory_space<vmem_shared>> -> memref<5016x128xf32, #tpu.memory_space<vmem_shared>>
        tpu.wait_indirect_dma semaphore(%run_scoped3A_97 : memref<!tpu.dma_semaphore, #tpu.memory_space<semaphore_mem>>) src(%dma_wait3A_111 : memref<128x128xf32, #tpu.memory_space<vmem>>) dst(%dma_wait3A_117 : memref<5016x128xf32, #tpu.memory_space<vmem_shared>>)
        tpu.yield
      }) : () -> ()
      %add3A_68 = arith.constant 2 : i32
      %add3A_69 = arith.addi %add3A_57, %add3A_68 : i32
      %lt3A = arith.constant 160 : i32
      %lt3A_70 = arith.cmpi slt, %add3A_69, %lt3A : i32
      %convert_element_type3A_71 = arith.extui %lt3A_70 : i1 to i32
      %cond3A_72 = arith.constant 0 : i32
      %cond3A_73 = arith.cmpi ne, %convert_element_type3A_71, %cond3A_72 : i32
      scf.if %cond3A_73 {
        %add3A_97 = arith.constant 2 : i32
        %add3A_98 = arith.addi %add3A_57, %add3A_97 : i32
        %dma_start3A_99 = arith.constant 0 : i32
        %dma_start3A_100 = arith.constant 0 : i32
        %dma_start3A_101 = arith.constant 0 : i32
        %dma_start3A_102 = tpu.memref_slice %arg8[%dma_start3A_99, %dma_start3A_100, %dma_start3A_101] : memref<2x128x128xf32, #tpu.memory_space<vmem>> -> memref<1x128x128xf32, #tpu.memory_space<vmem>>
        %dma_start3A_103 = tpu.memref_squeeze %dma_start3A_102 : memref<1x128x128xf32, #tpu.memory_space<vmem>> -> memref<128x128xf32, #tpu.memory_space<vmem>>
        %dma_start3A_104 = arith.constant 0 : i32
        %dma_start3A_105 = tpu.memref_slice %arg6[%add3A_98, %dma_start3A_104] : memref<160x128xi32, #tpu.memory_space<vmem>> -> memref<1x128xi32, #tpu.memory_space<vmem>>
        %dma_start3A_106 = tpu.memref_squeeze %dma_start3A_105 : memref<1x128xi32, #tpu.memory_space<vmem>> -> memref<128xi32, #tpu.memory_space<vmem>>
        %dma_start3A_107 = arith.constant 0 : i32
        %dma_start3A_108 = arith.constant 0 : i32
        %dma_start3A_109 = tpu.memref_slice %arg2[%dma_start3A_107, %dma_start3A_108] : memref<10000x128xf32, #tpu.memory_space<hbm>> -> memref<10000x128xf32, #tpu.memory_space<hbm>>
        tpu.enqueue_indirect_dma source(%dma_start3A_109 : memref<10000x128xf32, #tpu.memory_space<hbm>>) target(%dma_start3A_103 : memref<128x128xf32, #tpu.memory_space<vmem>>) offsets(%dma_start3A_106 : memref<128xi32, #tpu.memory_space<vmem>>) semaphore(%arg10 : memref<!tpu.dma_semaphore, #tpu.memory_space<semaphore_mem>>)
      } else {
      }
      %mul3A_74 = arith.constant 2 : i32
      %mul3A_75 = arith.muli %scan3A_53, %mul3A_74 : i32
      %add3A_76 = arith.constant 1 : i32
      %add3A_77 = arith.addi %mul3A_75, %add3A_76 : i32
      %dma_wait3A_78 = arith.constant 1 : i32
      %dma_wait3A_79 = arith.constant 0 : i32
      %dma_wait3A_80 = arith.constant 0 : i32
      %dma_wait3A_81 = tpu.memref_slice %arg8[%dma_wait3A_78, %dma_wait3A_79, %dma_wait3A_80] : memref<2x128x128xf32, #tpu.memory_space<vmem>> -> memref<1x128x128xf32, #tpu.memory_space<vmem>>
      %dma_wait3A_82 = tpu.memref_squeeze %dma_wait3A_81 : memref<1x128x128xf32, #tpu.memory_space<vmem>> -> memref<128x128xf32, #tpu.memory_space<vmem>>
      %dma_wait3A_83 = arith.constant 0 : i32
      %dma_wait3A_84 = tpu.memref_slice %arg6[%add3A_77, %dma_wait3A_83] : memref<160x128xi32, #tpu.memory_space<vmem>> -> memref<1x128xi32, #tpu.memory_space<vmem>>
      %dma_wait3A_85 = tpu.memref_squeeze %dma_wait3A_84 : memref<1x128xi32, #tpu.memory_space<vmem>> -> memref<128xi32, #tpu.memory_space<vmem>>
      %dma_wait3A_86 = arith.constant 0 : i32
      %dma_wait3A_87 = arith.constant 0 : i32
      %dma_wait3A_88 = tpu.memref_slice %arg2[%dma_wait3A_86, %dma_wait3A_87] : memref<10000x128xf32, #tpu.memory_space<hbm>> -> memref<10000x128xf32, #tpu.memory_space<hbm>>
      tpu.wait_indirect_dma semaphore(%arg11 : memref<!tpu.dma_semaphore, #tpu.memory_space<semaphore_mem>>) src(%dma_wait3A_88 : memref<10000x128xf32, #tpu.memory_space<hbm>>) dst(%dma_wait3A_82 : memref<128x128xf32, #tpu.memory_space<vmem>>)
      %run_scoped3A_89 = arith.constant 1 : i32
      "tpu.region"() ({
        %run_scoped3A_97 = tpu.sem_alloc : memref<!tpu.dma_semaphore, #tpu.memory_space<semaphore_mem>>
        %dma_start3A_98 = arith.constant 0 : i32
        %dma_start3A_99 = arith.constant 0 : i32
        %dma_start3A_100 = tpu.memref_slice %arg8[%run_scoped3A_89, %dma_start3A_98, %dma_start3A_99] : memref<2x128x128xf32, #tpu.memory_space<vmem>> -> memref<1x128x128xf32, #tpu.memory_space<vmem>>
        %dma_start3A_101 = tpu.memref_squeeze %dma_start3A_100 : memref<1x128x128xf32, #tpu.memory_space<vmem>> -> memref<128x128xf32, #tpu.memory_space<vmem>>
        %dma_start3A_102 = arith.constant 0 : i32
        %dma_start3A_103 = tpu.memref_slice %arg7[%add3A_77, %dma_start3A_102] : memref<160x128xi32, #tpu.memory_space<vmem>> -> memref<1x128xi32, #tpu.memory_space<vmem>>
        %dma_start3A_104 = tpu.memref_squeeze %dma_start3A_103 : memref<1x128xi32, #tpu.memory_space<vmem>> -> memref<128xi32, #tpu.memory_space<vmem>>
        %dma_start3A_105 = arith.constant 0 : i32
        %dma_start3A_106 = arith.constant 0 : i32
        %dma_start3A_107 = tpu.memref_slice %arg9[%dma_start3A_105, %dma_start3A_106] : memref<5016x128xf32, #tpu.memory_space<vmem_shared>> -> memref<5016x128xf32, #tpu.memory_space<vmem_shared>>
        tpu.enqueue_indirect_dma source(%dma_start3A_101 : memref<128x128xf32, #tpu.memory_space<vmem>>) target(%dma_start3A_107 : memref<5016x128xf32, #tpu.memory_space<vmem_shared>>) offsets(%dma_start3A_104 : memref<128xi32, #tpu.memory_space<vmem>>) semaphore(%run_scoped3A_97 : memref<!tpu.dma_semaphore, #tpu.memory_space<semaphore_mem>>) {add = true}
        %dma_wait3A_108 = arith.constant 0 : i32
        %dma_wait3A_109 = arith.constant 0 : i32
        %dma_wait3A_110 = tpu.memref_slice %arg8[%run_scoped3A_89, %dma_wait3A_108, %dma_wait3A_109] : memref<2x128x128xf32, #tpu.memory_space<vmem>> -> memref<1x128x128xf32, #tpu.memory_space<vmem>>
        %dma_wait3A_111 = tpu.memref_squeeze %dma_wait3A_110 : memref<1x128x128xf32, #tpu.memory_space<vmem>> -> memref<128x128xf32, #tpu.memory_space<vmem>>
        %dma_wait3A_112 = arith.constant 0 : i32
        %dma_wait3A_113 = tpu.memref_slice %arg7[%add3A_77, %dma_wait3A_112] : memref<160x128xi32, #tpu.memory_space<vmem>> -> memref<1x128xi32, #tpu.memory_space<vmem>>
        %dma_wait3A_114 = tpu.memref_squeeze %dma_wait3A_113 : memref<1x128xi32, #tpu.memory_space<vmem>> -> memref<128xi32, #tpu.memory_space<vmem>>
        %dma_wait3A_115 = arith.constant 0 : i32
        %dma_wait3A_116 = arith.constant 0 : i32
        %dma_wait3A_117 = tpu.memref_slice %arg9[%dma_wait3A_115, %dma_wait3A_116] : memref<5016x128xf32, #tpu.memory_space<vmem_shared>> -> memref<5016x128xf32, #tpu.memory_space<vmem_shared>>
        tpu.wait_indirect_dma semaphore(%run_scoped3A_97 : memref<!tpu.dma_semaphore, #tpu.memory_space<semaphore_mem>>) src(%dma_wait3A_111 : memref<128x128xf32, #tpu.memory_space<vmem>>) dst(%dma_wait3A_117 : memref<5016x128xf32, #tpu.memory_space<vmem_shared>>)
        tpu.yield
      }) : () -> ()
      %add3A_90 = arith.constant 2 : i32
      %add3A_91 = arith.addi %add3A_77, %add3A_90 : i32
      %lt3A_92 = arith.constant 160 : i32
      %lt3A_93 = arith.cmpi slt, %add3A_91, %lt3A_92 : i32
      %convert_element_type3A_94 = arith.extui %lt3A_93 : i1 to i32
      %cond3A_95 = arith.constant 0 : i32
      %cond3A_96 = arith.cmpi ne, %convert_element_type3A_94, %cond3A_95 : i32
      scf.if %cond3A_96 {
        %add3A_97 = arith.constant 2 : i32
        %add3A_98 = arith.addi %add3A_77, %add3A_97 : i32
        %dma_start3A_99 = arith.constant 1 : i32
        %dma_start3A_100 = arith.constant 0 : i32
        %dma_start3A_101 = arith.constant 0 : i32
        %dma_start3A_102 = tpu.memref_slice %arg8[%dma_start3A_99, %dma_start3A_100, %dma_start3A_101] : memref<2x128x128xf32, #tpu.memory_space<vmem>> -> memref<1x128x128xf32, #tpu.memory_space<vmem>>
        %dma_start3A_103 = tpu.memref_squeeze %dma_start3A_102 : memref<1x128x128xf32, #tpu.memory_space<vmem>> -> memref<128x128xf32, #tpu.memory_space<vmem>>
        %dma_start3A_104 = arith.constant 0 : i32
        %dma_start3A_105 = tpu.memref_slice %arg6[%add3A_98, %dma_start3A_104] : memref<160x128xi32, #tpu.memory_space<vmem>> -> memref<1x128xi32, #tpu.memory_space<vmem>>
        %dma_start3A_106 = tpu.memref_squeeze %dma_start3A_105 : memref<1x128xi32, #tpu.memory_space<vmem>> -> memref<128xi32, #tpu.memory_space<vmem>>
        %dma_start3A_107 = arith.constant 0 : i32
        %dma_start3A_108 = arith.constant 0 : i32
        %dma_start3A_109 = tpu.memref_slice %arg2[%dma_start3A_107, %dma_start3A_108] : memref<10000x128xf32, #tpu.memory_space<hbm>> -> memref<10000x128xf32, #tpu.memory_space<hbm>>
        tpu.enqueue_indirect_dma source(%dma_start3A_109 : memref<10000x128xf32, #tpu.memory_space<hbm>>) target(%dma_start3A_103 : memref<128x128xf32, #tpu.memory_space<vmem>>) offsets(%dma_start3A_106 : memref<128xi32, #tpu.memory_space<vmem>>) semaphore(%arg11 : memref<!tpu.dma_semaphore, #tpu.memory_space<semaphore_mem>>)
      } else {
      }
    }
    %scan3A_41 = arith.constant 80 : i32
    %barrier3A_42 = arith.constant 0 : index
    tpu.barrier barrier_id(%barrier3A_42)
    %mul3A_43 = arith.constant 312 : i32
    %mul3A_44 = arith.muli %arg1, %mul3A_43 : i32
    %mul3A_45 = arith.constant 312 : i32
    %mul3A_46 = arith.muli %arg1, %mul3A_45 : i32
    %add3A_47 = arith.addi %mul3A_0, %mul3A_46 : i32
    "tpu.region"() ({
      %run_scoped3A = tpu.sem_alloc : memref<!tpu.dma_semaphore, #tpu.memory_space<semaphore_mem>>
      %dma_start3A_53 = arith.constant 0 : i32
      %dma_start3A_54 = tpu.memref_slice %arg5[%add3A_47, %dma_start3A_53] : memref<10000x128xf32, #tpu.memory_space<hbm>> -> memref<312x128xf32, #tpu.memory_space<hbm>>
      %dma_start3A_55 = arith.constant 0 : i32
      %dma_start3A_56 = tpu.memref_slice %arg9[%mul3A_44, %dma_start3A_55] : memref<5016x128xf32, #tpu.memory_space<vmem_shared>> -> memref<312x128xf32, #tpu.memory_space<vmem_shared>>
      tpu.enqueue_dma source(%dma_start3A_56 : memref<312x128xf32, #tpu.memory_space<vmem_shared>>) target(%dma_start3A_54 : memref<312x128xf32, #tpu.memory_space<hbm>>) target_semaphore(%run_scoped3A : memref<!tpu.dma_semaphore, #tpu.memory_space<semaphore_mem>>)
      %dma_wait3A = arith.constant 0 : i32
      %dma_wait3A_57 = tpu.memref_slice %arg5[%add3A_47, %dma_wait3A] : memref<10000x128xf32, #tpu.memory_space<hbm>> -> memref<312x128xf32, #tpu.memory_space<hbm>>
      %dma_wait3A_58 = arith.constant 0 : i32
      %dma_wait3A_59 = tpu.memref_slice %arg9[%mul3A_44, %dma_wait3A_58] : memref<5016x128xf32, #tpu.memory_space<vmem_shared>> -> memref<312x128xf32, #tpu.memory_space<vmem_shared>>
      tpu.wait_dma2 semaphore(%run_scoped3A : memref<!tpu.dma_semaphore, #tpu.memory_space<semaphore_mem>>) src(%dma_wait3A_59 : memref<312x128xf32, #tpu.memory_space<vmem_shared>>) dst(%dma_wait3A_57 : memref<312x128xf32, #tpu.memory_space<hbm>>)
      tpu.yield
    }) : () -> ()
    %eq3A_48 = arith.constant 0 : i32
    %eq3A_49 = arith.cmpi eq, %arg1, %eq3A_48 : i32
    %convert_element_type3A_50 = arith.extui %eq3A_49 : i1 to i32
    %cond3A_51 = arith.constant 0 : i32
    %cond3A_52 = arith.cmpi ne, %convert_element_type3A_50, %cond3A_51 : i32
    scf.if %cond3A_52 {
      %add3A_53 = arith.constant 4992 : i32
      %add3A_54 = arith.addi %mul3A_0, %add3A_53 : i32
      "tpu.region"() ({
        %run_scoped3A = tpu.sem_alloc : memref<!tpu.dma_semaphore, #tpu.memory_space<semaphore_mem>>
        %dma_start3A_55 = arith.constant 0 : i32
        %dma_start3A_56 = tpu.memref_slice %arg5[%add3A_54, %dma_start3A_55] : memref<10000x128xf32, #tpu.memory_space<hbm>> -> memref<8x128xf32, #tpu.memory_space<hbm>>
        %dma_start3A_57 = arith.constant 4992 : i32
        %dma_start3A_58 = arith.constant 0 : i32
        %dma_start3A_59 = tpu.memref_slice %arg9[%dma_start3A_57, %dma_start3A_58] : memref<5016x128xf32, #tpu.memory_space<vmem_shared>> -> memref<8x128xf32, #tpu.memory_space<vmem_shared>>
        tpu.enqueue_dma source(%dma_start3A_59 : memref<8x128xf32, #tpu.memory_space<vmem_shared>>) target(%dma_start3A_56 : memref<8x128xf32, #tpu.memory_space<hbm>>) target_semaphore(%run_scoped3A : memref<!tpu.dma_semaphore, #tpu.memory_space<semaphore_mem>>)
        %dma_wait3A = arith.constant 0 : i32
        %dma_wait3A_60 = tpu.memref_slice %arg5[%add3A_54, %dma_wait3A] : memref<10000x128xf32, #tpu.memory_space<hbm>> -> memref<8x128xf32, #tpu.memory_space<hbm>>
        %dma_wait3A_61 = arith.constant 4992 : i32
        %dma_wait3A_62 = arith.constant 0 : i32
        %dma_wait3A_63 = tpu.memref_slice %arg9[%dma_wait3A_61, %dma_wait3A_62] : memref<5016x128xf32, #tpu.memory_space<vmem_shared>> -> memref<8x128xf32, #tpu.memory_space<vmem_shared>>
        tpu.wait_dma2 semaphore(%run_scoped3A : memref<!tpu.dma_semaphore, #tpu.memory_space<semaphore_mem>>) src(%dma_wait3A_63 : memref<8x128xf32, #tpu.memory_space<vmem_shared>>) dst(%dma_wait3A_60 : memref<8x128xf32, #tpu.memory_space<hbm>>)
        tpu.yield
      }) : () -> ()
    } else {
    }
    return
  }
}

#map = affine_map<(d0, d1) -> (0, 0)>
#map1 = affine_map<(d0, d1) -> (0, 0, 0)>
module attributes {stable_mosaic.version = 14 : i64} {
  func.func @agg_kernel(%arg0: i32, %arg1: i32, %arg2: memref<10000x128xf32, #tpu.memory_space<hbm>>, %arg3: memref<16x160x128xi32, #tpu.memory_space<hbm>>, %arg4: memref<16x160x128xi32, #tpu.memory_space<hbm>>, %arg5: memref<10000x128xf32, #tpu.memory_space<hbm>>, %arg6: memref<160x128xi32, #tpu.memory_space<vmem>>, %arg7: memref<160x128xi32, #tpu.memory_space<vmem>>, %arg8: memref<2x128x128xf32, #tpu.memory_space<vmem>>, %arg9: memref<5016x128xf32, #tpu.memory_space<vmem_shared>>, %arg10: memref<!tpu.dma_semaphore, #tpu.memory_space<semaphore_mem>>, %arg11: memref<!tpu.dma_semaphore, #tpu.memory_space<semaphore_mem>>) attributes {dimension_semantics = [#tpu.dimension_semantics<core_parallel>, #tpu.dimension_semantics<subcore_parallel>], iteration_bounds = array<i64: 2, 16>, scalar_prefetch = 0 : i64, scratch_operands = 6 : i64, tpu.core_type = #tpu.core_type<sc_vector_subcore>, window_params = [{transform_indices = #map}, {transform_indices = #map1}, {transform_indices = #map1}, {transform_indices = #map}]} {
    %mul3A = arith.constant 5000 : i32
    %mul3A_0 = arith.muli %arg0, %mul3A : i32
    "tpu.region"() ({
      %run_scoped3A = tpu.sem_alloc : memref<!tpu.dma_semaphore, #tpu.memory_space<semaphore_mem>>
      %dma_start3A_53 = arith.constant 0 : i32
      %dma_start3A_54 = arith.constant 0 : i32
      %dma_start3A_55 = tpu.memref_slice %arg3[%arg1, %dma_start3A_53, %dma_start3A_54] : memref<16x160x128xi32, #tpu.memory_space<hbm>> -> memref<1x160x128xi32, #tpu.memory_space<hbm>>
      %dma_start3A_56 = tpu.memref_squeeze %dma_start3A_55 : memref<1x160x128xi32, #tpu.memory_space<hbm>> -> memref<160x128xi32, #tpu.memory_space<hbm>>
      %dma_start3A_57 = arith.constant 0 : i32
      %dma_start3A_58 = arith.constant 0 : i32
      %dma_start3A_59 = tpu.memref_slice %arg3[%arg1, %dma_start3A_57, %dma_start3A_58] : memref<16x160x128xi32, #tpu.memory_space<hbm>> -> memref<1x160x128xi32, #tpu.memory_space<hbm>>
      %dma_start3A_60 = tpu.memref_squeeze %dma_start3A_59 : memref<1x160x128xi32, #tpu.memory_space<hbm>> -> memref<160x128xi32, #tpu.memory_space<hbm>>
      tpu.enqueue_dma source(%dma_start3A_60 : memref<160x128xi32, #tpu.memory_space<hbm>>) target(%arg6 : memref<160x128xi32, #tpu.memory_space<vmem>>) target_semaphore(%run_scoped3A : memref<!tpu.dma_semaphore, #tpu.memory_space<semaphore_mem>>)
      %dma_wait3A = arith.constant 0 : i32
      %dma_wait3A_61 = arith.constant 0 : i32
      %dma_wait3A_62 = tpu.memref_slice %arg3[%arg1, %dma_wait3A, %dma_wait3A_61] : memref<16x160x128xi32, #tpu.memory_space<hbm>> -> memref<1x160x128xi32, #tpu.memory_space<hbm>>
      %dma_wait3A_63 = tpu.memref_squeeze %dma_wait3A_62 : memref<1x160x128xi32, #tpu.memory_space<hbm>> -> memref<160x128xi32, #tpu.memory_space<hbm>>
      %dma_wait3A_64 = arith.constant 0 : i32
      %dma_wait3A_65 = arith.constant 0 : i32
      %dma_wait3A_66 = tpu.memref_slice %arg3[%arg1, %dma_wait3A_64, %dma_wait3A_65] : memref<16x160x128xi32, #tpu.memory_space<hbm>> -> memref<1x160x128xi32, #tpu.memory_space<hbm>>
      %dma_wait3A_67 = tpu.memref_squeeze %dma_wait3A_66 : memref<1x160x128xi32, #tpu.memory_space<hbm>> -> memref<160x128xi32, #tpu.memory_space<hbm>>
      tpu.wait_dma2 semaphore(%run_scoped3A : memref<!tpu.dma_semaphore, #tpu.memory_space<semaphore_mem>>) src(%dma_wait3A_67 : memref<160x128xi32, #tpu.memory_space<hbm>>) dst(%arg6 : memref<160x128xi32, #tpu.memory_space<vmem>>)
      tpu.yield
    }) : () -> ()
    "tpu.region"() ({
      %run_scoped3A = tpu.sem_alloc : memref<!tpu.dma_semaphore, #tpu.memory_space<semaphore_mem>>
      %dma_start3A_53 = arith.constant 0 : i32
      %dma_start3A_54 = arith.constant 0 : i32
      %dma_start3A_55 = tpu.memref_slice %arg4[%arg1, %dma_start3A_53, %dma_start3A_54] : memref<16x160x128xi32, #tpu.memory_space<hbm>> -> memref<1x160x128xi32, #tpu.memory_space<hbm>>
      %dma_start3A_56 = tpu.memref_squeeze %dma_start3A_55 : memref<1x160x128xi32, #tpu.memory_space<hbm>> -> memref<160x128xi32, #tpu.memory_space<hbm>>
      %dma_start3A_57 = arith.constant 0 : i32
      %dma_start3A_58 = arith.constant 0 : i32
      %dma_start3A_59 = tpu.memref_slice %arg4[%arg1, %dma_start3A_57, %dma_start3A_58] : memref<16x160x128xi32, #tpu.memory_space<hbm>> -> memref<1x160x128xi32, #tpu.memory_space<hbm>>
      %dma_start3A_60 = tpu.memref_squeeze %dma_start3A_59 : memref<1x160x128xi32, #tpu.memory_space<hbm>> -> memref<160x128xi32, #tpu.memory_space<hbm>>
      tpu.enqueue_dma source(%dma_start3A_60 : memref<160x128xi32, #tpu.memory_space<hbm>>) target(%arg7 : memref<160x128xi32, #tpu.memory_space<vmem>>) target_semaphore(%run_scoped3A : memref<!tpu.dma_semaphore, #tpu.memory_space<semaphore_mem>>)
      %dma_wait3A = arith.constant 0 : i32
      %dma_wait3A_61 = arith.constant 0 : i32
      %dma_wait3A_62 = tpu.memref_slice %arg4[%arg1, %dma_wait3A, %dma_wait3A_61] : memref<16x160x128xi32, #tpu.memory_space<hbm>> -> memref<1x160x128xi32, #tpu.memory_space<hbm>>
      %dma_wait3A_63 = tpu.memref_squeeze %dma_wait3A_62 : memref<1x160x128xi32, #tpu.memory_space<hbm>> -> memref<160x128xi32, #tpu.memory_space<hbm>>
      %dma_wait3A_64 = arith.constant 0 : i32
      %dma_wait3A_65 = arith.constant 0 : i32
      %dma_wait3A_66 = tpu.memref_slice %arg4[%arg1, %dma_wait3A_64, %dma_wait3A_65] : memref<16x160x128xi32, #tpu.memory_space<hbm>> -> memref<1x160x128xi32, #tpu.memory_space<hbm>>
      %dma_wait3A_67 = tpu.memref_squeeze %dma_wait3A_66 : memref<1x160x128xi32, #tpu.memory_space<hbm>> -> memref<160x128xi32, #tpu.memory_space<hbm>>
      tpu.wait_dma2 semaphore(%run_scoped3A : memref<!tpu.dma_semaphore, #tpu.memory_space<semaphore_mem>>) src(%dma_wait3A_67 : memref<160x128xi32, #tpu.memory_space<hbm>>) dst(%arg7 : memref<160x128xi32, #tpu.memory_space<vmem>>)
      tpu.yield
    }) : () -> ()
    %add3A = arith.constant 5000 : i32
    %add3A_1 = arith.addi %add3A, %arg1 : i32
    %broadcast_in_dim3A = vector.broadcast %add3A_1 : i32 to vector<16xi32>
    %broadcast_in_dim3A_2 = vector.broadcast %mul3A_0 : i32 to vector<16xi32>
    %scan3A = arith.constant 0 : i32
    %scan3A_3 = arith.constant 1280 : i32
    %scan3A_4 = arith.addi %scan3A, %scan3A_3 : i32
    %scan3A_5 = arith.constant 1 : i32
    scf.for %scan3A_53 = %scan3A to %scan3A_4 step %scan3A_5  : i32 {
      %jit3A = arith.constant 8 : i32
      %div3A = arith.divsi %scan3A_53, %jit3A : i32
      %sign3A = arith.constant 0 : i32
      %sign3A_54 = arith.cmpi sgt, %scan3A_53, %sign3A : i32
      %sign3A_55 = arith.extui %sign3A_54 : i1 to i32
      %sign3A_56 = arith.constant 0 : i32
      %sign3A_57 = arith.cmpi slt, %scan3A_53, %sign3A_56 : i32
      %sign3A_58 = arith.extui %sign3A_57 : i1 to i32
      %sign3A_59 = arith.subi %sign3A_55, %sign3A_58 : i32
      %sign3A_60 = arith.constant 0 : i32
      %sign3A_61 = arith.cmpi sgt, %jit3A, %sign3A_60 : i32
      %sign3A_62 = arith.extui %sign3A_61 : i1 to i32
      %sign3A_63 = arith.constant 0 : i32
      %sign3A_64 = arith.cmpi slt, %jit3A, %sign3A_63 : i32
      %sign3A_65 = arith.extui %sign3A_64 : i1 to i32
      %sign3A_66 = arith.subi %sign3A_62, %sign3A_65 : i32
      %ne3A = arith.cmpi ne, %sign3A_59, %sign3A_66 : i32
      %rem3A = arith.remsi %scan3A_53, %jit3A : i32
      %ne3A_67 = arith.constant 0 : i32
      %ne3A_68 = arith.cmpi ne, %rem3A, %ne3A_67 : i32
      %and3A = arith.andi %ne3A, %ne3A_68 : i1
      %sub3A = arith.constant 1 : i32
      %sub3A_69 = arith.subi %div3A, %sub3A : i32
      %select_n3A = arith.select %and3A, %sub3A_69, %div3A : i32
      %jit3A_70 = arith.constant 8 : i32
      %eq3A_71 = arith.constant 0 : i32
      %eq3A_72 = arith.cmpi eq, %jit3A_70, %eq3A_71 : i32
      %jit3A_73 = arith.constant 1 : i32
      %select_n3A_74 = arith.select %eq3A_72, %jit3A_73, %jit3A_70 : i32
      %rem3A_75 = arith.remsi %scan3A_53, %select_n3A_74 : i32
      %ne3A_76 = arith.constant 0 : i32
      %ne3A_77 = arith.cmpi ne, %rem3A_75, %ne3A_76 : i32
      %lt3A = arith.constant 0 : i32
      %lt3A_78 = arith.cmpi slt, %rem3A_75, %lt3A : i32
      %lt3A_79 = arith.constant 0 : i32
      %lt3A_80 = arith.cmpi slt, %select_n3A_74, %lt3A_79 : i32
      %ne3A_81 = arith.xori %lt3A_78, %lt3A_80 : i1
      %and3A_82 = arith.andi %ne3A_81, %ne3A_77 : i1
      %add3A_83 = arith.addi %rem3A_75, %select_n3A_74 : i32
      %select_n3A_84 = arith.select %and3A_82, %add3A_83, %rem3A_75 : i32
      %mul3A_85 = arith.constant 16 : i32
      %mul3A_86 = arith.muli %select_n3A_84, %mul3A_85 : i32
      %get3A = arith.index_cast %select_n3A : i32 to index
      %get3A_87 = arith.index_cast %mul3A_86 : i32 to index
      %get3A_88 = tpu.vector_load %arg7[%get3A, %get3A_87] {strides = array<i32>} : memref<160x128xi32, #tpu.memory_space<vmem>>, vector<1x16xi32>,
      %get3A_89 = vector.shape_cast %get3A_88 : vector<1x16xi32> to vector<16xi32>
      %sub3A_90 = arith.subi %get3A_89, %broadcast_in_dim3A_2 : vector<16xi32>
      %ge3A = arith.constant 0 : i32
      %ge3A_91 = vector.broadcast %ge3A : i32 to vector<16xi32>
      %ge3A_92 = arith.cmpi sge, %sub3A_90, %ge3A_91 : vector<16xi32>
      %lt3A_93 = arith.constant 5000 : i32
      %lt3A_94 = vector.broadcast %lt3A_93 : i32 to vector<16xi32>
      %lt3A_95 = arith.cmpi slt, %sub3A_90, %lt3A_94 : vector<16xi32>
      %and3A_96 = arith.andi %ge3A_92, %lt3A_95 : vector<16xi1>
      %select_n3A_97 = arith.select %and3A_96, %sub3A_90, %broadcast_in_dim3A : vector<16xi1>, vector<16xi32>
      %swap3A = arith.index_cast %select_n3A : i32 to index
      %swap3A_98 = arith.index_cast %mul3A_86 : i32 to index
      %swap3A_99 = tpu.vector_load %arg7[%swap3A, %swap3A_98] {strides = array<i32>} : memref<160x128xi32, #tpu.memory_space<vmem>>, vector<1x16xi32>,
      %swap3A_100 = vector.shape_cast %swap3A_99 : vector<1x16xi32> to vector<16xi32>
      %swap3A_101 = vector.shape_cast %select_n3A_97 : vector<16xi32> to vector<1x16xi32>
      tpu.vector_store %arg7[%swap3A, %swap3A_98], %swap3A_101 {strides = array<i32>} : memref<160x128xi32, #tpu.memory_space<vmem>>, vector<1x16xi32>,
    }
    %scan3A_6 = arith.constant 1280 : i32
    %mul3A_7 = arith.constant 312 : i32
    %mul3A_8 = arith.muli %arg1, %mul3A_7 : i32
    %add3A_9 = arith.addi %mul3A_0, %mul3A_8 : i32
    %mul3A_10 = arith.constant 312 : i32
    %mul3A_11 = arith.muli %arg1, %mul3A_10 : i32
    "tpu.region"() ({
      %run_scoped3A = tpu.sem_alloc : memref<!tpu.dma_semaphore, #tpu.memory_space<semaphore_mem>>
      %dma_start3A_53 = arith.constant 0 : i32
      %dma_start3A_54 = tpu.memref_slice %arg9[%mul3A_11, %dma_start3A_53] : memref<5016x128xf32, #tpu.memory_space<vmem_shared>> -> memref<312x128xf32, #tpu.memory_space<vmem_shared>>
      %dma_start3A_55 = arith.constant 0 : i32
      %dma_start3A_56 = tpu.memref_slice %arg2[%add3A_9, %dma_start3A_55] : memref<10000x128xf32, #tpu.memory_space<hbm>> -> memref<312x128xf32, #tpu.memory_space<hbm>>
      tpu.enqueue_dma source(%dma_start3A_56 : memref<312x128xf32, #tpu.memory_space<hbm>>) target(%dma_start3A_54 : memref<312x128xf32, #tpu.memory_space<vmem_shared>>) target_semaphore(%run_scoped3A : memref<!tpu.dma_semaphore, #tpu.memory_space<semaphore_mem>>)
      %dma_wait3A = arith.constant 0 : i32
      %dma_wait3A_57 = tpu.memref_slice %arg9[%mul3A_11, %dma_wait3A] : memref<5016x128xf32, #tpu.memory_space<vmem_shared>> -> memref<312x128xf32, #tpu.memory_space<vmem_shared>>
      %dma_wait3A_58 = arith.constant 0 : i32
      %dma_wait3A_59 = tpu.memref_slice %arg2[%add3A_9, %dma_wait3A_58] : memref<10000x128xf32, #tpu.memory_space<hbm>> -> memref<312x128xf32, #tpu.memory_space<hbm>>
      tpu.wait_dma2 semaphore(%run_scoped3A : memref<!tpu.dma_semaphore, #tpu.memory_space<semaphore_mem>>) src(%dma_wait3A_59 : memref<312x128xf32, #tpu.memory_space<hbm>>) dst(%dma_wait3A_57 : memref<312x128xf32, #tpu.memory_space<vmem_shared>>)
      tpu.yield
    }) : () -> ()
    %eq3A = arith.constant 0 : i32
    %eq3A_12 = arith.cmpi eq, %arg1, %eq3A : i32
    %convert_element_type3A = arith.extui %eq3A_12 : i1 to i32
    %cond3A = arith.constant 0 : i32
    %cond3A_13 = arith.cmpi ne, %convert_element_type3A, %cond3A : i32
    scf.if %cond3A_13 {
      %add3A_53 = arith.constant 4992 : i32
      %add3A_54 = arith.addi %mul3A_0, %add3A_53 : i32
      "tpu.region"() ({
        %run_scoped3A = tpu.sem_alloc : memref<!tpu.dma_semaphore, #tpu.memory_space<semaphore_mem>>
        %dma_start3A_55 = arith.constant 4992 : i32
        %dma_start3A_56 = arith.constant 0 : i32
        %dma_start3A_57 = tpu.memref_slice %arg9[%dma_start3A_55, %dma_start3A_56] : memref<5016x128xf32, #tpu.memory_space<vmem_shared>> -> memref<8x128xf32, #tpu.memory_space<vmem_shared>>
        %dma_start3A_58 = arith.constant 0 : i32
        %dma_start3A_59 = tpu.memref_slice %arg2[%add3A_54, %dma_start3A_58] : memref<10000x128xf32, #tpu.memory_space<hbm>> -> memref<8x128xf32, #tpu.memory_space<hbm>>
        tpu.enqueue_dma source(%dma_start3A_59 : memref<8x128xf32, #tpu.memory_space<hbm>>) target(%dma_start3A_57 : memref<8x128xf32, #tpu.memory_space<vmem_shared>>) target_semaphore(%run_scoped3A : memref<!tpu.dma_semaphore, #tpu.memory_space<semaphore_mem>>)
        %dma_wait3A = arith.constant 4992 : i32
        %dma_wait3A_60 = arith.constant 0 : i32
        %dma_wait3A_61 = tpu.memref_slice %arg9[%dma_wait3A, %dma_wait3A_60] : memref<5016x128xf32, #tpu.memory_space<vmem_shared>> -> memref<8x128xf32, #tpu.memory_space<vmem_shared>>
        %dma_wait3A_62 = arith.constant 0 : i32
        %dma_wait3A_63 = tpu.memref_slice %arg2[%add3A_54, %dma_wait3A_62] : memref<10000x128xf32, #tpu.memory_space<hbm>> -> memref<8x128xf32, #tpu.memory_space<hbm>>
        tpu.wait_dma2 semaphore(%run_scoped3A : memref<!tpu.dma_semaphore, #tpu.memory_space<semaphore_mem>>) src(%dma_wait3A_63 : memref<8x128xf32, #tpu.memory_space<hbm>>) dst(%dma_wait3A_61 : memref<8x128xf32, #tpu.memory_space<vmem_shared>>)
        tpu.yield
      }) : () -> ()
    } else {
    }
    %barrier3A = arith.constant 0 : index
    tpu.barrier barrier_id(%barrier3A)
    %dma_start3A = arith.constant 0 : i32
    %dma_start3A_14 = arith.constant 0 : i32
    %dma_start3A_15 = arith.constant 0 : i32
    %dma_start3A_16 = arith.constant 0 : i32
    %dma_start3A_17 = tpu.memref_slice %arg8[%dma_start3A_14, %dma_start3A_15, %dma_start3A_16] : memref<2x128x128xf32, #tpu.memory_space<vmem>> -> memref<1x128x128xf32, #tpu.memory_space<vmem>>
    %dma_start3A_18 = tpu.memref_squeeze %dma_start3A_17 : memref<1x128x128xf32, #tpu.memory_space<vmem>> -> memref<128x128xf32, #tpu.memory_space<vmem>>
    %dma_start3A_19 = arith.constant 0 : i32
    %dma_start3A_20 = tpu.memref_slice %arg6[%dma_start3A, %dma_start3A_19] : memref<160x128xi32, #tpu.memory_space<vmem>> -> memref<1x128xi32, #tpu.memory_space<vmem>>
    %dma_start3A_21 = tpu.memref_squeeze %dma_start3A_20 : memref<1x128xi32, #tpu.memory_space<vmem>> -> memref<128xi32, #tpu.memory_space<vmem>>
    %dma_start3A_22 = arith.constant 0 : i32
    %dma_start3A_23 = arith.constant 0 : i32
    %dma_start3A_24 = tpu.memref_slice %arg2[%dma_start3A_22, %dma_start3A_23] : memref<10000x128xf32, #tpu.memory_space<hbm>> -> memref<10000x128xf32, #tpu.memory_space<hbm>>
    tpu.enqueue_indirect_dma source(%dma_start3A_24 : memref<10000x128xf32, #tpu.memory_space<hbm>>) target(%dma_start3A_18 : memref<128x128xf32, #tpu.memory_space<vmem>>) offsets(%dma_start3A_21 : memref<128xi32, #tpu.memory_space<vmem>>) semaphore(%arg10 : memref<!tpu.dma_semaphore, #tpu.memory_space<semaphore_mem>>)
    %dma_start3A_25 = arith.constant 1 : i32
    %dma_start3A_26 = arith.constant 1 : i32
    %dma_start3A_27 = arith.constant 0 : i32
    %dma_start3A_28 = arith.constant 0 : i32
    %dma_start3A_29 = tpu.memref_slice %arg8[%dma_start3A_26, %dma_start3A_27, %dma_start3A_28] : memref<2x128x128xf32, #tpu.memory_space<vmem>> -> memref<1x128x128xf32, #tpu.memory_space<vmem>>
    %dma_start3A_30 = tpu.memref_squeeze %dma_start3A_29 : memref<1x128x128xf32, #tpu.memory_space<vmem>> -> memref<128x128xf32, #tpu.memory_space<vmem>>
    %dma_start3A_31 = arith.constant 0 : i32
    %dma_start3A_32 = tpu.memref_slice %arg6[%dma_start3A_25, %dma_start3A_31] : memref<160x128xi32, #tpu.memory_space<vmem>> -> memref<1x128xi32, #tpu.memory_space<vmem>>
    %dma_start3A_33 = tpu.memref_squeeze %dma_start3A_32 : memref<1x128xi32, #tpu.memory_space<vmem>> -> memref<128xi32, #tpu.memory_space<vmem>>
    %dma_start3A_34 = arith.constant 0 : i32
    %dma_start3A_35 = arith.constant 0 : i32
    %dma_start3A_36 = tpu.memref_slice %arg2[%dma_start3A_34, %dma_start3A_35] : memref<10000x128xf32, #tpu.memory_space<hbm>> -> memref<10000x128xf32, #tpu.memory_space<hbm>>
    tpu.enqueue_indirect_dma source(%dma_start3A_36 : memref<10000x128xf32, #tpu.memory_space<hbm>>) target(%dma_start3A_30 : memref<128x128xf32, #tpu.memory_space<vmem>>) offsets(%dma_start3A_33 : memref<128xi32, #tpu.memory_space<vmem>>) semaphore(%arg11 : memref<!tpu.dma_semaphore, #tpu.memory_space<semaphore_mem>>)
    %scan3A_37 = arith.constant 0 : i32
    %scan3A_38 = arith.constant 80 : i32
    %scan3A_39 = arith.addi %scan3A_37, %scan3A_38 : i32
    %scan3A_40 = arith.constant 1 : i32
    scf.for %scan3A_53 = %scan3A_37 to %scan3A_39 step %scan3A_40  : i32 {
      %mul3A_54 = arith.constant 2 : i32
      %mul3A_55 = arith.muli %scan3A_53, %mul3A_54 : i32
      %add3A_56 = arith.constant 0 : i32
      %add3A_57 = arith.addi %mul3A_55, %add3A_56 : i32
      %dma_wait3A = arith.constant 0 : i32
      %dma_wait3A_58 = arith.constant 0 : i32
      %dma_wait3A_59 = arith.constant 0 : i32
      %dma_wait3A_60 = tpu.memref_slice %arg8[%dma_wait3A, %dma_wait3A_58, %dma_wait3A_59] : memref<2x128x128xf32, #tpu.memory_space<vmem>> -> memref<1x128x128xf32, #tpu.memory_space<vmem>>
      %dma_wait3A_61 = tpu.memref_squeeze %dma_wait3A_60 : memref<1x128x128xf32, #tpu.memory_space<vmem>> -> memref<128x128xf32, #tpu.memory_space<vmem>>
      %dma_wait3A_62 = arith.constant 0 : i32
      %dma_wait3A_63 = tpu.memref_slice %arg6[%add3A_57, %dma_wait3A_62] : memref<160x128xi32, #tpu.memory_space<vmem>> -> memref<1x128xi32, #tpu.memory_space<vmem>>
      %dma_wait3A_64 = tpu.memref_squeeze %dma_wait3A_63 : memref<1x128xi32, #tpu.memory_space<vmem>> -> memref<128xi32, #tpu.memory_space<vmem>>
      %dma_wait3A_65 = arith.constant 0 : i32
      %dma_wait3A_66 = arith.constant 0 : i32
      %dma_wait3A_67 = tpu.memref_slice %arg2[%dma_wait3A_65, %dma_wait3A_66] : memref<10000x128xf32, #tpu.memory_space<hbm>> -> memref<10000x128xf32, #tpu.memory_space<hbm>>
      tpu.wait_indirect_dma semaphore(%arg10 : memref<!tpu.dma_semaphore, #tpu.memory_space<semaphore_mem>>) src(%dma_wait3A_67 : memref<10000x128xf32, #tpu.memory_space<hbm>>) dst(%dma_wait3A_61 : memref<128x128xf32, #tpu.memory_space<vmem>>)
      %run_scoped3A = arith.constant 0 : i32
      "tpu.region"() ({
        %run_scoped3A_97 = tpu.sem_alloc : memref<!tpu.dma_semaphore, #tpu.memory_space<semaphore_mem>>
        %dma_start3A_98 = arith.constant 0 : i32
        %dma_start3A_99 = arith.constant 0 : i32
        %dma_start3A_100 = tpu.memref_slice %arg8[%run_scoped3A, %dma_start3A_98, %dma_start3A_99] : memref<2x128x128xf32, #tpu.memory_space<vmem>> -> memref<1x128x128xf32, #tpu.memory_space<vmem>>
        %dma_start3A_101 = tpu.memref_squeeze %dma_start3A_100 : memref<1x128x128xf32, #tpu.memory_space<vmem>> -> memref<128x128xf32, #tpu.memory_space<vmem>>
        %dma_start3A_102 = arith.constant 0 : i32
        %dma_start3A_103 = tpu.memref_slice %arg7[%add3A_57, %dma_start3A_102] : memref<160x128xi32, #tpu.memory_space<vmem>> -> memref<1x128xi32, #tpu.memory_space<vmem>>
        %dma_start3A_104 = tpu.memref_squeeze %dma_start3A_103 : memref<1x128xi32, #tpu.memory_space<vmem>> -> memref<128xi32, #tpu.memory_space<vmem>>
        %dma_start3A_105 = arith.constant 0 : i32
        %dma_start3A_106 = arith.constant 0 : i32
        %dma_start3A_107 = tpu.memref_slice %arg9[%dma_start3A_105, %dma_start3A_106] : memref<5016x128xf32, #tpu.memory_space<vmem_shared>> -> memref<5016x128xf32, #tpu.memory_space<vmem_shared>>
        tpu.enqueue_indirect_dma source(%dma_start3A_101 : memref<128x128xf32, #tpu.memory_space<vmem>>) target(%dma_start3A_107 : memref<5016x128xf32, #tpu.memory_space<vmem_shared>>) offsets(%dma_start3A_104 : memref<128xi32, #tpu.memory_space<vmem>>) semaphore(%run_scoped3A_97 : memref<!tpu.dma_semaphore, #tpu.memory_space<semaphore_mem>>) {add = true}
        %dma_wait3A_108 = arith.constant 0 : i32
        %dma_wait3A_109 = arith.constant 0 : i32
        %dma_wait3A_110 = tpu.memref_slice %arg8[%run_scoped3A, %dma_wait3A_108, %dma_wait3A_109] : memref<2x128x128xf32, #tpu.memory_space<vmem>> -> memref<1x128x128xf32, #tpu.memory_space<vmem>>
        %dma_wait3A_111 = tpu.memref_squeeze %dma_wait3A_110 : memref<1x128x128xf32, #tpu.memory_space<vmem>> -> memref<128x128xf32, #tpu.memory_space<vmem>>
        %dma_wait3A_112 = arith.constant 0 : i32
        %dma_wait3A_113 = tpu.memref_slice %arg7[%add3A_57, %dma_wait3A_112] : memref<160x128xi32, #tpu.memory_space<vmem>> -> memref<1x128xi32, #tpu.memory_space<vmem>>
        %dma_wait3A_114 = tpu.memref_squeeze %dma_wait3A_113 : memref<1x128xi32, #tpu.memory_space<vmem>> -> memref<128xi32, #tpu.memory_space<vmem>>
        %dma_wait3A_115 = arith.constant 0 : i32
        %dma_wait3A_116 = arith.constant 0 : i32
        %dma_wait3A_117 = tpu.memref_slice %arg9[%dma_wait3A_115, %dma_wait3A_116] : memref<5016x128xf32, #tpu.memory_space<vmem_shared>> -> memref<5016x128xf32, #tpu.memory_space<vmem_shared>>
        tpu.wait_indirect_dma semaphore(%run_scoped3A_97 : memref<!tpu.dma_semaphore, #tpu.memory_space<semaphore_mem>>) src(%dma_wait3A_111 : memref<128x128xf32, #tpu.memory_space<vmem>>) dst(%dma_wait3A_117 : memref<5016x128xf32, #tpu.memory_space<vmem_shared>>)
        tpu.yield
      }) : () -> ()
      %add3A_68 = arith.constant 2 : i32
      %add3A_69 = arith.addi %add3A_57, %add3A_68 : i32
      %lt3A = arith.constant 160 : i32
      %lt3A_70 = arith.cmpi slt, %add3A_69, %lt3A : i32
      %convert_element_type3A_71 = arith.extui %lt3A_70 : i1 to i32
      %cond3A_72 = arith.constant 0 : i32
      %cond3A_73 = arith.cmpi ne, %convert_element_type3A_71, %cond3A_72 : i32
      scf.if %cond3A_73 {
        %add3A_97 = arith.constant 2 : i32
        %add3A_98 = arith.addi %add3A_57, %add3A_97 : i32
        %dma_start3A_99 = arith.constant 0 : i32
        %dma_start3A_100 = arith.constant 0 : i32
        %dma_start3A_101 = arith.constant 0 : i32
        %dma_start3A_102 = tpu.memref_slice %arg8[%dma_start3A_99, %dma_start3A_100, %dma_start3A_101] : memref<2x128x128xf32, #tpu.memory_space<vmem>> -> memref<1x128x128xf32, #tpu.memory_space<vmem>>
        %dma_start3A_103 = tpu.memref_squeeze %dma_start3A_102 : memref<1x128x128xf32, #tpu.memory_space<vmem>> -> memref<128x128xf32, #tpu.memory_space<vmem>>
        %dma_start3A_104 = arith.constant 0 : i32
        %dma_start3A_105 = tpu.memref_slice %arg6[%add3A_98, %dma_start3A_104] : memref<160x128xi32, #tpu.memory_space<vmem>> -> memref<1x128xi32, #tpu.memory_space<vmem>>
        %dma_start3A_106 = tpu.memref_squeeze %dma_start3A_105 : memref<1x128xi32, #tpu.memory_space<vmem>> -> memref<128xi32, #tpu.memory_space<vmem>>
        %dma_start3A_107 = arith.constant 0 : i32
        %dma_start3A_108 = arith.constant 0 : i32
        %dma_start3A_109 = tpu.memref_slice %arg2[%dma_start3A_107, %dma_start3A_108] : memref<10000x128xf32, #tpu.memory_space<hbm>> -> memref<10000x128xf32, #tpu.memory_space<hbm>>
        tpu.enqueue_indirect_dma source(%dma_start3A_109 : memref<10000x128xf32, #tpu.memory_space<hbm>>) target(%dma_start3A_103 : memref<128x128xf32, #tpu.memory_space<vmem>>) offsets(%dma_start3A_106 : memref<128xi32, #tpu.memory_space<vmem>>) semaphore(%arg10 : memref<!tpu.dma_semaphore, #tpu.memory_space<semaphore_mem>>)
      } else {
      }
      %mul3A_74 = arith.constant 2 : i32
      %mul3A_75 = arith.muli %scan3A_53, %mul3A_74 : i32
      %add3A_76 = arith.constant 1 : i32
      %add3A_77 = arith.addi %mul3A_75, %add3A_76 : i32
      %dma_wait3A_78 = arith.constant 1 : i32
      %dma_wait3A_79 = arith.constant 0 : i32
      %dma_wait3A_80 = arith.constant 0 : i32
      %dma_wait3A_81 = tpu.memref_slice %arg8[%dma_wait3A_78, %dma_wait3A_79, %dma_wait3A_80] : memref<2x128x128xf32, #tpu.memory_space<vmem>> -> memref<1x128x128xf32, #tpu.memory_space<vmem>>
      %dma_wait3A_82 = tpu.memref_squeeze %dma_wait3A_81 : memref<1x128x128xf32, #tpu.memory_space<vmem>> -> memref<128x128xf32, #tpu.memory_space<vmem>>
      %dma_wait3A_83 = arith.constant 0 : i32
      %dma_wait3A_84 = tpu.memref_slice %arg6[%add3A_77, %dma_wait3A_83] : memref<160x128xi32, #tpu.memory_space<vmem>> -> memref<1x128xi32, #tpu.memory_space<vmem>>
      %dma_wait3A_85 = tpu.memref_squeeze %dma_wait3A_84 : memref<1x128xi32, #tpu.memory_space<vmem>> -> memref<128xi32, #tpu.memory_space<vmem>>
      %dma_wait3A_86 = arith.constant 0 : i32
      %dma_wait3A_87 = arith.constant 0 : i32
      %dma_wait3A_88 = tpu.memref_slice %arg2[%dma_wait3A_86, %dma_wait3A_87] : memref<10000x128xf32, #tpu.memory_space<hbm>> -> memref<10000x128xf32, #tpu.memory_space<hbm>>
      tpu.wait_indirect_dma semaphore(%arg11 : memref<!tpu.dma_semaphore, #tpu.memory_space<semaphore_mem>>) src(%dma_wait3A_88 : memref<10000x128xf32, #tpu.memory_space<hbm>>) dst(%dma_wait3A_82 : memref<128x128xf32, #tpu.memory_space<vmem>>)
      %run_scoped3A_89 = arith.constant 1 : i32
      "tpu.region"() ({
        %run_scoped3A_97 = tpu.sem_alloc : memref<!tpu.dma_semaphore, #tpu.memory_space<semaphore_mem>>
        %dma_start3A_98 = arith.constant 0 : i32
        %dma_start3A_99 = arith.constant 0 : i32
        %dma_start3A_100 = tpu.memref_slice %arg8[%run_scoped3A_89, %dma_start3A_98, %dma_start3A_99] : memref<2x128x128xf32, #tpu.memory_space<vmem>> -> memref<1x128x128xf32, #tpu.memory_space<vmem>>
        %dma_start3A_101 = tpu.memref_squeeze %dma_start3A_100 : memref<1x128x128xf32, #tpu.memory_space<vmem>> -> memref<128x128xf32, #tpu.memory_space<vmem>>
        %dma_start3A_102 = arith.constant 0 : i32
        %dma_start3A_103 = tpu.memref_slice %arg7[%add3A_77, %dma_start3A_102] : memref<160x128xi32, #tpu.memory_space<vmem>> -> memref<1x128xi32, #tpu.memory_space<vmem>>
        %dma_start3A_104 = tpu.memref_squeeze %dma_start3A_103 : memref<1x128xi32, #tpu.memory_space<vmem>> -> memref<128xi32, #tpu.memory_space<vmem>>
        %dma_start3A_105 = arith.constant 0 : i32
        %dma_start3A_106 = arith.constant 0 : i32
        %dma_start3A_107 = tpu.memref_slice %arg9[%dma_start3A_105, %dma_start3A_106] : memref<5016x128xf32, #tpu.memory_space<vmem_shared>> -> memref<5016x128xf32, #tpu.memory_space<vmem_shared>>
        tpu.enqueue_indirect_dma source(%dma_start3A_101 : memref<128x128xf32, #tpu.memory_space<vmem>>) target(%dma_start3A_107 : memref<5016x128xf32, #tpu.memory_space<vmem_shared>>) offsets(%dma_start3A_104 : memref<128xi32, #tpu.memory_space<vmem>>) semaphore(%run_scoped3A_97 : memref<!tpu.dma_semaphore, #tpu.memory_space<semaphore_mem>>) {add = true}
        %dma_wait3A_108 = arith.constant 0 : i32
        %dma_wait3A_109 = arith.constant 0 : i32
        %dma_wait3A_110 = tpu.memref_slice %arg8[%run_scoped3A_89, %dma_wait3A_108, %dma_wait3A_109] : memref<2x128x128xf32, #tpu.memory_space<vmem>> -> memref<1x128x128xf32, #tpu.memory_space<vmem>>
        %dma_wait3A_111 = tpu.memref_squeeze %dma_wait3A_110 : memref<1x128x128xf32, #tpu.memory_space<vmem>> -> memref<128x128xf32, #tpu.memory_space<vmem>>
        %dma_wait3A_112 = arith.constant 0 : i32
        %dma_wait3A_113 = tpu.memref_slice %arg7[%add3A_77, %dma_wait3A_112] : memref<160x128xi32, #tpu.memory_space<vmem>> -> memref<1x128xi32, #tpu.memory_space<vmem>>
        %dma_wait3A_114 = tpu.memref_squeeze %dma_wait3A_113 : memref<1x128xi32, #tpu.memory_space<vmem>> -> memref<128xi32, #tpu.memory_space<vmem>>
        %dma_wait3A_115 = arith.constant 0 : i32
        %dma_wait3A_116 = arith.constant 0 : i32
        %dma_wait3A_117 = tpu.memref_slice %arg9[%dma_wait3A_115, %dma_wait3A_116] : memref<5016x128xf32, #tpu.memory_space<vmem_shared>> -> memref<5016x128xf32, #tpu.memory_space<vmem_shared>>
        tpu.wait_indirect_dma semaphore(%run_scoped3A_97 : memref<!tpu.dma_semaphore, #tpu.memory_space<semaphore_mem>>) src(%dma_wait3A_111 : memref<128x128xf32, #tpu.memory_space<vmem>>) dst(%dma_wait3A_117 : memref<5016x128xf32, #tpu.memory_space<vmem_shared>>)
        tpu.yield
      }) : () -> ()
      %add3A_90 = arith.constant 2 : i32
      %add3A_91 = arith.addi %add3A_77, %add3A_90 : i32
      %lt3A_92 = arith.constant 160 : i32
      %lt3A_93 = arith.cmpi slt, %add3A_91, %lt3A_92 : i32
      %convert_element_type3A_94 = arith.extui %lt3A_93 : i1 to i32
      %cond3A_95 = arith.constant 0 : i32
      %cond3A_96 = arith.cmpi ne, %convert_element_type3A_94, %cond3A_95 : i32
      scf.if %cond3A_96 {
        %add3A_97 = arith.constant 2 : i32
        %add3A_98 = arith.addi %add3A_77, %add3A_97 : i32
        %dma_start3A_99 = arith.constant 1 : i32
        %dma_start3A_100 = arith.constant 0 : i32
        %dma_start3A_101 = arith.constant 0 : i32
        %dma_start3A_102 = tpu.memref_slice %arg8[%dma_start3A_99, %dma_start3A_100, %dma_start3A_101] : memref<2x128x128xf32, #tpu.memory_space<vmem>> -> memref<1x128x128xf32, #tpu.memory_space<vmem>>
        %dma_start3A_103 = tpu.memref_squeeze %dma_start3A_102 : memref<1x128x128xf32, #tpu.memory_space<vmem>> -> memref<128x128xf32, #tpu.memory_space<vmem>>
        %dma_start3A_104 = arith.constant 0 : i32
        %dma_start3A_105 = tpu.memref_slice %arg6[%add3A_98, %dma_start3A_104] : memref<160x128xi32, #tpu.memory_space<vmem>> -> memref<1x128xi32, #tpu.memory_space<vmem>>
        %dma_start3A_106 = tpu.memref_squeeze %dma_start3A_105 : memref<1x128xi32, #tpu.memory_space<vmem>> -> memref<128xi32, #tpu.memory_space<vmem>>
        %dma_start3A_107 = arith.constant 0 : i32
        %dma_start3A_108 = arith.constant 0 : i32
        %dma_start3A_109 = tpu.memref_slice %arg2[%dma_start3A_107, %dma_start3A_108] : memref<10000x128xf32, #tpu.memory_space<hbm>> -> memref<10000x128xf32, #tpu.memory_space<hbm>>
        tpu.enqueue_indirect_dma source(%dma_start3A_109 : memref<10000x128xf32, #tpu.memory_space<hbm>>) target(%dma_start3A_103 : memref<128x128xf32, #tpu.memory_space<vmem>>) offsets(%dma_start3A_106 : memref<128xi32, #tpu.memory_space<vmem>>) semaphore(%arg11 : memref<!tpu.dma_semaphore, #tpu.memory_space<semaphore_mem>>)
      } else {
      }
    }
    %scan3A_41 = arith.constant 80 : i32
    %barrier3A_42 = arith.constant 0 : index
    tpu.barrier barrier_id(%barrier3A_42)
    %mul3A_43 = arith.constant 312 : i32
    %mul3A_44 = arith.muli %arg1, %mul3A_43 : i32
    %mul3A_45 = arith.constant 312 : i32
    %mul3A_46 = arith.muli %arg1, %mul3A_45 : i32
    %add3A_47 = arith.addi %mul3A_0, %mul3A_46 : i32
    "tpu.region"() ({
      %run_scoped3A = tpu.sem_alloc : memref<!tpu.dma_semaphore, #tpu.memory_space<semaphore_mem>>
      %dma_start3A_53 = arith.constant 0 : i32
      %dma_start3A_54 = tpu.memref_slice %arg5[%add3A_47, %dma_start3A_53] : memref<10000x128xf32, #tpu.memory_space<hbm>> -> memref<312x128xf32, #tpu.memory_space<hbm>>
      %dma_start3A_55 = arith.constant 0 : i32
      %dma_start3A_56 = tpu.memref_slice %arg9[%mul3A_44, %dma_start3A_55] : memref<5016x128xf32, #tpu.memory_space<vmem_shared>> -> memref<312x128xf32, #tpu.memory_space<vmem_shared>>
      tpu.enqueue_dma source(%dma_start3A_56 : memref<312x128xf32, #tpu.memory_space<vmem_shared>>) target(%dma_start3A_54 : memref<312x128xf32, #tpu.memory_space<hbm>>) target_semaphore(%run_scoped3A : memref<!tpu.dma_semaphore, #tpu.memory_space<semaphore_mem>>)
      %dma_wait3A = arith.constant 0 : i32
      %dma_wait3A_57 = tpu.memref_slice %arg5[%add3A_47, %dma_wait3A] : memref<10000x128xf32, #tpu.memory_space<hbm>> -> memref<312x128xf32, #tpu.memory_space<hbm>>
      %dma_wait3A_58 = arith.constant 0 : i32
      %dma_wait3A_59 = tpu.memref_slice %arg9[%mul3A_44, %dma_wait3A_58] : memref<5016x128xf32, #tpu.memory_space<vmem_shared>> -> memref<312x128xf32, #tpu.memory_space<vmem_shared>>
      tpu.wait_dma2 semaphore(%run_scoped3A : memref<!tpu.dma_semaphore, #tpu.memory_space<semaphore_mem>>) src(%dma_wait3A_59 : memref<312x128xf32, #tpu.memory_space<vmem_shared>>) dst(%dma_wait3A_57 : memref<312x128xf32, #tpu.memory_space<hbm>>)
      tpu.yield
    }) : () -> ()
    %eq3A_48 = arith.constant 0 : i32
    %eq3A_49 = arith.cmpi eq, %arg1, %eq3A_48 : i32
    %convert_element_type3A_50 = arith.extui %eq3A_49 : i1 to i32
    %cond3A_51 = arith.constant 0 : i32
    %cond3A_52 = arith.cmpi ne, %convert_element_type3A_50, %cond3A_51 : i32
    scf.if %cond3A_52 {
      %add3A_53 = arith.constant 4992 : i32
      %add3A_54 = arith.addi %mul3A_0, %add3A_53 : i32
      "tpu.region"() ({
        %run_scoped3A = tpu.sem_alloc : memref<!tpu.dma_semaphore, #tpu.memory_space<semaphore_mem>>
        %dma_start3A_55 = arith.constant 0 : i32
        %dma_start3A_56 = tpu.memref_slice %arg5[%add3A_54, %dma_start3A_55] : memref<10000x128xf32, #tpu.memory_space<hbm>> -> memref<8x128xf32, #tpu.memory_space<hbm>>
        %dma_start3A_57 = arith.constant 4992 : i32
        %dma_start3A_58 = arith.constant 0 : i32
        %dma_start3A_59 = tpu.memref_slice %arg9[%dma_start3A_57, %dma_start3A_58] : memref<5016x128xf32, #tpu.memory_space<vmem_shared>> -> memref<8x128xf32, #tpu.memory_space<vmem_shared>>
        tpu.enqueue_dma source(%dma_start3A_59 : memref<8x128xf32, #tpu.memory_space<vmem_shared>>) target(%dma_start3A_56 : memref<8x128xf32, #tpu.memory_space<hbm>>) target_semaphore(%run_scoped3A : memref<!tpu.dma_semaphore, #tpu.memory_space<semaphore_mem>>)
        %dma_wait3A = arith.constant 0 : i32
        %dma_wait3A_60 = tpu.memref_slice %arg5[%add3A_54, %dma_wait3A] : memref<10000x128xf32, #tpu.memory_space<hbm>> -> memref<8x128xf32, #tpu.memory_space<hbm>>
        %dma_wait3A_61 = arith.constant 4992 : i32
        %dma_wait3A_62 = arith.constant 0 : i32
        %dma_wait3A_63 = tpu.memref_slice %arg9[%dma_wait3A_61, %dma_wait3A_62] : memref<5016x128xf32, #tpu.memory_space<vmem_shared>> -> memref<8x128xf32, #tpu.memory_space<vmem_shared>>
        tpu.wait_dma2 semaphore(%run_scoped3A : memref<!tpu.dma_semaphore, #tpu.memory_space<semaphore_mem>>) src(%dma_wait3A_63 : memref<8x128xf32, #tpu.memory_space<vmem_shared>>) dst(%dma_wait3A_60 : memref<8x128xf32, #tpu.memory_space<hbm>>)
        tpu.yield
      }) : () -> ()
    } else {
    }
    return
  }
}

#map = affine_map<(d0, d1) -> (0, 0)>
#map1 = affine_map<(d0, d1) -> (0, 0, 0)>
module attributes {stable_mosaic.version = 14 : i64} {
  func.func @agg_kernel(%arg0: i32, %arg1: i32, %arg2: memref<10000x128xf32, #tpu.memory_space<hbm>>, %arg3: memref<16x160x128xi32, #tpu.memory_space<hbm>>, %arg4: memref<16x160x128xi32, #tpu.memory_space<hbm>>, %arg5: memref<10000x128xf32, #tpu.memory_space<hbm>>, %arg6: memref<160x128xi32, #tpu.memory_space<vmem>>, %arg7: memref<160x128xi32, #tpu.memory_space<vmem>>, %arg8: memref<2x128x128xf32, #tpu.memory_space<vmem>>, %arg9: memref<5016x128xf32, #tpu.memory_space<vmem_shared>>, %arg10: memref<!tpu.dma_semaphore, #tpu.memory_space<semaphore_mem>>, %arg11: memref<!tpu.dma_semaphore, #tpu.memory_space<semaphore_mem>>) attributes {dimension_semantics = [#tpu.dimension_semantics<core_parallel>, #tpu.dimension_semantics<subcore_parallel>], iteration_bounds = array<i64: 2, 16>, scalar_prefetch = 0 : i64, scratch_operands = 6 : i64, tpu.core_type = #tpu.core_type<sc_vector_subcore>, window_params = [{transform_indices = #map}, {transform_indices = #map1}, {transform_indices = #map1}, {transform_indices = #map}]} {
    %mul3A = arith.constant 5000 : i32
    %mul3A_0 = arith.muli %arg0, %mul3A : i32
    "tpu.region"() ({
      %run_scoped3A = tpu.sem_alloc : memref<!tpu.dma_semaphore, #tpu.memory_space<semaphore_mem>>
      %dma_start3A_53 = arith.constant 0 : i32
      %dma_start3A_54 = arith.constant 0 : i32
      %dma_start3A_55 = tpu.memref_slice %arg3[%arg1, %dma_start3A_53, %dma_start3A_54] : memref<16x160x128xi32, #tpu.memory_space<hbm>> -> memref<1x160x128xi32, #tpu.memory_space<hbm>>
      %dma_start3A_56 = tpu.memref_squeeze %dma_start3A_55 : memref<1x160x128xi32, #tpu.memory_space<hbm>> -> memref<160x128xi32, #tpu.memory_space<hbm>>
      %dma_start3A_57 = arith.constant 0 : i32
      %dma_start3A_58 = arith.constant 0 : i32
      %dma_start3A_59 = tpu.memref_slice %arg3[%arg1, %dma_start3A_57, %dma_start3A_58] : memref<16x160x128xi32, #tpu.memory_space<hbm>> -> memref<1x160x128xi32, #tpu.memory_space<hbm>>
      %dma_start3A_60 = tpu.memref_squeeze %dma_start3A_59 : memref<1x160x128xi32, #tpu.memory_space<hbm>> -> memref<160x128xi32, #tpu.memory_space<hbm>>
      tpu.enqueue_dma source(%dma_start3A_60 : memref<160x128xi32, #tpu.memory_space<hbm>>) target(%arg6 : memref<160x128xi32, #tpu.memory_space<vmem>>) target_semaphore(%run_scoped3A : memref<!tpu.dma_semaphore, #tpu.memory_space<semaphore_mem>>)
      %dma_wait3A = arith.constant 0 : i32
      %dma_wait3A_61 = arith.constant 0 : i32
      %dma_wait3A_62 = tpu.memref_slice %arg3[%arg1, %dma_wait3A, %dma_wait3A_61] : memref<16x160x128xi32, #tpu.memory_space<hbm>> -> memref<1x160x128xi32, #tpu.memory_space<hbm>>
      %dma_wait3A_63 = tpu.memref_squeeze %dma_wait3A_62 : memref<1x160x128xi32, #tpu.memory_space<hbm>> -> memref<160x128xi32, #tpu.memory_space<hbm>>
      %dma_wait3A_64 = arith.constant 0 : i32
      %dma_wait3A_65 = arith.constant 0 : i32
      %dma_wait3A_66 = tpu.memref_slice %arg3[%arg1, %dma_wait3A_64, %dma_wait3A_65] : memref<16x160x128xi32, #tpu.memory_space<hbm>> -> memref<1x160x128xi32, #tpu.memory_space<hbm>>
      %dma_wait3A_67 = tpu.memref_squeeze %dma_wait3A_66 : memref<1x160x128xi32, #tpu.memory_space<hbm>> -> memref<160x128xi32, #tpu.memory_space<hbm>>
      tpu.wait_dma2 semaphore(%run_scoped3A : memref<!tpu.dma_semaphore, #tpu.memory_space<semaphore_mem>>) src(%dma_wait3A_67 : memref<160x128xi32, #tpu.memory_space<hbm>>) dst(%arg6 : memref<160x128xi32, #tpu.memory_space<vmem>>)
      tpu.yield
    }) : () -> ()
    "tpu.region"() ({
      %run_scoped3A = tpu.sem_alloc : memref<!tpu.dma_semaphore, #tpu.memory_space<semaphore_mem>>
      %dma_start3A_53 = arith.constant 0 : i32
      %dma_start3A_54 = arith.constant 0 : i32
      %dma_start3A_55 = tpu.memref_slice %arg4[%arg1, %dma_start3A_53, %dma_start3A_54] : memref<16x160x128xi32, #tpu.memory_space<hbm>> -> memref<1x160x128xi32, #tpu.memory_space<hbm>>
      %dma_start3A_56 = tpu.memref_squeeze %dma_start3A_55 : memref<1x160x128xi32, #tpu.memory_space<hbm>> -> memref<160x128xi32, #tpu.memory_space<hbm>>
      %dma_start3A_57 = arith.constant 0 : i32
      %dma_start3A_58 = arith.constant 0 : i32
      %dma_start3A_59 = tpu.memref_slice %arg4[%arg1, %dma_start3A_57, %dma_start3A_58] : memref<16x160x128xi32, #tpu.memory_space<hbm>> -> memref<1x160x128xi32, #tpu.memory_space<hbm>>
      %dma_start3A_60 = tpu.memref_squeeze %dma_start3A_59 : memref<1x160x128xi32, #tpu.memory_space<hbm>> -> memref<160x128xi32, #tpu.memory_space<hbm>>
      tpu.enqueue_dma source(%dma_start3A_60 : memref<160x128xi32, #tpu.memory_space<hbm>>) target(%arg7 : memref<160x128xi32, #tpu.memory_space<vmem>>) target_semaphore(%run_scoped3A : memref<!tpu.dma_semaphore, #tpu.memory_space<semaphore_mem>>)
      %dma_wait3A = arith.constant 0 : i32
      %dma_wait3A_61 = arith.constant 0 : i32
      %dma_wait3A_62 = tpu.memref_slice %arg4[%arg1, %dma_wait3A, %dma_wait3A_61] : memref<16x160x128xi32, #tpu.memory_space<hbm>> -> memref<1x160x128xi32, #tpu.memory_space<hbm>>
      %dma_wait3A_63 = tpu.memref_squeeze %dma_wait3A_62 : memref<1x160x128xi32, #tpu.memory_space<hbm>> -> memref<160x128xi32, #tpu.memory_space<hbm>>
      %dma_wait3A_64 = arith.constant 0 : i32
      %dma_wait3A_65 = arith.constant 0 : i32
      %dma_wait3A_66 = tpu.memref_slice %arg4[%arg1, %dma_wait3A_64, %dma_wait3A_65] : memref<16x160x128xi32, #tpu.memory_space<hbm>> -> memref<1x160x128xi32, #tpu.memory_space<hbm>>
      %dma_wait3A_67 = tpu.memref_squeeze %dma_wait3A_66 : memref<1x160x128xi32, #tpu.memory_space<hbm>> -> memref<160x128xi32, #tpu.memory_space<hbm>>
      tpu.wait_dma2 semaphore(%run_scoped3A : memref<!tpu.dma_semaphore, #tpu.memory_space<semaphore_mem>>) src(%dma_wait3A_67 : memref<160x128xi32, #tpu.memory_space<hbm>>) dst(%arg7 : memref<160x128xi32, #tpu.memory_space<vmem>>)
      tpu.yield
    }) : () -> ()
    %add3A = arith.constant 5000 : i32
    %add3A_1 = arith.addi %add3A, %arg1 : i32
    %broadcast_in_dim3A = vector.broadcast %add3A_1 : i32 to vector<16xi32>
    %broadcast_in_dim3A_2 = vector.broadcast %mul3A_0 : i32 to vector<16xi32>
    %scan3A = arith.constant 0 : i32
    %scan3A_3 = arith.constant 1280 : i32
    %scan3A_4 = arith.addi %scan3A, %scan3A_3 : i32
    %scan3A_5 = arith.constant 1 : i32
    scf.for %scan3A_53 = %scan3A to %scan3A_4 step %scan3A_5  : i32 {
      %jit3A = arith.constant 8 : i32
      %div3A = arith.divsi %scan3A_53, %jit3A : i32
      %sign3A = arith.constant 0 : i32
      %sign3A_54 = arith.cmpi sgt, %scan3A_53, %sign3A : i32
      %sign3A_55 = arith.extui %sign3A_54 : i1 to i32
      %sign3A_56 = arith.constant 0 : i32
      %sign3A_57 = arith.cmpi slt, %scan3A_53, %sign3A_56 : i32
      %sign3A_58 = arith.extui %sign3A_57 : i1 to i32
      %sign3A_59 = arith.subi %sign3A_55, %sign3A_58 : i32
      %sign3A_60 = arith.constant 0 : i32
      %sign3A_61 = arith.cmpi sgt, %jit3A, %sign3A_60 : i32
      %sign3A_62 = arith.extui %sign3A_61 : i1 to i32
      %sign3A_63 = arith.constant 0 : i32
      %sign3A_64 = arith.cmpi slt, %jit3A, %sign3A_63 : i32
      %sign3A_65 = arith.extui %sign3A_64 : i1 to i32
      %sign3A_66 = arith.subi %sign3A_62, %sign3A_65 : i32
      %ne3A = arith.cmpi ne, %sign3A_59, %sign3A_66 : i32
      %rem3A = arith.remsi %scan3A_53, %jit3A : i32
      %ne3A_67 = arith.constant 0 : i32
      %ne3A_68 = arith.cmpi ne, %rem3A, %ne3A_67 : i32
      %and3A = arith.andi %ne3A, %ne3A_68 : i1
      %sub3A = arith.constant 1 : i32
      %sub3A_69 = arith.subi %div3A, %sub3A : i32
      %select_n3A = arith.select %and3A, %sub3A_69, %div3A : i32
      %jit3A_70 = arith.constant 8 : i32
      %eq3A_71 = arith.constant 0 : i32
      %eq3A_72 = arith.cmpi eq, %jit3A_70, %eq3A_71 : i32
      %jit3A_73 = arith.constant 1 : i32
      %select_n3A_74 = arith.select %eq3A_72, %jit3A_73, %jit3A_70 : i32
      %rem3A_75 = arith.remsi %scan3A_53, %select_n3A_74 : i32
      %ne3A_76 = arith.constant 0 : i32
      %ne3A_77 = arith.cmpi ne, %rem3A_75, %ne3A_76 : i32
      %lt3A = arith.constant 0 : i32
      %lt3A_78 = arith.cmpi slt, %rem3A_75, %lt3A : i32
      %lt3A_79 = arith.constant 0 : i32
      %lt3A_80 = arith.cmpi slt, %select_n3A_74, %lt3A_79 : i32
      %ne3A_81 = arith.xori %lt3A_78, %lt3A_80 : i1
      %and3A_82 = arith.andi %ne3A_81, %ne3A_77 : i1
      %add3A_83 = arith.addi %rem3A_75, %select_n3A_74 : i32
      %select_n3A_84 = arith.select %and3A_82, %add3A_83, %rem3A_75 : i32
      %mul3A_85 = arith.constant 16 : i32
      %mul3A_86 = arith.muli %select_n3A_84, %mul3A_85 : i32
      %get3A = arith.index_cast %select_n3A : i32 to index
      %get3A_87 = arith.index_cast %mul3A_86 : i32 to index
      %get3A_88 = tpu.vector_load %arg7[%get3A, %get3A_87] {strides = array<i32>} : memref<160x128xi32, #tpu.memory_space<vmem>>, vector<1x16xi32>,
      %get3A_89 = vector.shape_cast %get3A_88 : vector<1x16xi32> to vector<16xi32>
      %sub3A_90 = arith.subi %get3A_89, %broadcast_in_dim3A_2 : vector<16xi32>
      %ge3A = arith.constant 0 : i32
      %ge3A_91 = vector.broadcast %ge3A : i32 to vector<16xi32>
      %ge3A_92 = arith.cmpi sge, %sub3A_90, %ge3A_91 : vector<16xi32>
      %lt3A_93 = arith.constant 5000 : i32
      %lt3A_94 = vector.broadcast %lt3A_93 : i32 to vector<16xi32>
      %lt3A_95 = arith.cmpi slt, %sub3A_90, %lt3A_94 : vector<16xi32>
      %and3A_96 = arith.andi %ge3A_92, %lt3A_95 : vector<16xi1>
      %select_n3A_97 = arith.select %and3A_96, %sub3A_90, %broadcast_in_dim3A : vector<16xi1>, vector<16xi32>
      %swap3A = arith.index_cast %select_n3A : i32 to index
      %swap3A_98 = arith.index_cast %mul3A_86 : i32 to index
      %swap3A_99 = tpu.vector_load %arg7[%swap3A, %swap3A_98] {strides = array<i32>} : memref<160x128xi32, #tpu.memory_space<vmem>>, vector<1x16xi32>,
      %swap3A_100 = vector.shape_cast %swap3A_99 : vector<1x16xi32> to vector<16xi32>
      %swap3A_101 = vector.shape_cast %select_n3A_97 : vector<16xi32> to vector<1x16xi32>
      tpu.vector_store %arg7[%swap3A, %swap3A_98], %swap3A_101 {strides = array<i32>} : memref<160x128xi32, #tpu.memory_space<vmem>>, vector<1x16xi32>,
    }
    %scan3A_6 = arith.constant 1280 : i32
    %mul3A_7 = arith.constant 312 : i32
    %mul3A_8 = arith.muli %arg1, %mul3A_7 : i32
    %add3A_9 = arith.addi %mul3A_0, %mul3A_8 : i32
    %mul3A_10 = arith.constant 312 : i32
    %mul3A_11 = arith.muli %arg1, %mul3A_10 : i32
    "tpu.region"() ({
      %run_scoped3A = tpu.sem_alloc : memref<!tpu.dma_semaphore, #tpu.memory_space<semaphore_mem>>
      %dma_start3A_53 = arith.constant 0 : i32
      %dma_start3A_54 = tpu.memref_slice %arg9[%mul3A_11, %dma_start3A_53] : memref<5016x128xf32, #tpu.memory_space<vmem_shared>> -> memref<312x128xf32, #tpu.memory_space<vmem_shared>>
      %dma_start3A_55 = arith.constant 0 : i32
      %dma_start3A_56 = tpu.memref_slice %arg2[%add3A_9, %dma_start3A_55] : memref<10000x128xf32, #tpu.memory_space<hbm>> -> memref<312x128xf32, #tpu.memory_space<hbm>>
      tpu.enqueue_dma source(%dma_start3A_56 : memref<312x128xf32, #tpu.memory_space<hbm>>) target(%dma_start3A_54 : memref<312x128xf32, #tpu.memory_space<vmem_shared>>) target_semaphore(%run_scoped3A : memref<!tpu.dma_semaphore, #tpu.memory_space<semaphore_mem>>)
      %dma_wait3A = arith.constant 0 : i32
      %dma_wait3A_57 = tpu.memref_slice %arg9[%mul3A_11, %dma_wait3A] : memref<5016x128xf32, #tpu.memory_space<vmem_shared>> -> memref<312x128xf32, #tpu.memory_space<vmem_shared>>
      %dma_wait3A_58 = arith.constant 0 : i32
      %dma_wait3A_59 = tpu.memref_slice %arg2[%add3A_9, %dma_wait3A_58] : memref<10000x128xf32, #tpu.memory_space<hbm>> -> memref<312x128xf32, #tpu.memory_space<hbm>>
      tpu.wait_dma2 semaphore(%run_scoped3A : memref<!tpu.dma_semaphore, #tpu.memory_space<semaphore_mem>>) src(%dma_wait3A_59 : memref<312x128xf32, #tpu.memory_space<hbm>>) dst(%dma_wait3A_57 : memref<312x128xf32, #tpu.memory_space<vmem_shared>>)
      tpu.yield
    }) : () -> ()
    %eq3A = arith.constant 0 : i32
    %eq3A_12 = arith.cmpi eq, %arg1, %eq3A : i32
    %convert_element_type3A = arith.extui %eq3A_12 : i1 to i32
    %cond3A = arith.constant 0 : i32
    %cond3A_13 = arith.cmpi ne, %convert_element_type3A, %cond3A : i32
    scf.if %cond3A_13 {
      %add3A_53 = arith.constant 4992 : i32
      %add3A_54 = arith.addi %mul3A_0, %add3A_53 : i32
      "tpu.region"() ({
        %run_scoped3A = tpu.sem_alloc : memref<!tpu.dma_semaphore, #tpu.memory_space<semaphore_mem>>
        %dma_start3A_55 = arith.constant 4992 : i32
        %dma_start3A_56 = arith.constant 0 : i32
        %dma_start3A_57 = tpu.memref_slice %arg9[%dma_start3A_55, %dma_start3A_56] : memref<5016x128xf32, #tpu.memory_space<vmem_shared>> -> memref<8x128xf32, #tpu.memory_space<vmem_shared>>
        %dma_start3A_58 = arith.constant 0 : i32
        %dma_start3A_59 = tpu.memref_slice %arg2[%add3A_54, %dma_start3A_58] : memref<10000x128xf32, #tpu.memory_space<hbm>> -> memref<8x128xf32, #tpu.memory_space<hbm>>
        tpu.enqueue_dma source(%dma_start3A_59 : memref<8x128xf32, #tpu.memory_space<hbm>>) target(%dma_start3A_57 : memref<8x128xf32, #tpu.memory_space<vmem_shared>>) target_semaphore(%run_scoped3A : memref<!tpu.dma_semaphore, #tpu.memory_space<semaphore_mem>>)
        %dma_wait3A = arith.constant 4992 : i32
        %dma_wait3A_60 = arith.constant 0 : i32
        %dma_wait3A_61 = tpu.memref_slice %arg9[%dma_wait3A, %dma_wait3A_60] : memref<5016x128xf32, #tpu.memory_space<vmem_shared>> -> memref<8x128xf32, #tpu.memory_space<vmem_shared>>
        %dma_wait3A_62 = arith.constant 0 : i32
        %dma_wait3A_63 = tpu.memref_slice %arg2[%add3A_54, %dma_wait3A_62] : memref<10000x128xf32, #tpu.memory_space<hbm>> -> memref<8x128xf32, #tpu.memory_space<hbm>>
        tpu.wait_dma2 semaphore(%run_scoped3A : memref<!tpu.dma_semaphore, #tpu.memory_space<semaphore_mem>>) src(%dma_wait3A_63 : memref<8x128xf32, #tpu.memory_space<hbm>>) dst(%dma_wait3A_61 : memref<8x128xf32, #tpu.memory_space<vmem_shared>>)
        tpu.yield
      }) : () -> ()
    } else {
    }
    %barrier3A = arith.constant 0 : index
    tpu.barrier barrier_id(%barrier3A)
    %dma_start3A = arith.constant 0 : i32
    %dma_start3A_14 = arith.constant 0 : i32
    %dma_start3A_15 = arith.constant 0 : i32
    %dma_start3A_16 = arith.constant 0 : i32
    %dma_start3A_17 = tpu.memref_slice %arg8[%dma_start3A_14, %dma_start3A_15, %dma_start3A_16] : memref<2x128x128xf32, #tpu.memory_space<vmem>> -> memref<1x128x128xf32, #tpu.memory_space<vmem>>
    %dma_start3A_18 = tpu.memref_squeeze %dma_start3A_17 : memref<1x128x128xf32, #tpu.memory_space<vmem>> -> memref<128x128xf32, #tpu.memory_space<vmem>>
    %dma_start3A_19 = arith.constant 0 : i32
    %dma_start3A_20 = tpu.memref_slice %arg6[%dma_start3A, %dma_start3A_19] : memref<160x128xi32, #tpu.memory_space<vmem>> -> memref<1x128xi32, #tpu.memory_space<vmem>>
    %dma_start3A_21 = tpu.memref_squeeze %dma_start3A_20 : memref<1x128xi32, #tpu.memory_space<vmem>> -> memref<128xi32, #tpu.memory_space<vmem>>
    %dma_start3A_22 = arith.constant 0 : i32
    %dma_start3A_23 = arith.constant 0 : i32
    %dma_start3A_24 = tpu.memref_slice %arg2[%dma_start3A_22, %dma_start3A_23] : memref<10000x128xf32, #tpu.memory_space<hbm>> -> memref<10000x128xf32, #tpu.memory_space<hbm>>
    tpu.enqueue_indirect_dma source(%dma_start3A_24 : memref<10000x128xf32, #tpu.memory_space<hbm>>) target(%dma_start3A_18 : memref<128x128xf32, #tpu.memory_space<vmem>>) offsets(%dma_start3A_21 : memref<128xi32, #tpu.memory_space<vmem>>) semaphore(%arg10 : memref<!tpu.dma_semaphore, #tpu.memory_space<semaphore_mem>>)
    %dma_start3A_25 = arith.constant 1 : i32
    %dma_start3A_26 = arith.constant 1 : i32
    %dma_start3A_27 = arith.constant 0 : i32
    %dma_start3A_28 = arith.constant 0 : i32
    %dma_start3A_29 = tpu.memref_slice %arg8[%dma_start3A_26, %dma_start3A_27, %dma_start3A_28] : memref<2x128x128xf32, #tpu.memory_space<vmem>> -> memref<1x128x128xf32, #tpu.memory_space<vmem>>
    %dma_start3A_30 = tpu.memref_squeeze %dma_start3A_29 : memref<1x128x128xf32, #tpu.memory_space<vmem>> -> memref<128x128xf32, #tpu.memory_space<vmem>>
    %dma_start3A_31 = arith.constant 0 : i32
    %dma_start3A_32 = tpu.memref_slice %arg6[%dma_start3A_25, %dma_start3A_31] : memref<160x128xi32, #tpu.memory_space<vmem>> -> memref<1x128xi32, #tpu.memory_space<vmem>>
    %dma_start3A_33 = tpu.memref_squeeze %dma_start3A_32 : memref<1x128xi32, #tpu.memory_space<vmem>> -> memref<128xi32, #tpu.memory_space<vmem>>
    %dma_start3A_34 = arith.constant 0 : i32
    %dma_start3A_35 = arith.constant 0 : i32
    %dma_start3A_36 = tpu.memref_slice %arg2[%dma_start3A_34, %dma_start3A_35] : memref<10000x128xf32, #tpu.memory_space<hbm>> -> memref<10000x128xf32, #tpu.memory_space<hbm>>
    tpu.enqueue_indirect_dma source(%dma_start3A_36 : memref<10000x128xf32, #tpu.memory_space<hbm>>) target(%dma_start3A_30 : memref<128x128xf32, #tpu.memory_space<vmem>>) offsets(%dma_start3A_33 : memref<128xi32, #tpu.memory_space<vmem>>) semaphore(%arg11 : memref<!tpu.dma_semaphore, #tpu.memory_space<semaphore_mem>>)
    %scan3A_37 = arith.constant 0 : i32
    %scan3A_38 = arith.constant 80 : i32
    %scan3A_39 = arith.addi %scan3A_37, %scan3A_38 : i32
    %scan3A_40 = arith.constant 1 : i32
    scf.for %scan3A_53 = %scan3A_37 to %scan3A_39 step %scan3A_40  : i32 {
      %mul3A_54 = arith.constant 2 : i32
      %mul3A_55 = arith.muli %scan3A_53, %mul3A_54 : i32
      %add3A_56 = arith.constant 0 : i32
      %add3A_57 = arith.addi %mul3A_55, %add3A_56 : i32
      %dma_wait3A = arith.constant 0 : i32
      %dma_wait3A_58 = arith.constant 0 : i32
      %dma_wait3A_59 = arith.constant 0 : i32
      %dma_wait3A_60 = tpu.memref_slice %arg8[%dma_wait3A, %dma_wait3A_58, %dma_wait3A_59] : memref<2x128x128xf32, #tpu.memory_space<vmem>> -> memref<1x128x128xf32, #tpu.memory_space<vmem>>
      %dma_wait3A_61 = tpu.memref_squeeze %dma_wait3A_60 : memref<1x128x128xf32, #tpu.memory_space<vmem>> -> memref<128x128xf32, #tpu.memory_space<vmem>>
      %dma_wait3A_62 = arith.constant 0 : i32
      %dma_wait3A_63 = tpu.memref_slice %arg6[%add3A_57, %dma_wait3A_62] : memref<160x128xi32, #tpu.memory_space<vmem>> -> memref<1x128xi32, #tpu.memory_space<vmem>>
      %dma_wait3A_64 = tpu.memref_squeeze %dma_wait3A_63 : memref<1x128xi32, #tpu.memory_space<vmem>> -> memref<128xi32, #tpu.memory_space<vmem>>
      %dma_wait3A_65 = arith.constant 0 : i32
      %dma_wait3A_66 = arith.constant 0 : i32
      %dma_wait3A_67 = tpu.memref_slice %arg2[%dma_wait3A_65, %dma_wait3A_66] : memref<10000x128xf32, #tpu.memory_space<hbm>> -> memref<10000x128xf32, #tpu.memory_space<hbm>>
      tpu.wait_indirect_dma semaphore(%arg10 : memref<!tpu.dma_semaphore, #tpu.memory_space<semaphore_mem>>) src(%dma_wait3A_67 : memref<10000x128xf32, #tpu.memory_space<hbm>>) dst(%dma_wait3A_61 : memref<128x128xf32, #tpu.memory_space<vmem>>)
      %run_scoped3A = arith.constant 0 : i32
      "tpu.region"() ({
        %run_scoped3A_97 = tpu.sem_alloc : memref<!tpu.dma_semaphore, #tpu.memory_space<semaphore_mem>>
        %dma_start3A_98 = arith.constant 0 : i32
        %dma_start3A_99 = arith.constant 0 : i32
        %dma_start3A_100 = tpu.memref_slice %arg8[%run_scoped3A, %dma_start3A_98, %dma_start3A_99] : memref<2x128x128xf32, #tpu.memory_space<vmem>> -> memref<1x128x128xf32, #tpu.memory_space<vmem>>
        %dma_start3A_101 = tpu.memref_squeeze %dma_start3A_100 : memref<1x128x128xf32, #tpu.memory_space<vmem>> -> memref<128x128xf32, #tpu.memory_space<vmem>>
        %dma_start3A_102 = arith.constant 0 : i32
        %dma_start3A_103 = tpu.memref_slice %arg7[%add3A_57, %dma_start3A_102] : memref<160x128xi32, #tpu.memory_space<vmem>> -> memref<1x128xi32, #tpu.memory_space<vmem>>
        %dma_start3A_104 = tpu.memref_squeeze %dma_start3A_103 : memref<1x128xi32, #tpu.memory_space<vmem>> -> memref<128xi32, #tpu.memory_space<vmem>>
        %dma_start3A_105 = arith.constant 0 : i32
        %dma_start3A_106 = arith.constant 0 : i32
        %dma_start3A_107 = tpu.memref_slice %arg9[%dma_start3A_105, %dma_start3A_106] : memref<5016x128xf32, #tpu.memory_space<vmem_shared>> -> memref<5016x128xf32, #tpu.memory_space<vmem_shared>>
        tpu.enqueue_indirect_dma source(%dma_start3A_101 : memref<128x128xf32, #tpu.memory_space<vmem>>) target(%dma_start3A_107 : memref<5016x128xf32, #tpu.memory_space<vmem_shared>>) offsets(%dma_start3A_104 : memref<128xi32, #tpu.memory_space<vmem>>) semaphore(%run_scoped3A_97 : memref<!tpu.dma_semaphore, #tpu.memory_space<semaphore_mem>>) {add = true}
        %dma_wait3A_108 = arith.constant 0 : i32
        %dma_wait3A_109 = arith.constant 0 : i32
        %dma_wait3A_110 = tpu.memref_slice %arg8[%run_scoped3A, %dma_wait3A_108, %dma_wait3A_109] : memref<2x128x128xf32, #tpu.memory_space<vmem>> -> memref<1x128x128xf32, #tpu.memory_space<vmem>>
        %dma_wait3A_111 = tpu.memref_squeeze %dma_wait3A_110 : memref<1x128x128xf32, #tpu.memory_space<vmem>> -> memref<128x128xf32, #tpu.memory_space<vmem>>
        %dma_wait3A_112 = arith.constant 0 : i32
        %dma_wait3A_113 = tpu.memref_slice %arg7[%add3A_57, %dma_wait3A_112] : memref<160x128xi32, #tpu.memory_space<vmem>> -> memref<1x128xi32, #tpu.memory_space<vmem>>
        %dma_wait3A_114 = tpu.memref_squeeze %dma_wait3A_113 : memref<1x128xi32, #tpu.memory_space<vmem>> -> memref<128xi32, #tpu.memory_space<vmem>>
        %dma_wait3A_115 = arith.constant 0 : i32
        %dma_wait3A_116 = arith.constant 0 : i32
        %dma_wait3A_117 = tpu.memref_slice %arg9[%dma_wait3A_115, %dma_wait3A_116] : memref<5016x128xf32, #tpu.memory_space<vmem_shared>> -> memref<5016x128xf32, #tpu.memory_space<vmem_shared>>
        tpu.wait_indirect_dma semaphore(%run_scoped3A_97 : memref<!tpu.dma_semaphore, #tpu.memory_space<semaphore_mem>>) src(%dma_wait3A_111 : memref<128x128xf32, #tpu.memory_space<vmem>>) dst(%dma_wait3A_117 : memref<5016x128xf32, #tpu.memory_space<vmem_shared>>)
        tpu.yield
      }) : () -> ()
      %add3A_68 = arith.constant 2 : i32
      %add3A_69 = arith.addi %add3A_57, %add3A_68 : i32
      %lt3A = arith.constant 160 : i32
      %lt3A_70 = arith.cmpi slt, %add3A_69, %lt3A : i32
      %convert_element_type3A_71 = arith.extui %lt3A_70 : i1 to i32
      %cond3A_72 = arith.constant 0 : i32
      %cond3A_73 = arith.cmpi ne, %convert_element_type3A_71, %cond3A_72 : i32
      scf.if %cond3A_73 {
        %add3A_97 = arith.constant 2 : i32
        %add3A_98 = arith.addi %add3A_57, %add3A_97 : i32
        %dma_start3A_99 = arith.constant 0 : i32
        %dma_start3A_100 = arith.constant 0 : i32
        %dma_start3A_101 = arith.constant 0 : i32
        %dma_start3A_102 = tpu.memref_slice %arg8[%dma_start3A_99, %dma_start3A_100, %dma_start3A_101] : memref<2x128x128xf32, #tpu.memory_space<vmem>> -> memref<1x128x128xf32, #tpu.memory_space<vmem>>
        %dma_start3A_103 = tpu.memref_squeeze %dma_start3A_102 : memref<1x128x128xf32, #tpu.memory_space<vmem>> -> memref<128x128xf32, #tpu.memory_space<vmem>>
        %dma_start3A_104 = arith.constant 0 : i32
        %dma_start3A_105 = tpu.memref_slice %arg6[%add3A_98, %dma_start3A_104] : memref<160x128xi32, #tpu.memory_space<vmem>> -> memref<1x128xi32, #tpu.memory_space<vmem>>
        %dma_start3A_106 = tpu.memref_squeeze %dma_start3A_105 : memref<1x128xi32, #tpu.memory_space<vmem>> -> memref<128xi32, #tpu.memory_space<vmem>>
        %dma_start3A_107 = arith.constant 0 : i32
        %dma_start3A_108 = arith.constant 0 : i32
        %dma_start3A_109 = tpu.memref_slice %arg2[%dma_start3A_107, %dma_start3A_108] : memref<10000x128xf32, #tpu.memory_space<hbm>> -> memref<10000x128xf32, #tpu.memory_space<hbm>>
        tpu.enqueue_indirect_dma source(%dma_start3A_109 : memref<10000x128xf32, #tpu.memory_space<hbm>>) target(%dma_start3A_103 : memref<128x128xf32, #tpu.memory_space<vmem>>) offsets(%dma_start3A_106 : memref<128xi32, #tpu.memory_space<vmem>>) semaphore(%arg10 : memref<!tpu.dma_semaphore, #tpu.memory_space<semaphore_mem>>)
      } else {
      }
      %mul3A_74 = arith.constant 2 : i32
      %mul3A_75 = arith.muli %scan3A_53, %mul3A_74 : i32
      %add3A_76 = arith.constant 1 : i32
      %add3A_77 = arith.addi %mul3A_75, %add3A_76 : i32
      %dma_wait3A_78 = arith.constant 1 : i32
      %dma_wait3A_79 = arith.constant 0 : i32
      %dma_wait3A_80 = arith.constant 0 : i32
      %dma_wait3A_81 = tpu.memref_slice %arg8[%dma_wait3A_78, %dma_wait3A_79, %dma_wait3A_80] : memref<2x128x128xf32, #tpu.memory_space<vmem>> -> memref<1x128x128xf32, #tpu.memory_space<vmem>>
      %dma_wait3A_82 = tpu.memref_squeeze %dma_wait3A_81 : memref<1x128x128xf32, #tpu.memory_space<vmem>> -> memref<128x128xf32, #tpu.memory_space<vmem>>
      %dma_wait3A_83 = arith.constant 0 : i32
      %dma_wait3A_84 = tpu.memref_slice %arg6[%add3A_77, %dma_wait3A_83] : memref<160x128xi32, #tpu.memory_space<vmem>> -> memref<1x128xi32, #tpu.memory_space<vmem>>
      %dma_wait3A_85 = tpu.memref_squeeze %dma_wait3A_84 : memref<1x128xi32, #tpu.memory_space<vmem>> -> memref<128xi32, #tpu.memory_space<vmem>>
      %dma_wait3A_86 = arith.constant 0 : i32
      %dma_wait3A_87 = arith.constant 0 : i32
      %dma_wait3A_88 = tpu.memref_slice %arg2[%dma_wait3A_86, %dma_wait3A_87] : memref<10000x128xf32, #tpu.memory_space<hbm>> -> memref<10000x128xf32, #tpu.memory_space<hbm>>
      tpu.wait_indirect_dma semaphore(%arg11 : memref<!tpu.dma_semaphore, #tpu.memory_space<semaphore_mem>>) src(%dma_wait3A_88 : memref<10000x128xf32, #tpu.memory_space<hbm>>) dst(%dma_wait3A_82 : memref<128x128xf32, #tpu.memory_space<vmem>>)
      %run_scoped3A_89 = arith.constant 1 : i32
      "tpu.region"() ({
        %run_scoped3A_97 = tpu.sem_alloc : memref<!tpu.dma_semaphore, #tpu.memory_space<semaphore_mem>>
        %dma_start3A_98 = arith.constant 0 : i32
        %dma_start3A_99 = arith.constant 0 : i32
        %dma_start3A_100 = tpu.memref_slice %arg8[%run_scoped3A_89, %dma_start3A_98, %dma_start3A_99] : memref<2x128x128xf32, #tpu.memory_space<vmem>> -> memref<1x128x128xf32, #tpu.memory_space<vmem>>
        %dma_start3A_101 = tpu.memref_squeeze %dma_start3A_100 : memref<1x128x128xf32, #tpu.memory_space<vmem>> -> memref<128x128xf32, #tpu.memory_space<vmem>>
        %dma_start3A_102 = arith.constant 0 : i32
        %dma_start3A_103 = tpu.memref_slice %arg7[%add3A_77, %dma_start3A_102] : memref<160x128xi32, #tpu.memory_space<vmem>> -> memref<1x128xi32, #tpu.memory_space<vmem>>
        %dma_start3A_104 = tpu.memref_squeeze %dma_start3A_103 : memref<1x128xi32, #tpu.memory_space<vmem>> -> memref<128xi32, #tpu.memory_space<vmem>>
        %dma_start3A_105 = arith.constant 0 : i32
        %dma_start3A_106 = arith.constant 0 : i32
        %dma_start3A_107 = tpu.memref_slice %arg9[%dma_start3A_105, %dma_start3A_106] : memref<5016x128xf32, #tpu.memory_space<vmem_shared>> -> memref<5016x128xf32, #tpu.memory_space<vmem_shared>>
        tpu.enqueue_indirect_dma source(%dma_start3A_101 : memref<128x128xf32, #tpu.memory_space<vmem>>) target(%dma_start3A_107 : memref<5016x128xf32, #tpu.memory_space<vmem_shared>>) offsets(%dma_start3A_104 : memref<128xi32, #tpu.memory_space<vmem>>) semaphore(%run_scoped3A_97 : memref<!tpu.dma_semaphore, #tpu.memory_space<semaphore_mem>>) {add = true}
        %dma_wait3A_108 = arith.constant 0 : i32
        %dma_wait3A_109 = arith.constant 0 : i32
        %dma_wait3A_110 = tpu.memref_slice %arg8[%run_scoped3A_89, %dma_wait3A_108, %dma_wait3A_109] : memref<2x128x128xf32, #tpu.memory_space<vmem>> -> memref<1x128x128xf32, #tpu.memory_space<vmem>>
        %dma_wait3A_111 = tpu.memref_squeeze %dma_wait3A_110 : memref<1x128x128xf32, #tpu.memory_space<vmem>> -> memref<128x128xf32, #tpu.memory_space<vmem>>
        %dma_wait3A_112 = arith.constant 0 : i32
        %dma_wait3A_113 = tpu.memref_slice %arg7[%add3A_77, %dma_wait3A_112] : memref<160x128xi32, #tpu.memory_space<vmem>> -> memref<1x128xi32, #tpu.memory_space<vmem>>
        %dma_wait3A_114 = tpu.memref_squeeze %dma_wait3A_113 : memref<1x128xi32, #tpu.memory_space<vmem>> -> memref<128xi32, #tpu.memory_space<vmem>>
        %dma_wait3A_115 = arith.constant 0 : i32
        %dma_wait3A_116 = arith.constant 0 : i32
        %dma_wait3A_117 = tpu.memref_slice %arg9[%dma_wait3A_115, %dma_wait3A_116] : memref<5016x128xf32, #tpu.memory_space<vmem_shared>> -> memref<5016x128xf32, #tpu.memory_space<vmem_shared>>
        tpu.wait_indirect_dma semaphore(%run_scoped3A_97 : memref<!tpu.dma_semaphore, #tpu.memory_space<semaphore_mem>>) src(%dma_wait3A_111 : memref<128x128xf32, #tpu.memory_space<vmem>>) dst(%dma_wait3A_117 : memref<5016x128xf32, #tpu.memory_space<vmem_shared>>)
        tpu.yield
      }) : () -> ()
      %add3A_90 = arith.constant 2 : i32
      %add3A_91 = arith.addi %add3A_77, %add3A_90 : i32
      %lt3A_92 = arith.constant 160 : i32
      %lt3A_93 = arith.cmpi slt, %add3A_91, %lt3A_92 : i32
      %convert_element_type3A_94 = arith.extui %lt3A_93 : i1 to i32
      %cond3A_95 = arith.constant 0 : i32
      %cond3A_96 = arith.cmpi ne, %convert_element_type3A_94, %cond3A_95 : i32
      scf.if %cond3A_96 {
        %add3A_97 = arith.constant 2 : i32
        %add3A_98 = arith.addi %add3A_77, %add3A_97 : i32
        %dma_start3A_99 = arith.constant 1 : i32
        %dma_start3A_100 = arith.constant 0 : i32
        %dma_start3A_101 = arith.constant 0 : i32
        %dma_start3A_102 = tpu.memref_slice %arg8[%dma_start3A_99, %dma_start3A_100, %dma_start3A_101] : memref<2x128x128xf32, #tpu.memory_space<vmem>> -> memref<1x128x128xf32, #tpu.memory_space<vmem>>
        %dma_start3A_103 = tpu.memref_squeeze %dma_start3A_102 : memref<1x128x128xf32, #tpu.memory_space<vmem>> -> memref<128x128xf32, #tpu.memory_space<vmem>>
        %dma_start3A_104 = arith.constant 0 : i32
        %dma_start3A_105 = tpu.memref_slice %arg6[%add3A_98, %dma_start3A_104] : memref<160x128xi32, #tpu.memory_space<vmem>> -> memref<1x128xi32, #tpu.memory_space<vmem>>
        %dma_start3A_106 = tpu.memref_squeeze %dma_start3A_105 : memref<1x128xi32, #tpu.memory_space<vmem>> -> memref<128xi32, #tpu.memory_space<vmem>>
        %dma_start3A_107 = arith.constant 0 : i32
        %dma_start3A_108 = arith.constant 0 : i32
        %dma_start3A_109 = tpu.memref_slice %arg2[%dma_start3A_107, %dma_start3A_108] : memref<10000x128xf32, #tpu.memory_space<hbm>> -> memref<10000x128xf32, #tpu.memory_space<hbm>>
        tpu.enqueue_indirect_dma source(%dma_start3A_109 : memref<10000x128xf32, #tpu.memory_space<hbm>>) target(%dma_start3A_103 : memref<128x128xf32, #tpu.memory_space<vmem>>) offsets(%dma_start3A_106 : memref<128xi32, #tpu.memory_space<vmem>>) semaphore(%arg11 : memref<!tpu.dma_semaphore, #tpu.memory_space<semaphore_mem>>)
      } else {
      }
    }
    %scan3A_41 = arith.constant 80 : i32
    %barrier3A_42 = arith.constant 0 : index
    tpu.barrier barrier_id(%barrier3A_42)
    %mul3A_43 = arith.constant 312 : i32
    %mul3A_44 = arith.muli %arg1, %mul3A_43 : i32
    %mul3A_45 = arith.constant 312 : i32
    %mul3A_46 = arith.muli %arg1, %mul3A_45 : i32
    %add3A_47 = arith.addi %mul3A_0, %mul3A_46 : i32
    "tpu.region"() ({
      %run_scoped3A = tpu.sem_alloc : memref<!tpu.dma_semaphore, #tpu.memory_space<semaphore_mem>>
      %dma_start3A_53 = arith.constant 0 : i32
      %dma_start3A_54 = tpu.memref_slice %arg5[%add3A_47, %dma_start3A_53] : memref<10000x128xf32, #tpu.memory_space<hbm>> -> memref<312x128xf32, #tpu.memory_space<hbm>>
      %dma_start3A_55 = arith.constant 0 : i32
      %dma_start3A_56 = tpu.memref_slice %arg9[%mul3A_44, %dma_start3A_55] : memref<5016x128xf32, #tpu.memory_space<vmem_shared>> -> memref<312x128xf32, #tpu.memory_space<vmem_shared>>
      tpu.enqueue_dma source(%dma_start3A_56 : memref<312x128xf32, #tpu.memory_space<vmem_shared>>) target(%dma_start3A_54 : memref<312x128xf32, #tpu.memory_space<hbm>>) target_semaphore(%run_scoped3A : memref<!tpu.dma_semaphore, #tpu.memory_space<semaphore_mem>>)
      %dma_wait3A = arith.constant 0 : i32
      %dma_wait3A_57 = tpu.memref_slice %arg5[%add3A_47, %dma_wait3A] : memref<10000x128xf32, #tpu.memory_space<hbm>> -> memref<312x128xf32, #tpu.memory_space<hbm>>
      %dma_wait3A_58 = arith.constant 0 : i32
      %dma_wait3A_59 = tpu.memref_slice %arg9[%mul3A_44, %dma_wait3A_58] : memref<5016x128xf32, #tpu.memory_space<vmem_shared>> -> memref<312x128xf32, #tpu.memory_space<vmem_shared>>
      tpu.wait_dma2 semaphore(%run_scoped3A : memref<!tpu.dma_semaphore, #tpu.memory_space<semaphore_mem>>) src(%dma_wait3A_59 : memref<312x128xf32, #tpu.memory_space<vmem_shared>>) dst(%dma_wait3A_57 : memref<312x128xf32, #tpu.memory_space<hbm>>)
      tpu.yield
    }) : () -> ()
    %eq3A_48 = arith.constant 0 : i32
    %eq3A_49 = arith.cmpi eq, %arg1, %eq3A_48 : i32
    %convert_element_type3A_50 = arith.extui %eq3A_49 : i1 to i32
    %cond3A_51 = arith.constant 0 : i32
    %cond3A_52 = arith.cmpi ne, %convert_element_type3A_50, %cond3A_51 : i32
    scf.if %cond3A_52 {
      %add3A_53 = arith.constant 4992 : i32
      %add3A_54 = arith.addi %mul3A_0, %add3A_53 : i32
      "tpu.region"() ({
        %run_scoped3A = tpu.sem_alloc : memref<!tpu.dma_semaphore, #tpu.memory_space<semaphore_mem>>
        %dma_start3A_55 = arith.constant 0 : i32
        %dma_start3A_56 = tpu.memref_slice %arg5[%add3A_54, %dma_start3A_55] : memref<10000x128xf32, #tpu.memory_space<hbm>> -> memref<8x128xf32, #tpu.memory_space<hbm>>
        %dma_start3A_57 = arith.constant 4992 : i32
        %dma_start3A_58 = arith.constant 0 : i32
        %dma_start3A_59 = tpu.memref_slice %arg9[%dma_start3A_57, %dma_start3A_58] : memref<5016x128xf32, #tpu.memory_space<vmem_shared>> -> memref<8x128xf32, #tpu.memory_space<vmem_shared>>
        tpu.enqueue_dma source(%dma_start3A_59 : memref<8x128xf32, #tpu.memory_space<vmem_shared>>) target(%dma_start3A_56 : memref<8x128xf32, #tpu.memory_space<hbm>>) target_semaphore(%run_scoped3A : memref<!tpu.dma_semaphore, #tpu.memory_space<semaphore_mem>>)
        %dma_wait3A = arith.constant 0 : i32
        %dma_wait3A_60 = tpu.memref_slice %arg5[%add3A_54, %dma_wait3A] : memref<10000x128xf32, #tpu.memory_space<hbm>> -> memref<8x128xf32, #tpu.memory_space<hbm>>
        %dma_wait3A_61 = arith.constant 4992 : i32
        %dma_wait3A_62 = arith.constant 0 : i32
        %dma_wait3A_63 = tpu.memref_slice %arg9[%dma_wait3A_61, %dma_wait3A_62] : memref<5016x128xf32, #tpu.memory_space<vmem_shared>> -> memref<8x128xf32, #tpu.memory_space<vmem_shared>>
        tpu.wait_dma2 semaphore(%run_scoped3A : memref<!tpu.dma_semaphore, #tpu.memory_space<semaphore_mem>>) src(%dma_wait3A_63 : memref<8x128xf32, #tpu.memory_space<vmem_shared>>) dst(%dma_wait3A_60 : memref<8x128xf32, #tpu.memory_space<hbm>>)
        tpu.yield
      }) : () -> ()
    } else {
    }
    return
  }
}

module attributes {stable_mosaic.version = 14 : i64} {
  func.func @_prep_body(%arg0: i32, %arg1: memref<400x128xf32, #tpu.memory_space<vmem>>, %arg2: memref<400x128xf32, #tpu.memory_space<vmem>>, %arg3: memref<400x1xf32, #tpu.memory_space<vmem>>, %arg4: memref<400x128xf32, #tpu.memory_space<vmem>>) attributes {dimension_semantics = [#tpu.dimension_semantics<arbitrary>], iteration_bounds = array<i64: 25>, scalar_prefetch = 0 : i64, scratch_operands = 0 : i64, tpu.core_type = #tpu.core_type<tc>, window_params = [{transform_indices = @transform_0, window_bounds = array<i64: 400, 128>}, {transform_indices = @transform_1, window_bounds = array<i64: 400, 128>}, {transform_indices = @transform_2, window_bounds = array<i64: 400, 1>}, {transform_indices = @transform_3, window_bounds = array<i64: 400, 128>}]} {
    %get3A = arith.constant 0 : index
    %get3A_0 = arith.constant 0 : index
    %get3A_1 = vector.load %arg1[%get3A, %get3A_0] : memref<400x128xf32, #tpu.memory_space<vmem>>, vector<400x1xf32>
    %rsqrt3A = math.rsqrt %get3A_1 : vector<400x1xf32>
    %swap3A = arith.constant 0 : index
    %swap3A_2 = arith.constant 0 : index
    %swap3A_3 = vector.load %arg3[%swap3A, %swap3A_2] : memref<400x1xf32, #tpu.memory_space<vmem>>, vector<400x1xf32>
    tpu.vector_store %arg3[%swap3A, %swap3A_2], %rsqrt3A {strides = array<i32>} : memref<400x1xf32, #tpu.memory_space<vmem>>, vector<400x1xf32>,
    %get3A_4 = arith.constant 0 : index
    %get3A_5 = arith.constant 0 : index
    %get3A_6 = vector.load %arg2[%get3A_4, %get3A_5] : memref<400x128xf32, #tpu.memory_space<vmem>>, vector<400x128xf32>
    %mul3A = vector.broadcast %rsqrt3A : vector<400x1xf32> to vector<400x128xf32>
    %mul3A_7 = arith.mulf %get3A_6, %mul3A : vector<400x128xf32>
    %swap3A_8 = arith.constant 0 : index
    %swap3A_9 = arith.constant 0 : index
    %swap3A_10 = vector.load %arg4[%swap3A_8, %swap3A_9] : memref<400x128xf32, #tpu.memory_space<vmem>>, vector<400x128xf32>
    tpu.vector_store %arg4[%swap3A_8, %swap3A_9], %mul3A_7 {strides = array<i32>} : memref<400x128xf32, #tpu.memory_space<vmem>>, vector<400x128xf32>,
    return
  }
  func.func @transform_0(%arg0: i32) -> (i32, i32) {
    %c0_i32 = arith.constant 0 : i32
    %c0_i32_0 = arith.constant 0 : i32
    return %arg0, %c0_i32 : i32, i32
  }
  func.func @transform_1(%arg0: i32) -> (i32, i32) {
    %c0_i32 = arith.constant 0 : i32
    %c0_i32_0 = arith.constant 0 : i32
    return %arg0, %c0_i32 : i32, i32
  }
  func.func @transform_2(%arg0: i32) -> (i32, i32) {
    %c0_i32 = arith.constant 0 : i32
    %c0_i32_0 = arith.constant 0 : i32
    return %arg0, %c0_i32 : i32, i32
  }
  func.func @transform_3(%arg0: i32) -> (i32, i32) {
    %c0_i32 = arith.constant 0 : i32
    %c0_i32_0 = arith.constant 0 : i32
    return %arg0, %c0_i32 : i32, i32
  }
}

module attributes {stable_mosaic.version = 14 : i64} {
  func.func @_l1_body(%arg0: i32, %arg1: memref<400x128xf32, #tpu.memory_space<vmem>>, %arg2: memref<400x1xf32, #tpu.memory_space<vmem>>, %arg3: memref<128x256xf32, #tpu.memory_space<vmem>>, %arg4: memref<1x256xf32, #tpu.memory_space<vmem>>, %arg5: memref<1x256xf32, #tpu.memory_space<vmem>>, %arg6: memref<1x256xf32, #tpu.memory_space<vmem>>, %arg7: memref<400x128xf32, #tpu.memory_space<vmem>>, %arg8: memref<400x128xf32, #tpu.memory_space<vmem>>) attributes {dimension_semantics = [#tpu.dimension_semantics<arbitrary>], iteration_bounds = array<i64: 25>, scalar_prefetch = 0 : i64, scratch_operands = 0 : i64, tpu.core_type = #tpu.core_type<tc>, window_params = [{transform_indices = @transform_0, window_bounds = array<i64: 400, 128>}, {transform_indices = @transform_1, window_bounds = array<i64: 400, 1>}, {pipeline_mode = #tpu.pipeline_mode<synchronous>, transform_indices = @transform_2, window_bounds = array<i64: 128, 256>}, {pipeline_mode = #tpu.pipeline_mode<synchronous>, transform_indices = @transform_3, window_bounds = array<i64: 1, 256>}, {pipeline_mode = #tpu.pipeline_mode<synchronous>, transform_indices = @transform_4, window_bounds = array<i64: 1, 256>}, {pipeline_mode = #tpu.pipeline_mode<synchronous>, transform_indices = @transform_5, window_bounds = array<i64: 1, 256>}, {transform_indices = @transform_6, window_bounds = array<i64: 400, 128>}, {transform_indices = @transform_7, window_bounds = array<i64: 400, 128>}]} {
    %get3A = arith.constant 0 : index
    %get3A_0 = arith.constant 0 : index
    %get3A_1 = vector.load %arg2[%get3A, %get3A_0] : memref<400x1xf32, #tpu.memory_space<vmem>>, vector<400x1xf32>
    %get3A_2 = arith.constant 0 : index
    %get3A_3 = arith.constant 0 : index
    %get3A_4 = vector.load %arg1[%get3A_2, %get3A_3] : memref<400x128xf32, #tpu.memory_space<vmem>>, vector<400x128xf32>
    %mul3A = vector.broadcast %get3A_1 : vector<400x1xf32> to vector<400x128xf32>
    %mul3A_5 = arith.mulf %get3A_4, %mul3A : vector<400x128xf32>
    %get3A_6 = arith.constant 0 : index
    %get3A_7 = arith.constant 0 : index
    %get3A_8 = vector.load %arg3[%get3A_6, %get3A_7] : memref<128x256xf32, #tpu.memory_space<vmem>>, vector<128x256xf32>
    %dot_general3A = arith.constant dense<0.000000e+00> : vector<400x256xf32>
    %dot_general3A_9 = tpu.matmul %mul3A_5, %get3A_8, %dot_general3A {dimension_numbers = #tpu.dot_dimension_numbers<[1], [0], [0], [1], [0, 0, 1, 1], [], []>, transpose_lhs_hint = false} : vector<400x128xf32>, vector<128x256xf32>, vector<400x256xf32> -> vector<400x256xf32>
    %get3A_10 = arith.constant 0 : index
    %get3A_11 = arith.constant 0 : index
    %get3A_12 = vector.load %arg4[%get3A_10, %get3A_11] : memref<1x256xf32, #tpu.memory_space<vmem>>, vector<1x256xf32>
    %add3A = vector.broadcast %get3A_12 : vector<1x256xf32> to vector<400x256xf32>
    %add3A_13 = arith.addf %dot_general3A_9, %add3A : vector<400x256xf32>
    %get3A_14 = arith.constant 0 : index
    %get3A_15 = arith.constant 0 : index
    %get3A_16 = vector.load %arg5[%get3A_14, %get3A_15] : memref<1x256xf32, #tpu.memory_space<vmem>>, vector<1x256xf32>
    %get3A_17 = arith.constant 0 : index
    %get3A_18 = arith.constant 0 : index
    %get3A_19 = vector.load %arg6[%get3A_17, %get3A_18] : memref<1x256xf32, #tpu.memory_space<vmem>>, vector<1x256xf32>
    %reduce_sum3A = arith.constant dense<0.000000e+00> : vector<400xf32>
    %reduce_sum3A_20 = vector.multi_reduction <add>, %add3A_13, %reduce_sum3A [1] : vector<400x256xf32> to vector<400xf32>
    %broadcast_in_dim3A = vector.shape_cast %reduce_sum3A_20 : vector<400xf32> to vector<400x1xf32>
    %div3A = arith.constant 2.560000e+02 : f32
    %div3A_21 = vector.broadcast %div3A : f32 to vector<400x1xf32>
    %div3A_22 = arith.divf %broadcast_in_dim3A, %div3A_21 : vector<400x1xf32>
    %sub3A = vector.broadcast %div3A_22 : vector<400x1xf32> to vector<400x256xf32>
    %sub3A_23 = arith.subf %add3A_13, %sub3A : vector<400x256xf32>
    %mul3A_24 = arith.mulf %sub3A_23, %sub3A_23 : vector<400x256xf32>
    %reduce_sum3A_25 = arith.constant dense<0.000000e+00> : vector<400xf32>
    %reduce_sum3A_26 = vector.multi_reduction <add>, %mul3A_24, %reduce_sum3A_25 [1] : vector<400x256xf32> to vector<400xf32>
    %broadcast_in_dim3A_27 = vector.shape_cast %reduce_sum3A_26 : vector<400xf32> to vector<400x1xf32>
    %div3A_28 = arith.constant 2.560000e+02 : f32
    %div3A_29 = vector.broadcast %div3A_28 : f32 to vector<400x1xf32>
    %div3A_30 = arith.divf %broadcast_in_dim3A_27, %div3A_29 : vector<400x1xf32>
    %add3A_31 = arith.constant 9.99999974E-6 : f32
    %add3A_32 = vector.broadcast %add3A_31 : f32 to vector<400x1xf32>
    %add3A_33 = arith.addf %div3A_30, %add3A_32 : vector<400x1xf32>
    %rsqrt3A = math.rsqrt %add3A_33 : vector<400x1xf32>
    %mul3A_34 = vector.broadcast %rsqrt3A : vector<400x1xf32> to vector<400x256xf32>
    %mul3A_35 = arith.mulf %sub3A_23, %mul3A_34 : vector<400x256xf32>
    %mul3A_36 = vector.broadcast %get3A_16 : vector<1x256xf32> to vector<400x256xf32>
    %mul3A_37 = arith.mulf %mul3A_35, %mul3A_36 : vector<400x256xf32>
    %add3A_38 = vector.broadcast %get3A_19 : vector<1x256xf32> to vector<400x256xf32>
    %add3A_39 = arith.addf %mul3A_37, %add3A_38 : vector<400x256xf32>
    %max3A = arith.constant 0.000000e+00 : f32
    %max3A_40 = vector.broadcast %max3A : f32 to vector<400x256xf32>
    %max3A_41 = arith.maximumf %add3A_39, %max3A_40 : vector<400x256xf32>
    %mul3A_42 = vector.broadcast %get3A_1 : vector<400x1xf32> to vector<400x256xf32>
    %mul3A_43 = arith.mulf %max3A_41, %mul3A_42 : vector<400x256xf32>
    %slice3A = vector.extract_strided_slice %mul3A_43 {offsets = [0, 0], sizes = [400, 128], strides = [1, 1]} : vector<400x256xf32> to vector<400x128xf32>
    %swap3A = arith.constant 0 : index
    %swap3A_44 = arith.constant 0 : index
    %swap3A_45 = vector.load %arg7[%swap3A, %swap3A_44] : memref<400x128xf32, #tpu.memory_space<vmem>>, vector<400x128xf32>
    tpu.vector_store %arg7[%swap3A, %swap3A_44], %slice3A {strides = array<i32>} : memref<400x128xf32, #tpu.memory_space<vmem>>, vector<400x128xf32>,
    %slice3A_46 = vector.extract_strided_slice %mul3A_43 {offsets = [0, 128], sizes = [400, 128], strides = [1, 1]} : vector<400x256xf32> to vector<400x128xf32>
    %swap3A_47 = arith.constant 0 : index
    %swap3A_48 = arith.constant 0 : index
    %swap3A_49 = vector.load %arg8[%swap3A_47, %swap3A_48] : memref<400x128xf32, #tpu.memory_space<vmem>>, vector<400x128xf32>
    tpu.vector_store %arg8[%swap3A_47, %swap3A_48], %slice3A_46 {strides = array<i32>} : memref<400x128xf32, #tpu.memory_space<vmem>>, vector<400x128xf32>,
    return
  }
  func.func @transform_0(%arg0: i32) -> (i32, i32) {
    %c0_i32 = arith.constant 0 : i32
    %c0_i32_0 = arith.constant 0 : i32
    return %arg0, %c0_i32 : i32, i32
  }
  func.func @transform_1(%arg0: i32) -> (i32, i32) {
    %c0_i32 = arith.constant 0 : i32
    %c0_i32_0 = arith.constant 0 : i32
    return %arg0, %c0_i32 : i32, i32
  }
  func.func @transform_2(%arg0: i32) -> (i32, i32) {
    %c0_i32 = arith.constant 0 : i32
    %c0_i32_0 = arith.constant 0 : i32
    %c0_i32_1 = arith.constant 0 : i32
    return %c0_i32, %c0_i32_0 : i32, i32
  }
  func.func @transform_3(%arg0: i32) -> (i32, i32) {
    %c0_i32 = arith.constant 0 : i32
    %c0_i32_0 = arith.constant 0 : i32
    %c0_i32_1 = arith.constant 0 : i32
    return %c0_i32, %c0_i32_0 : i32, i32
  }
  func.func @transform_4(%arg0: i32) -> (i32, i32) {
    %c0_i32 = arith.constant 0 : i32
    %c0_i32_0 = arith.constant 0 : i32
    %c0_i32_1 = arith.constant 0 : i32
    return %c0_i32, %c0_i32_0 : i32, i32
  }
  func.func @transform_5(%arg0: i32) -> (i32, i32) {
    %c0_i32 = arith.constant 0 : i32
    %c0_i32_0 = arith.constant 0 : i32
    %c0_i32_1 = arith.constant 0 : i32
    return %c0_i32, %c0_i32_0 : i32, i32
  }
  func.func @transform_6(%arg0: i32) -> (i32, i32) {
    %c0_i32 = arith.constant 0 : i32
    %c0_i32_0 = arith.constant 0 : i32
    return %arg0, %c0_i32 : i32, i32
  }
  func.func @transform_7(%arg0: i32) -> (i32, i32) {
    %c0_i32 = arith.constant 0 : i32
    %c0_i32_0 = arith.constant 0 : i32
    return %arg0, %c0_i32 : i32, i32
  }
}

module attributes {stable_mosaic.version = 14 : i64} {
  func.func @_l2_body(%arg0: i32, %arg1: memref<400x128xf32, #tpu.memory_space<vmem>>, %arg2: memref<400x128xf32, #tpu.memory_space<vmem>>, %arg3: memref<400x1xf32, #tpu.memory_space<vmem>>, %arg4: memref<256x256xf32, #tpu.memory_space<vmem>>, %arg5: memref<1x256xf32, #tpu.memory_space<vmem>>, %arg6: memref<1x256xf32, #tpu.memory_space<vmem>>, %arg7: memref<1x256xf32, #tpu.memory_space<vmem>>, %arg8: memref<256x128xf32, #tpu.memory_space<vmem>>, %arg9: memref<400x128xf32, #tpu.memory_space<vmem>>) attributes {dimension_semantics = [#tpu.dimension_semantics<arbitrary>], iteration_bounds = array<i64: 25>, scalar_prefetch = 0 : i64, scratch_operands = 0 : i64, tpu.core_type = #tpu.core_type<tc>, window_params = [{transform_indices = @transform_0, window_bounds = array<i64: 400, 128>}, {transform_indices = @transform_1, window_bounds = array<i64: 400, 128>}, {transform_indices = @transform_2, window_bounds = array<i64: 400, 1>}, {pipeline_mode = #tpu.pipeline_mode<synchronous>, transform_indices = @transform_3, window_bounds = array<i64: 256, 256>}, {pipeline_mode = #tpu.pipeline_mode<synchronous>, transform_indices = @transform_4, window_bounds = array<i64: 1, 256>}, {pipeline_mode = #tpu.pipeline_mode<synchronous>, transform_indices = @transform_5, window_bounds = array<i64: 1, 256>}, {pipeline_mode = #tpu.pipeline_mode<synchronous>, transform_indices = @transform_6, window_bounds = array<i64: 1, 256>}, {pipeline_mode = #tpu.pipeline_mode<synchronous>, transform_indices = @transform_7, window_bounds = array<i64: 256, 128>}, {transform_indices = @transform_8, window_bounds = array<i64: 400, 128>}]} {
    %get3A = arith.constant 0 : index
    %get3A_0 = arith.constant 0 : index
    %get3A_1 = vector.load %arg3[%get3A, %get3A_0] : memref<400x1xf32, #tpu.memory_space<vmem>>, vector<400x1xf32>
    %get3A_2 = arith.constant 0 : index
    %get3A_3 = arith.constant 0 : index
    %get3A_4 = vector.load %arg1[%get3A_2, %get3A_3] : memref<400x128xf32, #tpu.memory_space<vmem>>, vector<400x128xf32>
    %get3A_5 = arith.constant 0 : index
    %get3A_6 = arith.constant 0 : index
    %get3A_7 = vector.load %arg2[%get3A_5, %get3A_6] : memref<400x128xf32, #tpu.memory_space<vmem>>, vector<400x128xf32>
    %concatenate3A = tpu.concatenate %get3A_4, %get3A_7 in 1 : vector<400x128xf32>, vector<400x128xf32> -> vector<400x256xf32>
    %mul3A = vector.broadcast %get3A_1 : vector<400x1xf32> to vector<400x256xf32>
    %mul3A_8 = arith.mulf %concatenate3A, %mul3A : vector<400x256xf32>
    %get3A_9 = arith.constant 0 : index
    %get3A_10 = arith.constant 0 : index
    %get3A_11 = vector.load %arg4[%get3A_9, %get3A_10] : memref<256x256xf32, #tpu.memory_space<vmem>>, vector<256x256xf32>
    %dot_general3A = arith.constant dense<0.000000e+00> : vector<400x256xf32>
    %dot_general3A_12 = tpu.matmul %mul3A_8, %get3A_11, %dot_general3A {dimension_numbers = #tpu.dot_dimension_numbers<[1], [0], [0], [1], [0, 0, 1, 1], [], []>, transpose_lhs_hint = false} : vector<400x256xf32>, vector<256x256xf32>, vector<400x256xf32> -> vector<400x256xf32>
    %get3A_13 = arith.constant 0 : index
    %get3A_14 = arith.constant 0 : index
    %get3A_15 = vector.load %arg5[%get3A_13, %get3A_14] : memref<1x256xf32, #tpu.memory_space<vmem>>, vector<1x256xf32>
    %add3A = vector.broadcast %get3A_15 : vector<1x256xf32> to vector<400x256xf32>
    %add3A_16 = arith.addf %dot_general3A_12, %add3A : vector<400x256xf32>
    %get3A_17 = arith.constant 0 : index
    %get3A_18 = arith.constant 0 : index
    %get3A_19 = vector.load %arg6[%get3A_17, %get3A_18] : memref<1x256xf32, #tpu.memory_space<vmem>>, vector<1x256xf32>
    %get3A_20 = arith.constant 0 : index
    %get3A_21 = arith.constant 0 : index
    %get3A_22 = vector.load %arg7[%get3A_20, %get3A_21] : memref<1x256xf32, #tpu.memory_space<vmem>>, vector<1x256xf32>
    %reduce_sum3A = arith.constant dense<0.000000e+00> : vector<400xf32>
    %reduce_sum3A_23 = vector.multi_reduction <add>, %add3A_16, %reduce_sum3A [1] : vector<400x256xf32> to vector<400xf32>
    %broadcast_in_dim3A = vector.shape_cast %reduce_sum3A_23 : vector<400xf32> to vector<400x1xf32>
    %div3A = arith.constant 2.560000e+02 : f32
    %div3A_24 = vector.broadcast %div3A : f32 to vector<400x1xf32>
    %div3A_25 = arith.divf %broadcast_in_dim3A, %div3A_24 : vector<400x1xf32>
    %sub3A = vector.broadcast %div3A_25 : vector<400x1xf32> to vector<400x256xf32>
    %sub3A_26 = arith.subf %add3A_16, %sub3A : vector<400x256xf32>
    %mul3A_27 = arith.mulf %sub3A_26, %sub3A_26 : vector<400x256xf32>
    %reduce_sum3A_28 = arith.constant dense<0.000000e+00> : vector<400xf32>
    %reduce_sum3A_29 = vector.multi_reduction <add>, %mul3A_27, %reduce_sum3A_28 [1] : vector<400x256xf32> to vector<400xf32>
    %broadcast_in_dim3A_30 = vector.shape_cast %reduce_sum3A_29 : vector<400xf32> to vector<400x1xf32>
    %div3A_31 = arith.constant 2.560000e+02 : f32
    %div3A_32 = vector.broadcast %div3A_31 : f32 to vector<400x1xf32>
    %div3A_33 = arith.divf %broadcast_in_dim3A_30, %div3A_32 : vector<400x1xf32>
    %add3A_34 = arith.constant 9.99999974E-6 : f32
    %add3A_35 = vector.broadcast %add3A_34 : f32 to vector<400x1xf32>
    %add3A_36 = arith.addf %div3A_33, %add3A_35 : vector<400x1xf32>
    %rsqrt3A = math.rsqrt %add3A_36 : vector<400x1xf32>
    %mul3A_37 = vector.broadcast %rsqrt3A : vector<400x1xf32> to vector<400x256xf32>
    %mul3A_38 = arith.mulf %sub3A_26, %mul3A_37 : vector<400x256xf32>
    %mul3A_39 = vector.broadcast %get3A_19 : vector<1x256xf32> to vector<400x256xf32>
    %mul3A_40 = arith.mulf %mul3A_38, %mul3A_39 : vector<400x256xf32>
    %add3A_41 = vector.broadcast %get3A_22 : vector<1x256xf32> to vector<400x256xf32>
    %add3A_42 = arith.addf %mul3A_40, %add3A_41 : vector<400x256xf32>
    %max3A = arith.constant 0.000000e+00 : f32
    %max3A_43 = vector.broadcast %max3A : f32 to vector<400x256xf32>
    %max3A_44 = arith.maximumf %add3A_42, %max3A_43 : vector<400x256xf32>
    %get3A_45 = arith.constant 0 : index
    %get3A_46 = arith.constant 0 : index
    %get3A_47 = vector.load %arg8[%get3A_45, %get3A_46] : memref<256x128xf32, #tpu.memory_space<vmem>>, vector<256x128xf32>
    %dot_general3A_48 = arith.constant dense<0.000000e+00> : vector<400x128xf32>
    %dot_general3A_49 = tpu.matmul %max3A_44, %get3A_47, %dot_general3A_48 {dimension_numbers = #tpu.dot_dimension_numbers<[1], [0], [0], [1], [0, 0, 1, 1], [], []>, transpose_lhs_hint = false} : vector<400x256xf32>, vector<256x128xf32>, vector<400x128xf32> -> vector<400x128xf32>
    %mul3A_50 = vector.broadcast %get3A_1 : vector<400x1xf32> to vector<400x128xf32>
    %mul3A_51 = arith.mulf %dot_general3A_49, %mul3A_50 : vector<400x128xf32>
    %swap3A = arith.constant 0 : index
    %swap3A_52 = arith.constant 0 : index
    %swap3A_53 = vector.load %arg9[%swap3A, %swap3A_52] : memref<400x128xf32, #tpu.memory_space<vmem>>, vector<400x128xf32>
    tpu.vector_store %arg9[%swap3A, %swap3A_52], %mul3A_51 {strides = array<i32>} : memref<400x128xf32, #tpu.memory_space<vmem>>, vector<400x128xf32>,
    return
  }
  func.func @transform_0(%arg0: i32) -> (i32, i32) {
    %c0_i32 = arith.constant 0 : i32
    %c0_i32_0 = arith.constant 0 : i32
    return %arg0, %c0_i32 : i32, i32
  }
  func.func @transform_1(%arg0: i32) -> (i32, i32) {
    %c0_i32 = arith.constant 0 : i32
    %c0_i32_0 = arith.constant 0 : i32
    return %arg0, %c0_i32 : i32, i32
  }
  func.func @transform_2(%arg0: i32) -> (i32, i32) {
    %c0_i32 = arith.constant 0 : i32
    %c0_i32_0 = arith.constant 0 : i32
    return %arg0, %c0_i32 : i32, i32
  }
  func.func @transform_3(%arg0: i32) -> (i32, i32) {
    %c0_i32 = arith.constant 0 : i32
    %c0_i32_0 = arith.constant 0 : i32
    %c0_i32_1 = arith.constant 0 : i32
    return %c0_i32, %c0_i32_0 : i32, i32
  }
  func.func @transform_4(%arg0: i32) -> (i32, i32) {
    %c0_i32 = arith.constant 0 : i32
    %c0_i32_0 = arith.constant 0 : i32
    %c0_i32_1 = arith.constant 0 : i32
    return %c0_i32, %c0_i32_0 : i32, i32
  }
  func.func @transform_5(%arg0: i32) -> (i32, i32) {
    %c0_i32 = arith.constant 0 : i32
    %c0_i32_0 = arith.constant 0 : i32
    %c0_i32_1 = arith.constant 0 : i32
    return %c0_i32, %c0_i32_0 : i32, i32
  }
  func.func @transform_6(%arg0: i32) -> (i32, i32) {
    %c0_i32 = arith.constant 0 : i32
    %c0_i32_0 = arith.constant 0 : i32
    %c0_i32_1 = arith.constant 0 : i32
    return %c0_i32, %c0_i32_0 : i32, i32
  }
  func.func @transform_7(%arg0: i32) -> (i32, i32) {
    %c0_i32 = arith.constant 0 : i32
    %c0_i32_0 = arith.constant 0 : i32
    %c0_i32_1 = arith.constant 0 : i32
    return %c0_i32, %c0_i32_0 : i32, i32
  }
  func.func @transform_8(%arg0: i32) -> (i32, i32) {
    %c0_i32 = arith.constant 0 : i32
    %c0_i32_0 = arith.constant 0 : i32
    return %arg0, %c0_i32 : i32, i32
  }
}

module attributes {stable_mosaic.version = 14 : i64} {
  func.func @_out_body(%arg0: i32, %arg1: memref<400x128xf32, #tpu.memory_space<vmem>>, %arg2: memref<400x1xf32, #tpu.memory_space<vmem>>, %arg3: memref<1x128xf32, #tpu.memory_space<vmem>>, %arg4: memref<400x128xf32, #tpu.memory_space<vmem>>) attributes {dimension_semantics = [#tpu.dimension_semantics<arbitrary>], iteration_bounds = array<i64: 25>, scalar_prefetch = 0 : i64, scratch_operands = 0 : i64, tpu.core_type = #tpu.core_type<tc>, window_params = [{transform_indices = @transform_0, window_bounds = array<i64: 400, 128>}, {transform_indices = @transform_1, window_bounds = array<i64: 400, 1>}, {pipeline_mode = #tpu.pipeline_mode<synchronous>, transform_indices = @transform_2, window_bounds = array<i64: 1, 128>}, {transform_indices = @transform_3, window_bounds = array<i64: 400, 128>}]} {
    %get3A = arith.constant 0 : index
    %get3A_0 = arith.constant 0 : index
    %get3A_1 = vector.load %arg1[%get3A, %get3A_0] : memref<400x128xf32, #tpu.memory_space<vmem>>, vector<400x128xf32>
    %get3A_2 = arith.constant 0 : index
    %get3A_3 = arith.constant 0 : index
    %get3A_4 = vector.load %arg2[%get3A_2, %get3A_3] : memref<400x1xf32, #tpu.memory_space<vmem>>, vector<400x1xf32>
    %mul3A = vector.broadcast %get3A_4 : vector<400x1xf32> to vector<400x128xf32>
    %mul3A_5 = arith.mulf %get3A_1, %mul3A : vector<400x128xf32>
    %get3A_6 = arith.constant 0 : index
    %get3A_7 = arith.constant 0 : index
    %get3A_8 = vector.load %arg3[%get3A_6, %get3A_7] : memref<1x128xf32, #tpu.memory_space<vmem>>, vector<1x128xf32>
    %add3A = vector.broadcast %get3A_8 : vector<1x128xf32> to vector<400x128xf32>
    %add3A_9 = arith.addf %mul3A_5, %add3A : vector<400x128xf32>
    %swap3A = arith.constant 0 : index
    %swap3A_10 = arith.constant 0 : index
    %swap3A_11 = vector.load %arg4[%swap3A, %swap3A_10] : memref<400x128xf32, #tpu.memory_space<vmem>>, vector<400x128xf32>
    tpu.vector_store %arg4[%swap3A, %swap3A_10], %add3A_9 {strides = array<i32>} : memref<400x128xf32, #tpu.memory_space<vmem>>, vector<400x128xf32>,
    return
  }
  func.func @transform_0(%arg0: i32) -> (i32, i32) {
    %c0_i32 = arith.constant 0 : i32
    %c0_i32_0 = arith.constant 0 : i32
    return %arg0, %c0_i32 : i32, i32
  }
  func.func @transform_1(%arg0: i32) -> (i32, i32) {
    %c0_i32 = arith.constant 0 : i32
    %c0_i32_0 = arith.constant 0 : i32
    return %arg0, %c0_i32 : i32, i32
  }
  func.func @transform_2(%arg0: i32) -> (i32, i32) {
    %c0_i32 = arith.constant 0 : i32
    %c0_i32_0 = arith.constant 0 : i32
    %c0_i32_1 = arith.constant 0 : i32
    return %c0_i32, %c0_i32_0 : i32, i32
  }
  func.func @transform_3(%arg0: i32) -> (i32, i32) {
    %c0_i32 = arith.constant 0 : i32
    %c0_i32_0 = arith.constant 0 : i32
    return %arg0, %c0_i32 : i32, i32
  }
}

</mosaic_0001>

<sc_bundles>
// kernel: kernel.11.cloned.1.call-start
scs
__scs_entry_jumppad:
0x0: {  	(pc) =	sbr.rel $0x88, $3  }
0x1: {  	(tag) =	ssettag $0x0;
	lr =	simm.s32 $0x1  }
0x2: {  	[smem:$0x3F95] =	sst lr;
	_ =	strace $0xD0000000  }
0x3: {  	_ = 	snop  }
0x4: {  	_ = 	snop  }
0x5: {  	_ = 	snop  }
0x6: {  	_ = 	snop  }
0x7: {  	_ = 	snop  }
__scs_overlays_trampoline_lowered:
0x8: {  	[smem:$0x3FA4] =	sst s0  }
0x9: {  	[smem:$0x3FA5] =	sst s1  }
0xa: {  	[smem:$0x3FA6] =	sst s2  }
0xb: {  	[smem:$0x3FA7] =	sst s3  }
0xc: {  	[smem:$0x3FA8] =	sst s4  }
0xd: {  	[smem:$0x3FA9] =	sst s5  }
0xe: {  	[smem:$0x3FAA] =	sst s6  }
0xf: {  	[smem:$0x3FAB] =	sst s7  }
0x10: {  	[smem:$0x3FAC] =	sst s8  }
0x11: {  	[smem:$0x3FAD] =	sst s9;
	s0 =	simm.s32 @!p0 $0x0  }
0x12: {  	s1 =	sld [smem:$0x3F93];
	s0 =	simm.s32 @p0 $0x1  }
0x13: {  	[smem:$0x3FAE] =	sst s0;
	s0 =	simm.s32 @!p1 $0x0  }
0x14: {  	s2 =	sld [smem:$0x3F92];
	s0 =	simm.s32 @p1 $0x1  }
0x15: {  	[smem:$0x3FAF] =	sst s0;
	s0 =	simm.s32 @!p2 $0x0  }
0x16: {  	s3 =	sld [smem:$0x3FDB];
	s0 =	simm.s32 @p2 $0x1  }
0x17: {  	s4 =	simm.s32 $0x1BF5;
	[smem:$0x3FB1] =	sst s0  }
0x18: {  	s0 =	sld [smem:$0x3F94];
	_ =	swait.ge [sflag:s4], $0x0  }
0x19: {  	s7 =	sld [smem:$0x3F95]  }
0x1a: {  	s8 =	sadd.s32 $0xFFFFE003, lr  }
0x1b: {  	s9 =	sadd.s32 $0xFFFFFEF7, lr;
	s5 =	simm.s32 $0xFFFFFFFF;
	p2 =	slt.u32 s8, $0xFFFFF086  }
0x1c: {  	p1 =	slt.u32 s9, $0xF7A;
	s5 =	simm.s32 @!p2 $0x0  }
0x1d: {  	s5 =	simm.s32 @p1 $0x1;
	p0 =	seq.s32 s7, s2  }
0x1e: {  	s7 =	smul.u32 @!p0 $0xF7A, s2;
	p2 =	seq.s32 @!p0 s5, $0x0  }
0x1f: {  	s9 =	smul.u32 $0xF7A, s1;
	s8 =	simm.s32 @!p0 $0x1BF5;
	p2 =	por !p2, p0  }
0x20: {  	[sflag:s8] =	ssyncset.s32 @!p0 $0xFFFFF086;
	s6 =	sadd.s32 @!p0 s3, s7;
	s7 =	simm.s32 @!p0 $0x108  }
0x21: {  	s3 =	sadd.s32 s3, s9;
	s6 =	sadd.s32 @!p0 $0x88, s6;
	s7 =	simm.s32 @p2 $0x1082  }
0x22: {  	[simem:s7], [sflag:s8] =	dma.local @!p0 [hbm:s6], $0xF7A  }
0x23: {  	s9 =	sor.u32 $0xD0000000, s2;
	s6 =	simm.s32 $0x108;
	_ =	swait.ge @!p0 [sflag:s8], $0x0  }
0x24: {  	s3 =	sadd.s32 $0x88, s3;
	s6 =	simm.s32 @!p1 $0x1082;
	[sflag:s4] =	ssyncset.s32 $0xFFFFF086  }
0x25: {  	[simem:s6], [sflag:s4] =	dma.local [hbm:s3], $0xF7A  }
0x26: {  	[smem:$0x3F95] =	sst s1;
	(tag) =	ssettag s2;
	_ =	strace s9  }
0x27: {  	s1 =	sld [smem:$0x3FA5]  }
0x28: {  	s2 =	sld [smem:$0x3FA6]  }
0x29: {  	s4 =	sld [smem:$0x3FA8]  }
0x2a: {  	p0 =	seq.s32 s5, $0x0;
	s5 =	sld [smem:$0x3FA9]  }
0x2b: {  	s6 =	sld [smem:$0x3FAA]  }
0x2c: {  	s7 =	sld [smem:$0x3FAB]  }
0x2d: {  	s3 =	simm.s32 $0x108;
	s8 =	sld [smem:$0x3FAC]  }
0x2e: {  	s3 =	simm.s32 @!p0 $0x1082;
	s9 =	sld [smem:$0x3FAD]  }
0x2f: {  	lr =	sadd.s32 s0, s3;
	s0 =	sld [smem:$0x3FA4]  }
0x30: {  	s3 =	sld [smem:$0x3FA7]  }
0x31: {  	[smem:$0x3FB0] =	sst s10  }
0x32: {  	s10 =	sld [smem:$0x3FAE];
	_ =	sdelay $0x3  }
0x33: {  	p0 =	seq.s32 s10, $0x1;
	s10 =	sld [smem:$0x3FB0];
	_ =	sdelay $0x3  }
0x34: {  	[smem:$0x3FB0] =	sst s10  }
0x35: {  	s10 =	sld [smem:$0x3FAF];
	_ =	sdelay $0x3  }
0x36: {  	p1 =	seq.s32 s10, $0x1;
	s10 =	sld [smem:$0x3FB0];
	_ =	sdelay $0x3  }
0x37: {  	[smem:$0x3FB0] =	sst s10  }
0x38: {  	s10 =	sld [smem:$0x3FB1]  }
0x39: {  	_ = 	snop;
	(pc) =	sbr.ind lr, $3  }
0x3a: {  	_ = 	snop  }
0x3b: {  	_ = 	snop  }
0x3c: {  	p2 =	seq.s32 s10, $0x1;
	s10 =	sld [smem:$0x3FB0]  }
0x3d: {  	_ =	shalt  }
0x3e: {  	_ =	shalt  }
0x3f: {  	_ =	shalt  }
0x40: {  	_ =	shalt  }
0x41: {  	_ =	shalt  }
0x42: {  	_ =	shalt  }
0x43: {  	_ =	shalt  }
0x44: {  	_ =	shalt  }
0x45: {  	_ =	shalt  }
0x46: {  	_ =	shalt  }
0x47: {  	_ =	shalt  }
0x48: {  	_ =	shalt  }
0x49: {  	_ =	shalt  }
0x4a: {  	_ =	shalt  }
0x4b: {  	_ =	shalt  }
0x4c: {  	_ =	shalt  }
0x4d: {  	_ =	shalt  }
0x4e: {  	_ =	shalt  }
0x4f: {  	_ =	shalt  }
0x50: {  	_ =	shalt  }
0x51: {  	_ =	shalt  }
0x52: {  	_ =	shalt  }
0x53: {  	_ =	shalt  }
0x54: {  	_ =	shalt  }
0x55: {  	_ =	shalt  }
0x56: {  	_ =	shalt  }
0x57: {  	_ =	shalt  }
0x58: {  	_ =	shalt  }
0x59: {  	_ =	shalt  }
0x5a: {  	_ =	shalt  }
0x5b: {  	_ =	shalt  }
0x5c: {  	_ =	shalt  }
0x5d: {  	_ =	shalt  }
0x5e: {  	_ =	shalt  }
0x5f: {  	_ =	shalt  }
0x60: {  	_ =	shalt  }
0x61: {  	_ =	shalt  }
0x62: {  	_ =	shalt  }
0x63: {  	_ =	shalt  }
0x64: {  	_ =	shalt  }
0x65: {  	_ =	shalt  }
0x66: {  	_ =	shalt  }
0x67: {  	_ =	shalt  }
0x68: {  	_ =	shalt  }
0x69: {  	_ =	shalt  }
0x6a: {  	_ =	shalt  }
0x6b: {  	_ =	shalt  }
0x6c: {  	_ =	shalt  }
0x6d: {  	_ =	shalt  }
0x6e: {  	_ =	shalt  }
0x6f: {  	_ =	shalt  }
0x70: {  	_ =	shalt  }
0x71: {  	_ =	shalt  }
0x72: {  	_ =	shalt  }
0x73: {  	_ =	shalt  }
0x74: {  	_ =	shalt  }
0x75: {  	_ =	shalt  }
0x76: {  	_ =	shalt  }
0x77: {  	_ =	shalt  }
0x78: {  	_ =	shalt  }
0x79: {  	_ =	shalt  }
0x7a: {  	_ =	shalt  }
0x7b: {  	_ =	shalt  }
0x7c: {  	_ =	shalt  }
0x7d: {  	_ =	shalt  }
0x7e: {  	_ =	shalt  }
0x7f: {  	_ =	shalt  }
0x80: {  	_ =	shalt  }
0x81: {  	_ =	shalt  }
0x82: {  	_ =	shalt  }
0x83: {  	_ =	shalt  }
0x84: {  	_ =	shalt  }
0x85: {  	_ =	shalt  }
0x86: {  	_ =	shalt  }
0x87: {  	_ =	shalt  }
.Lfunc_end0:
.L_simem_size_0:
called_computation_lowered:
.L_overlay_start_0:
0x88: {  	s2 =	sld [smem:$0x3FD9]  }
0x89: {  	s3 =	sld [smem:$0x3FFE];
	_ =	sdelay $0x1  }
0x8a: {  	s1 =	srdreg.scid  }
0x8b: {  	s0 =	sand.u32 $0x1, s1  }
0x8c: {  	s17 =	sshll.u32 s0, $0xA;
	s2 =	sadd.s32 s3, s2  }
0x8d: {  	s2 =	sadd.s32 s2, s17  }
0x8e: {  	[smem:$0x3FBC] =	sst s2  }
0x8f: {  	_ = 	snop  }
0x90: {  	s2 =	sld [smem:$0x3FD0];
	(tm) =	ssettm $0x1  }
0x91: {  	s18 =	sld [smem:$0x3FFB];
	_ =	sdelay $0x3  }
0x92: {  	_ =	strace s18  }
0x93: {  	s3 =	sld [smem:$0x3FFC];
	_ =	sdelay $0x3  }
0x94: {  	_ =	strace s3  }
0x95: {  	s3 =	sld [smem:$0x3FFD];
	_ =	sdelay $0x3  }
0x96: {  	_ =	strace s3  }
0x97: {  	_ =	strace $0x8FFFFFFF  }
0x98: {  	s19 =	sld [smem:$0x3FDB];
	_ =	sdelay $0x1  }
0x99: {  	s4 =	simm.s32 $_scs_section_size  }
0x9a: {  	s5 =	simm.s32 $_size__tile_overlayer_lowered;
	s6 =	simm.s32 $_tile_overlayer_lowered  }
0x9b: {  	s22 =	simm.s32 $0x1BFF;
	s21 =	sshll.u32 s6, $0x1;
	s3 =	sadd.s32 s4, s19  }
0x9c: {  	s7 =	simm.s32 $0x0;
	s20 =	sshll.u32 s5, $0x1;
	s5 =	sadd.s32 s21, s3  }
0x9d: {  	[timem:s7], [sflag:s22] =	dma.local [hbm:s5], s20  }
0x9e: {  	_ =	swait.ge [sflag:s22], s20  }
0x9f: {  	s4 =	ssub.s32 $0x0, s20;
	[sflag:s22] =	ssyncset.done $0x0  }
0xa0: {  	[sflag:s22] =	ssyncadd.s32 s4;
	_ =	sdelay $0x1  }
0xa1: {  	s23 =	simm.s32 $0x1B8B  }
0xa2: {  	_ =	swait.ge [sflag:s23], $0x1  }
0xa3: {  	[sflag:s23] =	ssyncset.done $0x0  }
0xa4: {  	s25 =	simm.s32 $0x1B8E;
	s24 =	sld [smem:$0x3FFE];
	[sflag:s23] =	ssyncadd.s32 $0xFFFFFFFF  }
0xa5: {  	s26 =	simm.s32 $execute0_lowered;
	[smem:$0x3FD2] =	sst s25  }
0xa6: {  	s5 =	sshll.u32 s26, $0x1;
	_ =	strace $0x80000046;
	[dreg:$0x1] =	wrdreg $0xFFFFFFFF  }
0xa7: {  	s28 =	simm.s32 $_size_execute0_lowered;
	s3 =	sadd.s32 s3, s5;
	[dreg:$0x0] =	wrdreg $0x0  }
0xa8: {  	s5 =	sshll.u32 s28, $0x1;
	[dreg:$0x2] =	wrdreg s3  }
0xa9: {  	[dreg:$0x3] =	wrdreg s5  }
0xaa: {  	[dreg:$0x4] =	wrdreg $0xC0  }
0xab: {  	_ =	task [dreg:s7], $0x5FFFF  }
0xac: {  	[dreg:$0x1] =	wrdreg $0xFFFFFFFF  }
0xad: {  	[dreg:$0x0] =	wrdreg $0x60  }
0xae: {  	[dreg:$0x2] =	wrdreg s24  }
0xaf: {  	[dreg:$0x3] =	wrdreg s2  }
0xb0: {  	[dreg:$0x4] =	wrdreg $0x90000  }
0xb1: {  	[dreg:$0x5] =	wrdreg $0x9  }
0xb2: {  	_ =	task.clear_ibuf [dreg:s7], $0x6FFFF;
	_ =	strace $0x90000046  }
0xb3: {  	s29 =	simm.s32 $0x9;
	_ =	strace $0x80000048  }
0xb4: {  	_ =	swait.ge [sflag:s29], $0x1  }
0xb5: {  	[sflag:s29] =	ssyncadd.s32 $0xFFFFFFFF  }
0xb6: {  	_ =	strace $0x90000048  }
0xb7: {  	_ =	sfence  }
0xb8: {  	s30 =	sld [smem:$0x0];
	_ =	sdelay $0x2  }
0xb9: {  	s31 =	sshll.u32 s1, $0xD;
	s1 =	sshrl.u32 s1, $0x2  }
0xba: {  	s3 =	sand.u32 $0x4000, s31;
	s1 =	sadd.s32 s1, s30  }
0xbb: {  	s0 =	sor.u32 s3, s0;
	s1 =	sshll.u32 s1, $0x11  }
0xbc: {  	s0 =	sor.u32 s1, s0  }
0xbd: {  	s0 =	sadd.s32 $0x8F2B, s0  }
0xbe: {  	[sflag:s0] =	ssyncadd.remote.s32 $0x1  }
0xbf: {  	_ =	sfence.sel $0xFFFF  }
0xc0: {  	[dreg:$0x0] =	wrdreg $0xFFFFFFFF;
	(pc) =	sbr.abs _section_cstart, $3  }
0xc1: {  	[dreg:$0x1] =	wrdreg $0xFFFFFFFF  }
0xc2: {  	_ =	task.clear_ibuf [dreg:s7], $0x2FFFF;
	_ =	strace $0x9FFFFFFF  }
0xc3: {  	(tm) =	ssettm $0x7FFFFFFF  }
tec
execute0_lowered:
.L_overlay_start_1:
0x0: {  	(tag) =	ssettag $0x1  }
0x1: {  	s4 =	rddreg [dreg:$0x0]  }
0x2: {  	s9 =	rddreg [dreg:$0x1]  }
0x3: {  	s1 =	rddreg [dreg:$0x2]  }
0x4: {  	s0 =	rddreg [dreg:$0x3]  }
0x5: {  	s2 =	simm.s32 $0x0;
	s14 =	stileid.u32;
	s6 =	srdreg.scid  }
0x6: {  	s13 =	simm.s32 $0x1;
	s18 =	simm.s32 $0x0;
	s5 =	smul.u32 $0xA00, s14  }
0x7: {  	[smem:$0x7FF] =	sst s2;
	s3 =	sadd.s32 $0xDE00, s4;
	s7 =	smul.u32 $0x27000, s14  }
0x8: {  	s6 =	sand.u32 $0x1, s6;
	s10 =	smul.u32 $0x138, s14;
	s17 =	sadd.s32 $0x1388, s14  }
0x9: {  	s15 =	sshll.u32 s14, $0x6;
	p0 =	sne.s32 s14, $0x0;
	s14 =	simm.s32 $0x80  }
0xa: {  	_ =	strace $0x80000047;
	s30 =	ssub.s32 $0x2, s6;
	s16 =	smul.u32 $0x1388, s6  }
0xb: {  	s31 =	smul.u32 $0x9C400, s6;
	s15 =	sor.u32 $0x1C01, s15;
	s8 =	sshrl.u32 s30, $0x1  }
0xc: {  	s5 =	sadd.s32 s5, s4;
	s7 =	sshrl.u32 s7, $0x2;
	s11 =	ssub.s32 s30, s8  }
0xd: {  	s4 =	sadd.s32 s7, s1;
	s5 =	sadd.s32 $0x3E00, s5;
	s10 =	sadd.s32 s10, s16  }
0xe: {  	s12 =	sshrl.u32 s31, $0x3;
	s8 =	sadd.s32 $0x9C000, s1;
	s6 =	sadd.s32 $0x4000, s4  }
0xf: {  	s7 =	sadd.s32 $0x8000, s4;
	s10 =	sshll.u32 s10, $0x4;
	s12 =	sadd.s32 s9, s12  }
0x10: {  	v0 =	vmov s17;
	v1 =	vmov s16;
	s11 =	smax.u32 s11, $0x1;
	s16 =	sshrl.u32 s4, $0x3;
	s17 =	sshrl.u32 @!p0 s8, $0x3  }
0x11: {  	s9 =	sadd.s32 s9, s10;
	s10 =	sadd.s32 $0x13800, s12;
	s12 =	simm.s32 $0x5000  }
.LBB2_1:
0x12: {  	[tilespmem:s12], [sflag:$0x1] =	stream.linear.gather [hbm4b:s3+s2], $0x4000, $0x38;
	[tilespmem:$0x12CC0] =	vst v63  }
0x13: {  	_ =	swait.ge [sflag:s13], $0x4000  }
0x14: {  	[sflag:s13] =	ssyncset.done $0x0  }
0x15: {  	[sflag:s13] =	ssyncadd.s32 $0xFFFFC000  }
0x16: {  	[tilespmem:s2], [sflag:$0x1] =	stream.linear.gather [hbm4b:s5+s2], $0x5000, $0x38;
	[tilespmem:$0x12CC0] =	vst v63  }
0x17: {  	s19 =	sand.u32 $0x1FE00, s2;
	_ =	swait.ge [sflag:s13], $0x5000  }
0x18: {  	s20 =	sand.u32 $0x70, s2;
	s19 =	sshrl.u32 s19, $0x2;
	[sflag:s13] =	ssyncset.done $0x0  }
0x19: {  	s19 =	sor.u32 s20, s19;
	[sflag:s13] =	ssyncadd.s32 $0xFFFFB000  }
0x1a: {  	v2 =	vld [tilespmem:s19+$0x0];
	_ =	sdelay $0x4  }
0x1b: {  	s31 =	simm.s32 $0x40;
	v2 =	vsub.s32 v2, v1  }
0x1c: {  	s21 =	simm.s32 $0x10;
	s22 =	sand.u32 $0x1FE00, s31;
	s20 =	simm.s32 $0x80;
	vm0 =	vlt.u32 v2, $0x1388  }
.LBB2_2:
0x1d: {  	p1 =	sne.s32 s20, $0x13FC0;
	s23 =	sand.u32 $0x70, s21;
	s22 =	sshrl.u32 s22, $0x2;
	v2 =	vsel vm0, v2, v0  }
0x1e: {  	[tilespmem:s19+$0x0] =	vst v2;
	s19 =	sor.u32 s23, s22  }
0x1f: {  	v2 =	vld [tilespmem:s19+$0x0];
	_ =	sdelay $0x1  }
.Ltmp0:
0x20: {  	(pc) =	sbr.rel @p1 .LBB2_2-.Ltmp0, $3  }
0x21: {  	_ =	sdelay $0x1  }
0x22: {  	v2 =	vsub.s32 v2, v1  }
0x23: {  	s21 =	sadd.s32 $0x10, s21;
	s22 =	sand.u32 $0x1FE00, s20;
	s20 =	sadd.s32 $0x40, s20;
	vm0 =	vlt.u32 v2, $0x1388  }
0x24: {  	s20 =	sand.u32 $0x70, s21;
	s30 =	sshrl.u32 s22, $0x2;
	v2 =	vsel vm0, v2, v0  }
0x25: {  	s20 =	sor.u32 s20, s30;
	[tilespmem:s19+$0x0] =	vst v2  }
0x26: {  	v2 =	vld [tilespmem:s20+$0x0];
	_ =	sdelay $0x4  }
0x27: {  	v2 =	vsub.s32 v2, v1  }
0x28: {  	vm15 =	vlt.u32 v2, $0x1388  }
0x29: {  	v2 =	vsel vm15, v2, v0  }
0x2a: {  	[tilespmem:s20+$0x0] =	vst v2  }
0x2b: {  	[spmem:s4] =	stream.linear.scatter [tilespmem:s12], [sflag:$0x1], $0x4000, $0x38;
	[tilespmem:$0x12CC0] =	vst v63  }
0x2c: {  	_ =	swait.ge [sflag:s13], $0x4000  }
0x2d: {  	[sflag:s13] =	ssyncset.done $0x0  }
0x2e: {  	[sflag:s13] =	ssyncadd.s32 $0xFFFFC000  }
0x2f: {  	[spmem:s6] =	stream.linear.scatter [tilespmem:s12], [sflag:$0x1], $0x4000, $0x38;
	[tilespmem:$0x12CC0] =	vst v63  }
0x30: {  	_ =	swait.ge [sflag:s13], $0x4000  }
0x31: {  	[sflag:s13] =	ssyncset.done $0x0  }
0x32: {  	[sflag:s13] =	ssyncadd.s32 $0xFFFFC000  }
0x33: {  	[spmem:s7] =	stream.linear.scatter [tilespmem:s12], [sflag:$0x1], $0x1C00, $0x38;
	[tilespmem:$0x12CC0] =	vst v63  }
0x34: {  	_ =	swait.ge [sflag:s13], $0x1C00  }
0x35: {  	[sflag:s13] =	ssyncset.done $0x0  }
0x36: {  	s19 =	simm.s32 @!p0 $0x5000;
	[sflag:s13] =	ssyncadd.s32 $0xFFFFE400  }
0x37: {  	[spmem:s8] =	stream.linear.scatter @!p0 [tilespmem:s19], [sflag:$0x1], $0x400, $0x38;
	[tilespmem:$0x12CC0] =	vst v63  }
0x38: {  	s19 =	simm.s32 @!p0 $0x1  }
0x39: {  	_ =	swait.ge @!p0 [sflag:s19], $0x400  }
0x3a: {  	[sflag:s19] =	ssyncset.done @!p0 $0x0  }
0x3b: {  	[sflag:s19] =	ssyncadd.s32 @!p0 $0xFFFFFC00  }
0x3c: {  	s31 =	simm.s32 $0x0;
	[bflag:$0x0] =	sbarrier.arrive $0xFFFF  }
0x3d: {  	[spmem:s1] =	stream.indirect.scatter.add.f32 [tilespmem:s12], [sflag:$0x1], $0x80, s31, s14, $0xb8;
	[tilespmem:$0x12CC0] =	vst v63  }
0x3e: {  	_ =	swait.ge [sflag:s13], $0x4000  }
0x3f: {  	s19 =	simm.s32 $0x200;
	[sflag:s13] =	ssyncset.done $0x0  }
.LBB2_4:
0x40: {  	s20 =	sshra.s32 s19, $0x2;
	[sflag:s13] =	ssyncadd.s32 $0xFFFFC000;
	p1 =	sne.s32 s19, $0x13E00  }
0x41: {  	[spmem:s1] =	stream.indirect.scatter.add.f32 [tilespmem:s12], [sflag:$0x1], $0x80, s20, s14, $0xb8;
	[tilespmem:$0x12CC0] =	vst v63  }
.Ltmp1:
0x42: {  	_ = 	snop;
	(pc) =	sbr.rel @p1 .LBB2_4-.Ltmp1, $4  }
0x43: {  	_ = 	snop  }
0x44: {  	s19 =	sadd.s32 $0x200, s19  }
0x45: {  	_ =	swait.ge [sflag:s13], $0x4000  }
0x46: {  	[sflag:s13] =	ssyncset.done $0x0  }
0x47: {  	[sflag:s13] =	ssyncadd.s32 $0xFFFFC000  }
0x48: {  	[bflag:$0x0] =	sbarrier.arrive $0xFFFF  }
0x49: {  	[hbm:s9], [sflag:s15] =	dma.local [spmem:s16], $0x1380  }
0x4a: {  	s18 =	sadd.s32 $0x1, s18;
	_ =	swait.ge [sflag:s13], $0x1380  }
0x4b: {  	p1 =	sne.s32 s18, s11;
	[sflag:s13] =	ssyncset.done $0x0  }
.Ltmp2:
0x4c: {  	s19 =	simm.s32 @!p0 $0x1;
	[sflag:s13] =	ssyncadd.s32 $0xFFFFEC80;
	(pc) =	sbr.rel @p1 .LBB2_1-.Ltmp2, $4  }
0x4d: {  	[hbm:s10], [sflag:s15] =	dma.local @!p0 [spmem:s17], $0x80  }
0x4e: {  	_ =	swait.ge @!p0 [sflag:s19], $0x80  }
0x4f: {  	[sflag:s19] =	ssyncset.done @!p0 $0x0  }
0x50: {  	[sflag:s19] =	ssyncadd.s32 @!p0 $0xFFFFFF80  }
0x51: {  	_ =	sfence.sel $0x180000  }
0x52: {  	[bflag:$0x0] =	sbarrier.arrive $0xFFFF  }
0x53: {  	_ =	strace $0x90000047  }
0x54: {  	s0 =	sadd.s32 @!p0 $0x100000, s0;
	[bflag:$0x2] =	sbarrier.arrive $0xFFFF  }
0x55: {  	[sflag:s0] =	ssyncadd.tile.s32 @!p0 $0x1;
	_ =	shalt  }
.Lfunc_end2:
_tile_overlayer_lowered:
.L_overlay_start_2:
0x56: {  	(tag) =	ssettag $0x2  }
0x57: {  	s0 =	rddreg [dreg:$0x0];
	s2 =	stileid.u32  }
0x58: {  	s1 =	rddreg [dreg:$0x1];
	p0 =	sne.s32 s2, $0x0  }
0x59: {  	s3 =	rddreg [dreg:$0x2];
	[bflag:$0x3] =	sbarrier.arrive $0xFFFF;
	s2 =	simm.s32 @!p0 $0x1C01  }
0x5a: {  	[timem:s3], [sflag:s2] =	dma.local @!p0 [hbm:s0], s1  }
0x5b: {  	s0 =	simm.s32 @!p0 $0x1  }
0x5c: {  	_ =	swait.ge @!p0 [sflag:s0], s1  }
0x5d: {  	s1 =	ssub.s32 @!p0 $0x0, s1;
	[sflag:s0] =	ssyncset.done @!p0 $0x0  }
0x5e: {  	[sflag:s0] =	ssyncadd.s32 @!p0 s1  }
0x5f: {  	[bflag:$0x3] =	sbarrier.arrive $0xFFFF  }
0x60: {  	_ =	shalt  }

// kernel: kernel.14.cloned.1.call-start
scs
__scs_entry_jumppad:
0x0: {  	(pc) =	sbr.rel $0x88, $3  }
0x1: {  	(tag) =	ssettag $0x0;
	lr =	simm.s32 $0x1  }
0x2: {  	[smem:$0x3F95] =	sst lr;
	_ =	strace $0xD0000000  }
0x3: {  	_ = 	snop  }
0x4: {  	_ = 	snop  }
0x5: {  	_ = 	snop  }
0x6: {  	_ = 	snop  }
0x7: {  	_ = 	snop  }
__scs_overlays_trampoline_lowered:
0x8: {  	[smem:$0x3FA4] =	sst s0  }
0x9: {  	[smem:$0x3FA5] =	sst s1  }
0xa: {  	[smem:$0x3FA6] =	sst s2  }
0xb: {  	[smem:$0x3FA7] =	sst s3  }
0xc: {  	[smem:$0x3FA8] =	sst s4  }
0xd: {  	[smem:$0x3FA9] =	sst s5  }
0xe: {  	[smem:$0x3FAA] =	sst s6  }
0xf: {  	[smem:$0x3FAB] =	sst s7  }
0x10: {  	[smem:$0x3FAC] =	sst s8  }
0x11: {  	[smem:$0x3FAD] =	sst s9;
	s0 =	simm.s32 @!p0 $0x0  }
0x12: {  	s1 =	sld [smem:$0x3F93];
	s0 =	simm.s32 @p0 $0x1  }
0x13: {  	[smem:$0x3FAE] =	sst s0;
	s0 =	simm.s32 @!p1 $0x0  }
0x14: {  	s2 =	sld [smem:$0x3F92];
	s0 =	simm.s32 @p1 $0x1  }
0x15: {  	[smem:$0x3FAF] =	sst s0;
	s0 =	simm.s32 @!p2 $0x0  }
0x16: {  	s3 =	sld [smem:$0x3FDB];
	s0 =	simm.s32 @p2 $0x1  }
0x17: {  	s4 =	simm.s32 $0x1BF5;
	[smem:$0x3FB1] =	sst s0  }
0x18: {  	s0 =	sld [smem:$0x3F94];
	_ =	swait.ge [sflag:s4], $0x0  }
0x19: {  	s7 =	sld [smem:$0x3F95]  }
0x1a: {  	s8 =	sadd.s32 $0xFFFFE003, lr  }
0x1b: {  	s9 =	sadd.s32 $0xFFFFFEF7, lr;
	s5 =	simm.s32 $0xFFFFFFFF;
	p2 =	slt.u32 s8, $0xFFFFF086  }
0x1c: {  	p1 =	slt.u32 s9, $0xF7A;
	s5 =	simm.s32 @!p2 $0x0  }
0x1d: {  	s5 =	simm.s32 @p1 $0x1;
	p0 =	seq.s32 s7, s2  }
0x1e: {  	s7 =	smul.u32 @!p0 $0xF7A, s2;
	p2 =	seq.s32 @!p0 s5, $0x0  }
0x1f: {  	s9 =	smul.u32 $0xF7A, s1;
	s8 =	simm.s32 @!p0 $0x1BF5;
	p2 =	por !p2, p0  }
0x20: {  	[sflag:s8] =	ssyncset.s32 @!p0 $0xFFFFF086;
	s6 =	sadd.s32 @!p0 s3, s7;
	s7 =	simm.s32 @!p0 $0x108  }
0x21: {  	s3 =	sadd.s32 s3, s9;
	s6 =	sadd.s32 @!p0 $0x88, s6;
	s7 =	simm.s32 @p2 $0x1082  }
0x22: {  	[simem:s7], [sflag:s8] =	dma.local @!p0 [hbm:s6], $0xF7A  }
0x23: {  	s9 =	sor.u32 $0xD0000000, s2;
	s6 =	simm.s32 $0x108;
	_ =	swait.ge @!p0 [sflag:s8], $0x0  }
0x24: {  	s3 =	sadd.s32 $0x88, s3;
	s6 =	simm.s32 @!p1 $0x1082;
	[sflag:s4] =	ssyncset.s32 $0xFFFFF086  }
0x25: {  	[simem:s6], [sflag:s4] =	dma.local [hbm:s3], $0xF7A  }
0x26: {  	[smem:$0x3F95] =	sst s1;
	(tag) =	ssettag s2;
	_ =	strace s9  }
0x27: {  	s1 =	sld [smem:$0x3FA5]  }
0x28: {  	s2 =	sld [smem:$0x3FA6]  }
0x29: {  	s4 =	sld [smem:$0x3FA8]  }
0x2a: {  	p0 =	seq.s32 s5, $0x0;
	s5 =	sld [smem:$0x3FA9]  }
0x2b: {  	s6 =	sld [smem:$0x3FAA]  }
0x2c: {  	s7 =	sld [smem:$0x3FAB]  }
0x2d: {  	s3 =	simm.s32 $0x108;
	s8 =	sld [smem:$0x3FAC]  }
0x2e: {  	s3 =	simm.s32 @!p0 $0x1082;
	s9 =	sld [smem:$0x3FAD]  }
0x2f: {  	lr =	sadd.s32 s0, s3;
	s0 =	sld [smem:$0x3FA4]  }
0x30: {  	s3 =	sld [smem:$0x3FA7]  }
0x31: {  	[smem:$0x3FB0] =	sst s10  }
0x32: {  	s10 =	sld [smem:$0x3FAE];
	_ =	sdelay $0x3  }
0x33: {  	p0 =	seq.s32 s10, $0x1;
	s10 =	sld [smem:$0x3FB0];
	_ =	sdelay $0x3  }
0x34: {  	[smem:$0x3FB0] =	sst s10  }
0x35: {  	s10 =	sld [smem:$0x3FAF];
	_ =	sdelay $0x3  }
0x36: {  	p1 =	seq.s32 s10, $0x1;
	s10 =	sld [smem:$0x3FB0];
	_ =	sdelay $0x3  }
0x37: {  	[smem:$0x3FB0] =	sst s10  }
0x38: {  	s10 =	sld [smem:$0x3FB1]  }
0x39: {  	_ = 	snop;
	(pc) =	sbr.ind lr, $3  }
0x3a: {  	_ = 	snop  }
0x3b: {  	_ = 	snop  }
0x3c: {  	p2 =	seq.s32 s10, $0x1;
	s10 =	sld [smem:$0x3FB0]  }
0x3d: {  	_ =	shalt  }
0x3e: {  	_ =	shalt  }
0x3f: {  	_ =	shalt  }
0x40: {  	_ =	shalt  }
0x41: {  	_ =	shalt  }
0x42: {  	_ =	shalt  }
0x43: {  	_ =	shalt  }
0x44: {  	_ =	shalt  }
0x45: {  	_ =	shalt  }
0x46: {  	_ =	shalt  }
0x47: {  	_ =	shalt  }
0x48: {  	_ =	shalt  }
0x49: {  	_ =	shalt  }
0x4a: {  	_ =	shalt  }
0x4b: {  	_ =	shalt  }
0x4c: {  	_ =	shalt  }
0x4d: {  	_ =	shalt  }
0x4e: {  	_ =	shalt  }
0x4f: {  	_ =	shalt  }
0x50: {  	_ =	shalt  }
0x51: {  	_ =	shalt  }
0x52: {  	_ =	shalt  }
0x53: {  	_ =	shalt  }
0x54: {  	_ =	shalt  }
0x55: {  	_ =	shalt  }
0x56: {  	_ =	shalt  }
0x57: {  	_ =	shalt  }
0x58: {  	_ =	shalt  }
0x59: {  	_ =	shalt  }
0x5a: {  	_ =	shalt  }
0x5b: {  	_ =	shalt  }
0x5c: {  	_ =	shalt  }
0x5d: {  	_ =	shalt  }
0x5e: {  	_ =	shalt  }
0x5f: {  	_ =	shalt  }
0x60: {  	_ =	shalt  }
0x61: {  	_ =	shalt  }
0x62: {  	_ =	shalt  }
0x63: {  	_ =	shalt  }
0x64: {  	_ =	shalt  }
0x65: {  	_ =	shalt  }
0x66: {  	_ =	shalt  }
0x67: {  	_ =	shalt  }
0x68: {  	_ =	shalt  }
0x69: {  	_ =	shalt  }
0x6a: {  	_ =	shalt  }
0x6b: {  	_ =	shalt  }
0x6c: {  	_ =	shalt  }
0x6d: {  	_ =	shalt  }
0x6e: {  	_ =	shalt  }
0x6f: {  	_ =	shalt  }
0x70: {  	_ =	shalt  }
0x71: {  	_ =	shalt  }
0x72: {  	_ =	shalt  }
0x73: {  	_ =	shalt  }
0x74: {  	_ =	shalt  }
0x75: {  	_ =	shalt  }
0x76: {  	_ =	shalt  }
0x77: {  	_ =	shalt  }
0x78: {  	_ =	shalt  }
0x79: {  	_ =	shalt  }
0x7a: {  	_ =	shalt  }
0x7b: {  	_ =	shalt  }
0x7c: {  	_ =	shalt  }
0x7d: {  	_ =	shalt  }
0x7e: {  	_ =	shalt  }
0x7f: {  	_ =	shalt  }
0x80: {  	_ =	shalt  }
0x81: {  	_ =	shalt  }
0x82: {  	_ =	shalt  }
0x83: {  	_ =	shalt  }
0x84: {  	_ =	shalt  }
0x85: {  	_ =	shalt  }
0x86: {  	_ =	shalt  }
0x87: {  	_ =	shalt  }
.Lfunc_end0:
.L_simem_size_0:
called_computation.1_lowered:
.L_overlay_start_0:
0x88: {  	s2 =	sld [smem:$0x3FD9]  }
0x89: {  	s3 =	sld [smem:$0x3FFE];
	_ =	sdelay $0x1  }
0x8a: {  	s1 =	srdreg.scid  }
0x8b: {  	s0 =	sand.u32 $0x1, s1  }
0x8c: {  	s17 =	sshll.u32 s0, $0xA;
	s2 =	sadd.s32 s3, s2  }
0x8d: {  	s2 =	sadd.s32 s2, s17  }
0x8e: {  	[smem:$0x3FBC] =	sst s2  }
0x8f: {  	_ = 	snop  }
0x90: {  	s2 =	sld [smem:$0x3FD0];
	(tm) =	ssettm $0x1  }
0x91: {  	s18 =	sld [smem:$0x3FFB];
	_ =	sdelay $0x3  }
0x92: {  	_ =	strace s18  }
0x93: {  	s3 =	sld [smem:$0x3FFC];
	_ =	sdelay $0x3  }
0x94: {  	_ =	strace s3  }
0x95: {  	s3 =	sld [smem:$0x3FFD];
	_ =	sdelay $0x3  }
0x96: {  	_ =	strace s3  }
0x97: {  	_ =	strace $0x8FFFFFFF  }
0x98: {  	s19 =	sld [smem:$0x3FDB];
	_ =	sdelay $0x1  }
0x99: {  	s4 =	simm.s32 $_scs_section_size  }
0x9a: {  	s5 =	simm.s32 $_size__tile_overlayer_lowered;
	s6 =	simm.s32 $_tile_overlayer_lowered  }
0x9b: {  	s22 =	simm.s32 $0x1BFF;
	s21 =	sshll.u32 s6, $0x1;
	s3 =	sadd.s32 s4, s19  }
0x9c: {  	s7 =	simm.s32 $0x0;
	s20 =	sshll.u32 s5, $0x1;
	s5 =	sadd.s32 s21, s3  }
0x9d: {  	[timem:s7], [sflag:s22] =	dma.local [hbm:s5], s20  }
0x9e: {  	_ =	swait.ge [sflag:s22], s20  }
0x9f: {  	s4 =	ssub.s32 $0x0, s20;
	[sflag:s22] =	ssyncset.done $0x0  }
0xa0: {  	[sflag:s22] =	ssyncadd.s32 s4;
	_ =	sdelay $0x1  }
0xa1: {  	s23 =	simm.s32 $0x1B8B  }
0xa2: {  	_ =	swait.ge [sflag:s23], $0x1  }
0xa3: {  	[sflag:s23] =	ssyncset.done $0x0  }
0xa4: {  	s25 =	simm.s32 $0x1B8E;
	s24 =	sld [smem:$0x3FFE];
	[sflag:s23] =	ssyncadd.s32 $0xFFFFFFFF  }
0xa5: {  	s26 =	simm.s32 $execute0_lowered;
	[smem:$0x3FD2] =	sst s25  }
0xa6: {  	s5 =	sshll.u32 s26, $0x1;
	_ =	strace $0x80000049;
	[dreg:$0x1] =	wrdreg $0xFFFFFFFF  }
0xa7: {  	s28 =	simm.s32 $_size_execute0_lowered;
	s3 =	sadd.s32 s3, s5;
	[dreg:$0x0] =	wrdreg $0x0  }
0xa8: {  	s5 =	sshll.u32 s28, $0x1;
	[dreg:$0x2] =	wrdreg s3  }
0xa9: {  	[dreg:$0x3] =	wrdreg s5  }
0xaa: {  	[dreg:$0x4] =	wrdreg $0xC0  }
0xab: {  	_ =	task [dreg:s7], $0x5FFFF  }
0xac: {  	[dreg:$0x1] =	wrdreg $0xFFFFFFFF  }
0xad: {  	[dreg:$0x0] =	wrdreg $0x60  }
0xae: {  	[dreg:$0x2] =	wrdreg s2  }
0xaf: {  	[dreg:$0x3] =	wrdreg s24  }
0xb0: {  	[dreg:$0x4] =	wrdreg $0x120000  }
0xb1: {  	[dreg:$0x5] =	wrdreg $0x9  }
0xb2: {  	_ =	task.clear_ibuf [dreg:s7], $0x6FFFF;
	_ =	strace $0x90000049  }
0xb3: {  	s29 =	simm.s32 $0x9;
	_ =	strace $0x8000004B  }
0xb4: {  	_ =	swait.ge [sflag:s29], $0x1  }
0xb5: {  	[sflag:s29] =	ssyncadd.s32 $0xFFFFFFFF  }
0xb6: {  	_ =	strace $0x9000004B  }
0xb7: {  	_ =	sfence  }
0xb8: {  	s30 =	sld [smem:$0x0];
	_ =	sdelay $0x2  }
0xb9: {  	s31 =	sshll.u32 s1, $0xD;
	s1 =	sshrl.u32 s1, $0x2  }
0xba: {  	s3 =	sand.u32 $0x4000, s31;
	s1 =	sadd.s32 s1, s30  }
0xbb: {  	s0 =	sor.u32 s3, s0;
	s1 =	sshll.u32 s1, $0x11  }
0xbc: {  	s0 =	sor.u32 s1, s0  }
0xbd: {  	s0 =	sadd.s32 $0x8F2B, s0  }
0xbe: {  	[sflag:s0] =	ssyncadd.remote.s32 $0x1  }
0xbf: {  	_ =	sfence.sel $0xFFFF  }
0xc0: {  	[dreg:$0x0] =	wrdreg $0xFFFFFFFF;
	(pc) =	sbr.abs _section_cstart, $3  }
0xc1: {  	[dreg:$0x1] =	wrdreg $0xFFFFFFFF  }
0xc2: {  	_ =	task.clear_ibuf [dreg:s7], $0x2FFFF;
	_ =	strace $0x9FFFFFFF  }
0xc3: {  	(tm) =	ssettm $0x7FFFFFFF  }
tec
execute0_lowered:
.L_overlay_start_1:
0x0: {  	(tag) =	ssettag $0x1  }
0x1: {  	s1 =	rddreg [dreg:$0x0]  }
0x2: {  	s4 =	rddreg [dreg:$0x1]  }
0x3: {  	s2 =	rddreg [dreg:$0x2]  }
0x4: {  	s0 =	rddreg [dreg:$0x3];
	s13 =	stileid.u32  }
0x5: {  	s5 =	srdreg.scid;
	s3 =	simm.s32 $0x0;
	s17 =	simm.s32 $0xA000  }
0x6: {  	s18 =	simm.s32 $0xE000;
	s19 =	simm.s32 $0x1;
	s6 =	smul.u32 $0xA00, s13  }
0x7: {  	s20 =	simm.s32 $0x2;
	s23 =	simm.s32 $0x0;
	s8 =	smul.u32 $0x27000, s13  }
0x8: {  	s5 =	sand.u32 $0x1, s5;
	[smem:$0x7FF] =	sst s3;
	s10 =	smul.u32 $0x138, s13  }
0x9: {  	s11 =	sadd.s32 $0x18600, s4;
	s22 =	sadd.s32 $0x1388, s13;
	s15 =	sadd.s32 $0x9C000, s2  }
0xa: {  	s16 =	sshll.u32 s13, $0x6;
	p0 =	sne.s32 s13, $0x0;
	s21 =	smul.u32 $0x1388, s5  }
0xb: {  	_ =	strace $0x8000004A;
	s7 =	ssub.s32 $0x2, s5;
	s28 =	smul.u32 $0x9C400, s5  }
0xc: {  	s13 =	sor.u32 $0x1C03, s16;
	s15 =	sshrl.u32 @!p0 s15, $0x3;
	s16 =	simm.s32 $0x80  }
0xd: {  	v0 =	vmov s22;
	s22 =	simm.s32 $0x9F80;
	s6 =	sadd.s32 s6, s4;
	s9 =	sshrl.u32 s7, $0x1  }
0xe: {  	s29 =	sshrl.u32 s8, $0x2;
	s12 =	ssub.s32 s7, s9;
	s4 =	sadd.s32 $0xE600, s6  }
0xf: {  	s5 =	sadd.s32 $0x3E00, s6;
	s30 =	sadd.s32 s10, s21;
	s7 =	sshrl.u32 s28, $0x3  }
0x10: {  	s14 =	sadd.s32 s29, s2;
	v1 =	vmov s21;
	s21 =	simm.s32 $0x9F00;
	s8 =	sshll.u32 s30, $0x4  }
0x11: {  	s31 =	sadd.s32 $0x13800, s7;
	s10 =	smax.u32 s12, $0x1;
	s12 =	simm.s32 $0x5000  }
0x12: {  	s14 =	sshrl.u32 s14, $0x3;
	s6 =	sadd.s32 s1, s8;
	s7 =	sadd.s32 s1, s31  }
0x13: {  	s8 =	sadd.s32 s11, s8;
	s9 =	sadd.s32 s11, s31;
	s11 =	simm.s32 $0x3  }
.LBB2_1:
0x14: {  	[tilespmem:s3], [sflag:$0x3] =	stream.linear.gather [hbm4b:s4+s3], $0x5000, $0x38;
	[tilespmem:$0x1BCC0] =	vst v63  }
0x15: {  	_ =	swait.ge [sflag:s11], $0x5000  }
0x16: {  	[sflag:s11] =	ssyncset.done $0x0  }
0x17: {  	[sflag:s11] =	ssyncadd.s32 $0xFFFFB000  }
0x18: {  	[tilespmem:s12], [sflag:$0x3] =	stream.linear.gather [hbm4b:s5+s3], $0x5000, $0x38;
	[tilespmem:$0x1BCC0] =	vst v63  }
0x19: {  	s24 =	sand.u32 $0x1FE00, s3;
	_ =	swait.ge [sflag:s11], $0x5000  }
0x1a: {  	s25 =	sand.u32 $0x70, s3;
	s24 =	sshrl.u32 s24, $0x2;
	[sflag:s11] =	ssyncset.done $0x0  }
0x1b: {  	s24 =	sor.u32 s25, s24;
	[sflag:s11] =	ssyncadd.s32 $0xFFFFB000  }
0x1c: {  	v2 =	vld [tilespmem:s24+$0x5000];
	_ =	sdelay $0x4  }
0x1d: {  	s31 =	simm.s32 $0x40;
	v2 =	vsub.s32 v2, v1  }
0x1e: {  	s26 =	simm.s32 $0x10;
	s28 =	sand.u32 $0x1FE00, s31;
	s25 =	simm.s32 $0x80;
	vm0 =	vlt.u32 v2, $0x1388  }
.LBB2_2:
0x1f: {  	p1 =	sne.s32 s25, $0x13FC0;
	s29 =	sand.u32 $0x70, s26;
	s28 =	sshrl.u32 s28, $0x2;
	v2 =	vsel vm0, v2, v0  }
0x20: {  	[tilespmem:s24+$0x5000] =	vst v2;
	s24 =	sor.u32 s29, s28  }
0x21: {  	v2 =	vld [tilespmem:s24+$0x5000];
	_ =	sdelay $0x1  }
.Ltmp0:
0x22: {  	(pc) =	sbr.rel @p1 .LBB2_2-.Ltmp0, $3  }
0x23: {  	_ =	sdelay $0x1  }
0x24: {  	v2 =	vsub.s32 v2, v1  }
0x25: {  	s26 =	sadd.s32 $0x10, s26;
	s28 =	sand.u32 $0x1FE00, s25;
	s25 =	sadd.s32 $0x40, s25;
	vm0 =	vlt.u32 v2, $0x1388  }
0x26: {  	s25 =	sand.u32 $0x70, s26;
	s31 =	sshrl.u32 s28, $0x2;
	v2 =	vsel vm0, v2, v0  }
0x27: {  	s25 =	sor.u32 s25, s31;
	[tilespmem:s24+$0x5000] =	vst v2  }
0x28: {  	v2 =	vld [tilespmem:s25+$0x5000];
	_ =	sdelay $0x4  }
0x29: {  	v2 =	vsub.s32 v2, v1  }
0x2a: {  	vm15 =	vlt.u32 v2, $0x1388  }
0x2b: {  	v2 =	vsel vm15, v2, v0  }
0x2c: {  	[tilespmem:s25+$0x5000] =	vst v2  }
0x2d: {  	[spmem:s14], [sflag:s13] =	dma.local [hbm:s6], $0x1380  }
0x2e: {  	_ =	swait.ge [sflag:s11], $0x1380  }
0x2f: {  	[sflag:s11] =	ssyncset.done $0x0  }
0x30: {  	s24 =	simm.s32 @!p0 $0x3;
	[sflag:s11] =	ssyncadd.s32 $0xFFFFEC80  }
0x31: {  	[spmem:s15], [sflag:s13] =	dma.local @!p0 [hbm:s7], $0x80  }
0x32: {  	_ =	swait.ge @!p0 [sflag:s24], $0x80  }
0x33: {  	[sflag:s24] =	ssyncset.done @!p0 $0x0  }
0x34: {  	[sflag:s24] =	ssyncadd.s32 @!p0 $0xFFFFFF80  }
0x35: {  	s28 =	simm.s32 $0x0;
	[bflag:$0x0] =	sbarrier.arrive $0xFFFF  }
0x36: {  	[tilespmem:s17], [sflag:$0x1] =	stream.indirect.gather [hbm4b:s1+s16], $0x80, s28, s16, $0xb8;
	[tilespmem:$0x1BCC0] =	vst v63  }
0x37: {  	_ = 	snop  }
0x38: {  	[tilespmem:s18], [sflag:$0x2] =	stream.indirect.gather [hbm4b:s1+s16], $0x80, s16, s16, $0xb8;
	[tilespmem:$0x1BCC0] =	vst v63  }
0x39: {  	_ =	swait.ge [sflag:s19], $0x4000  }
0x3a: {  	[sflag:s19] =	ssyncset.done $0x0  }
0x3b: {  	s29 =	simm.s32 $0x5000;
	[sflag:s19] =	ssyncadd.s32 $0xFFFFC000  }
0x3c: {  	[spmem:s2] =	stream.indirect.scatter.add.f32 [tilespmem:s17], [sflag:$0x3], $0x80, s29, s16, $0xb8;
	[tilespmem:$0x1BCC0] =	vst v63  }
0x3d: {  	_ =	swait.ge [sflag:s11], $0x4000  }
0x3e: {  	[sflag:s11] =	ssyncset.done $0x0  }
0x3f: {  	s30 =	simm.s32 $0x100;
	[sflag:s11] =	ssyncadd.s32 $0xFFFFC000  }
0x40: {  	[tilespmem:s17], [sflag:$0x1] =	stream.indirect.gather [hbm4b:s1+s16], $0x80, s30, s16, $0xb8;
	[tilespmem:$0x1BCC0] =	vst v63  }
0x41: {  	_ =	swait.ge [sflag:s20], $0x4000  }
0x42: {  	[sflag:s20] =	ssyncset.done $0x0  }
0x43: {  	s31 =	simm.s32 $0x5080;
	[sflag:s20] =	ssyncadd.s32 $0xFFFFC000  }
0x44: {  	[spmem:s2] =	stream.indirect.scatter.add.f32 [tilespmem:s18], [sflag:$0x3], $0x80, s31, s16, $0xb8;
	[tilespmem:$0x1BCC0] =	vst v63  }
0x45: {  	_ =	swait.ge [sflag:s11], $0x4000  }
0x46: {  	[sflag:s11] =	ssyncset.done $0x0  }
0x47: {  	s25 =	simm.s32 $0x180;
	s24 =	simm.s32 $0x400;
	[sflag:s11] =	ssyncadd.s32 $0xFFFFC000  }
.LBB2_4:
0x48: {  	[tilespmem:s18], [sflag:$0x2] =	stream.indirect.gather [hbm4b:s1+s16], $0x80, s25, s16, $0xb8;
	[tilespmem:$0x1BCC0] =	vst v63  }
0x49: {  	s25 =	smov.u32 s24  }
0x4a: {  	p1 =	sne.s32 s24, $0x13800;
	s24 =	sadd.s32 $0x400, s24;
	_ =	swait.ge [sflag:s19], $0x4000  }
0x4b: {  	s25 =	sshra.s32 s25, $0x2;
	[sflag:s19] =	ssyncset.done $0x0  }
0x4c: {  	s26 =	sadd.s32 $0x5000, s25;
	[sflag:s19] =	ssyncadd.s32 $0xFFFFC000  }
0x4d: {  	[spmem:s2] =	stream.indirect.scatter.add.f32 [tilespmem:s17], [sflag:$0x3], $0x80, s26, s16, $0xb8;
	[tilespmem:$0x1BCC0] =	vst v63  }
0x4e: {  	_ =	swait.ge [sflag:s11], $0x4000  }
0x4f: {  	[sflag:s11] =	ssyncset.done $0x0  }
0x50: {  	s26 =	sadd.s32 $0x100, s25;
	[sflag:s11] =	ssyncadd.s32 $0xFFFFC000  }
0x51: {  	[tilespmem:s17], [sflag:$0x1] =	stream.indirect.gather [hbm4b:s1+s16], $0x80, s26, s16, $0xb8;
	[tilespmem:$0x1BCC0] =	vst v63  }
0x52: {  	_ =	swait.ge [sflag:s20], $0x4000  }
0x53: {  	[sflag:s20] =	ssyncset.done $0x0  }
.Ltmp1:
0x54: {  	s26 =	sadd.s32 $0x5080, s25;
	[sflag:s20] =	ssyncadd.s32 $0xFFFFC000;
	(pc) =	sbr.rel @p1 .LBB2_4-.Ltmp1, $4  }
0x55: {  	[spmem:s2] =	stream.indirect.scatter.add.f32 [tilespmem:s18], [sflag:$0x3], $0x80, s26, s16, $0xb8;
	[tilespmem:$0x1BCC0] =	vst v63  }
0x56: {  	_ =	swait.ge [sflag:s11], $0x4000  }
0x57: {  	[sflag:s11] =	ssyncset.done $0x0  }
0x58: {  	s25 =	sadd.s32 $0x180, s25;
	[sflag:s11] =	ssyncadd.s32 $0xFFFFC000  }
0x59: {  	[tilespmem:s18], [sflag:$0x2] =	stream.indirect.gather [hbm4b:s1+s16], $0x80, s25, s16, $0xb8;
	[tilespmem:$0x1BCC0] =	vst v63  }
0x5a: {  	_ =	swait.ge [sflag:s19], $0x4000  }
0x5b: {  	[sflag:s19] =	ssyncset.done $0x0  }
0x5c: {  	[sflag:s19] =	ssyncadd.s32 $0xFFFFC000  }
0x5d: {  	[spmem:s2] =	stream.indirect.scatter.add.f32 [tilespmem:s17], [sflag:$0x3], $0x80, s21, s16, $0xb8;
	[tilespmem:$0x1BCC0] =	vst v63  }
0x5e: {  	_ =	swait.ge [sflag:s11], $0x4000  }
0x5f: {  	[sflag:s11] =	ssyncset.done $0x0  }
0x60: {  	[sflag:s11] =	ssyncadd.s32 $0xFFFFC000  }
0x61: {  	_ =	swait.ge [sflag:s20], $0x4000  }
0x62: {  	[sflag:s20] =	ssyncset.done $0x0  }
0x63: {  	[sflag:s20] =	ssyncadd.s32 $0xFFFFC000  }
0x64: {  	[spmem:s2] =	stream.indirect.scatter.add.f32 [tilespmem:s18], [sflag:$0x3], $0x80, s22, s16, $0xb8;
	[tilespmem:$0x1BCC0] =	vst v63  }
0x65: {  	_ =	swait.ge [sflag:s11], $0x4000  }
0x66: {  	[sflag:s11] =	ssyncset.done $0x0  }
0x67: {  	[sflag:s11] =	ssyncadd.s32 $0xFFFFC000  }
0x68: {  	[bflag:$0x0] =	sbarrier.arrive $0xFFFF  }
0x69: {  	[hbm:s8], [sflag:s13] =	dma.local [spmem:s14], $0x1380  }
0x6a: {  	s23 =	sadd.s32 $0x1, s23;
	_ =	swait.ge [sflag:s11], $0x1380  }
0x6b: {  	p1 =	sne.s32 s23, s10;
	[sflag:s11] =	ssyncset.done $0x0  }
.Ltmp2:
0x6c: {  	s24 =	simm.s32 @!p0 $0x3;
	[sflag:s11] =	ssyncadd.s32 $0xFFFFEC80;
	(pc) =	sbr.rel @p1 .LBB2_1-.Ltmp2, $4  }
0x6d: {  	[hbm:s9], [sflag:s13] =	dma.local @!p0 [spmem:s15], $0x80  }
0x6e: {  	_ =	swait.ge @!p0 [sflag:s24], $0x80  }
0x6f: {  	[sflag:s24] =	ssyncset.done @!p0 $0x0  }
0x70: {  	[sflag:s24] =	ssyncadd.s32 @!p0 $0xFFFFFF80  }
0x71: {  	_ =	sfence.sel $0x180000  }
0x72: {  	[bflag:$0x0] =	sbarrier.arrive $0xFFFF  }
0x73: {  	_ =	strace $0x9000004A  }
0x74: {  	s0 =	sadd.s32 @!p0 $0x100000, s0;
	[bflag:$0x2] =	sbarrier.arrive $0xFFFF  }
0x75: {  	[sflag:s0] =	ssyncadd.tile.s32 @!p0 $0x1;
	_ =	shalt  }
.Lfunc_end2:
_tile_overlayer_lowered:
.L_overlay_start_2:
0x76: {  	(tag) =	ssettag $0x2  }
0x77: {  	s0 =	rddreg [dreg:$0x0];
	s2 =	stileid.u32  }
0x78: {  	s1 =	rddreg [dreg:$0x1];
	p0 =	sne.s32 s2, $0x0  }
0x79: {  	s3 =	rddreg [dreg:$0x2];
	[bflag:$0x3] =	sbarrier.arrive $0xFFFF;
	s2 =	simm.s32 @!p0 $0x1C03  }
0x7a: {  	[timem:s3], [sflag:s2] =	dma.local @!p0 [hbm:s0], s1  }
0x7b: {  	s0 =	simm.s32 @!p0 $0x3  }
0x7c: {  	_ =	swait.ge @!p0 [sflag:s0], s1  }
0x7d: {  	s1 =	ssub.s32 @!p0 $0x0, s1;
	[sflag:s0] =	ssyncset.done @!p0 $0x0  }
0x7e: {  	[sflag:s0] =	ssyncadd.s32 @!p0 s1  }
0x7f: {  	[bflag:$0x3] =	sbarrier.arrive $0xFFFF  }
0x80: {  	_ =	shalt  }

// kernel: kernel.17.cloned.1.call-start
scs
__scs_entry_jumppad:
0x0: {  	(pc) =	sbr.rel $0x88, $3  }
0x1: {  	(tag) =	ssettag $0x0;
	lr =	simm.s32 $0x1  }
0x2: {  	[smem:$0x3F95] =	sst lr;
	_ =	strace $0xD0000000  }
0x3: {  	_ = 	snop  }
0x4: {  	_ = 	snop  }
0x5: {  	_ = 	snop  }
0x6: {  	_ = 	snop  }
0x7: {  	_ = 	snop  }
__scs_overlays_trampoline_lowered:
0x8: {  	[smem:$0x3FA4] =	sst s0  }
0x9: {  	[smem:$0x3FA5] =	sst s1  }
0xa: {  	[smem:$0x3FA6] =	sst s2  }
0xb: {  	[smem:$0x3FA7] =	sst s3  }
0xc: {  	[smem:$0x3FA8] =	sst s4  }
0xd: {  	[smem:$0x3FA9] =	sst s5  }
0xe: {  	[smem:$0x3FAA] =	sst s6  }
0xf: {  	[smem:$0x3FAB] =	sst s7  }
0x10: {  	[smem:$0x3FAC] =	sst s8  }
0x11: {  	[smem:$0x3FAD] =	sst s9;
	s0 =	simm.s32 @!p0 $0x0  }
0x12: {  	s1 =	sld [smem:$0x3F93];
	s0 =	simm.s32 @p0 $0x1  }
0x13: {  	[smem:$0x3FAE] =	sst s0;
	s0 =	simm.s32 @!p1 $0x0  }
0x14: {  	s2 =	sld [smem:$0x3F92];
	s0 =	simm.s32 @p1 $0x1  }
0x15: {  	[smem:$0x3FAF] =	sst s0;
	s0 =	simm.s32 @!p2 $0x0  }
0x16: {  	s3 =	sld [smem:$0x3FDB];
	s0 =	simm.s32 @p2 $0x1  }
0x17: {  	s4 =	simm.s32 $0x1BF5;
	[smem:$0x3FB1] =	sst s0  }
0x18: {  	s0 =	sld [smem:$0x3F94];
	_ =	swait.ge [sflag:s4], $0x0  }
0x19: {  	s7 =	sld [smem:$0x3F95]  }
0x1a: {  	s8 =	sadd.s32 $0xFFFFE003, lr  }
0x1b: {  	s9 =	sadd.s32 $0xFFFFFEF7, lr;
	s5 =	simm.s32 $0xFFFFFFFF;
	p2 =	slt.u32 s8, $0xFFFFF086  }
0x1c: {  	p1 =	slt.u32 s9, $0xF7A;
	s5 =	simm.s32 @!p2 $0x0  }
0x1d: {  	s5 =	simm.s32 @p1 $0x1;
	p0 =	seq.s32 s7, s2  }
0x1e: {  	s7 =	smul.u32 @!p0 $0xF7A, s2;
	p2 =	seq.s32 @!p0 s5, $0x0  }
0x1f: {  	s9 =	smul.u32 $0xF7A, s1;
	s8 =	simm.s32 @!p0 $0x1BF5;
	p2 =	por !p2, p0  }
0x20: {  	[sflag:s8] =	ssyncset.s32 @!p0 $0xFFFFF086;
	s6 =	sadd.s32 @!p0 s3, s7;
	s7 =	simm.s32 @!p0 $0x108  }
0x21: {  	s3 =	sadd.s32 s3, s9;
	s6 =	sadd.s32 @!p0 $0x88, s6;
	s7 =	simm.s32 @p2 $0x1082  }
0x22: {  	[simem:s7], [sflag:s8] =	dma.local @!p0 [hbm:s6], $0xF7A  }
0x23: {  	s9 =	sor.u32 $0xD0000000, s2;
	s6 =	simm.s32 $0x108;
	_ =	swait.ge @!p0 [sflag:s8], $0x0  }
0x24: {  	s3 =	sadd.s32 $0x88, s3;
	s6 =	simm.s32 @!p1 $0x1082;
	[sflag:s4] =	ssyncset.s32 $0xFFFFF086  }
0x25: {  	[simem:s6], [sflag:s4] =	dma.local [hbm:s3], $0xF7A  }
0x26: {  	[smem:$0x3F95] =	sst s1;
	(tag) =	ssettag s2;
	_ =	strace s9  }
0x27: {  	s1 =	sld [smem:$0x3FA5]  }
0x28: {  	s2 =	sld [smem:$0x3FA6]  }
0x29: {  	s4 =	sld [smem:$0x3FA8]  }
0x2a: {  	p0 =	seq.s32 s5, $0x0;
	s5 =	sld [smem:$0x3FA9]  }
0x2b: {  	s6 =	sld [smem:$0x3FAA]  }
0x2c: {  	s7 =	sld [smem:$0x3FAB]  }
0x2d: {  	s3 =	simm.s32 $0x108;
	s8 =	sld [smem:$0x3FAC]  }
0x2e: {  	s3 =	simm.s32 @!p0 $0x1082;
	s9 =	sld [smem:$0x3FAD]  }
0x2f: {  	lr =	sadd.s32 s0, s3;
	s0 =	sld [smem:$0x3FA4]  }
0x30: {  	s3 =	sld [smem:$0x3FA7]  }
0x31: {  	[smem:$0x3FB0] =	sst s10  }
0x32: {  	s10 =	sld [smem:$0x3FAE];
	_ =	sdelay $0x3  }
0x33: {  	p0 =	seq.s32 s10, $0x1;
	s10 =	sld [smem:$0x3FB0];
	_ =	sdelay $0x3  }
0x34: {  	[smem:$0x3FB0] =	sst s10  }
0x35: {  	s10 =	sld [smem:$0x3FAF];
	_ =	sdelay $0x3  }
0x36: {  	p1 =	seq.s32 s10, $0x1;
	s10 =	sld [smem:$0x3FB0];
	_ =	sdelay $0x3  }
0x37: {  	[smem:$0x3FB0] =	sst s10  }
0x38: {  	s10 =	sld [smem:$0x3FB1]  }
0x39: {  	_ = 	snop;
	(pc) =	sbr.ind lr, $3  }
0x3a: {  	_ = 	snop  }
0x3b: {  	_ = 	snop  }
0x3c: {  	p2 =	seq.s32 s10, $0x1;
	s10 =	sld [smem:$0x3FB0]  }
0x3d: {  	_ =	shalt  }
0x3e: {  	_ =	shalt  }
0x3f: {  	_ =	shalt  }
0x40: {  	_ =	shalt  }
0x41: {  	_ =	shalt  }
0x42: {  	_ =	shalt  }
0x43: {  	_ =	shalt  }
0x44: {  	_ =	shalt  }
0x45: {  	_ =	shalt  }
0x46: {  	_ =	shalt  }
0x47: {  	_ =	shalt  }
0x48: {  	_ =	shalt  }
0x49: {  	_ =	shalt  }
0x4a: {  	_ =	shalt  }
0x4b: {  	_ =	shalt  }
0x4c: {  	_ =	shalt  }
0x4d: {  	_ =	shalt  }
0x4e: {  	_ =	shalt  }
0x4f: {  	_ =	shalt  }
0x50: {  	_ =	shalt  }
0x51: {  	_ =	shalt  }
0x52: {  	_ =	shalt  }
0x53: {  	_ =	shalt  }
0x54: {  	_ =	shalt  }
0x55: {  	_ =	shalt  }
0x56: {  	_ =	shalt  }
0x57: {  	_ =	shalt  }
0x58: {  	_ =	shalt  }
0x59: {  	_ =	shalt  }
0x5a: {  	_ =	shalt  }
0x5b: {  	_ =	shalt  }
0x5c: {  	_ =	shalt  }
0x5d: {  	_ =	shalt  }
0x5e: {  	_ =	shalt  }
0x5f: {  	_ =	shalt  }
0x60: {  	_ =	shalt  }
0x61: {  	_ =	shalt  }
0x62: {  	_ =	shalt  }
0x63: {  	_ =	shalt  }
0x64: {  	_ =	shalt  }
0x65: {  	_ =	shalt  }
0x66: {  	_ =	shalt  }
0x67: {  	_ =	shalt  }
0x68: {  	_ =	shalt  }
0x69: {  	_ =	shalt  }
0x6a: {  	_ =	shalt  }
0x6b: {  	_ =	shalt  }
0x6c: {  	_ =	shalt  }
0x6d: {  	_ =	shalt  }
0x6e: {  	_ =	shalt  }
0x6f: {  	_ =	shalt  }
0x70: {  	_ =	shalt  }
0x71: {  	_ =	shalt  }
0x72: {  	_ =	shalt  }
0x73: {  	_ =	shalt  }
0x74: {  	_ =	shalt  }
0x75: {  	_ =	shalt  }
0x76: {  	_ =	shalt  }
0x77: {  	_ =	shalt  }
0x78: {  	_ =	shalt  }
0x79: {  	_ =	shalt  }
0x7a: {  	_ =	shalt  }
0x7b: {  	_ =	shalt  }
0x7c: {  	_ =	shalt  }
0x7d: {  	_ =	shalt  }
0x7e: {  	_ =	shalt  }
0x7f: {  	_ =	shalt  }
0x80: {  	_ =	shalt  }
0x81: {  	_ =	shalt  }
0x82: {  	_ =	shalt  }
0x83: {  	_ =	shalt  }
0x84: {  	_ =	shalt  }
0x85: {  	_ =	shalt  }
0x86: {  	_ =	shalt  }
0x87: {  	_ =	shalt  }
.Lfunc_end0:
.L_simem_size_0:
called_computation.2_lowered:
.L_overlay_start_0:
0x88: {  	s2 =	sld [smem:$0x3FD9]  }
0x89: {  	s3 =	sld [smem:$0x3FFE];
	_ =	sdelay $0x1  }
0x8a: {  	s1 =	srdreg.scid  }
0x8b: {  	s0 =	sand.u32 $0x1, s1  }
0x8c: {  	s17 =	sshll.u32 s0, $0xA;
	s2 =	sadd.s32 s3, s2  }
0x8d: {  	s2 =	sadd.s32 s2, s17  }
0x8e: {  	[smem:$0x3FBC] =	sst s2  }
0x8f: {  	_ = 	snop  }
0x90: {  	s2 =	sld [smem:$0x3FD0];
	(tm) =	ssettm $0x1  }
0x91: {  	s18 =	sld [smem:$0x3FFB];
	_ =	sdelay $0x3  }
0x92: {  	_ =	strace s18  }
0x93: {  	s3 =	sld [smem:$0x3FFC];
	_ =	sdelay $0x3  }
0x94: {  	_ =	strace s3  }
0x95: {  	s3 =	sld [smem:$0x3FFD];
	_ =	sdelay $0x3  }
0x96: {  	_ =	strace s3  }
0x97: {  	_ =	strace $0x8FFFFFFF  }
0x98: {  	s19 =	sld [smem:$0x3FDB];
	_ =	sdelay $0x1  }
0x99: {  	s4 =	simm.s32 $_scs_section_size  }
0x9a: {  	s5 =	simm.s32 $_size__tile_overlayer_lowered;
	s6 =	simm.s32 $_tile_overlayer_lowered  }
0x9b: {  	s22 =	simm.s32 $0x1BFF;
	s21 =	sshll.u32 s6, $0x1;
	s3 =	sadd.s32 s4, s19  }
0x9c: {  	s7 =	simm.s32 $0x0;
	s20 =	sshll.u32 s5, $0x1;
	s5 =	sadd.s32 s21, s3  }
0x9d: {  	[timem:s7], [sflag:s22] =	dma.local [hbm:s5], s20  }
0x9e: {  	_ =	swait.ge [sflag:s22], s20  }
0x9f: {  	s4 =	ssub.s32 $0x0, s20;
	[sflag:s22] =	ssyncset.done $0x0  }
0xa0: {  	[sflag:s22] =	ssyncadd.s32 s4;
	_ =	sdelay $0x1  }
0xa1: {  	s23 =	simm.s32 $0x1B8B  }
0xa2: {  	_ =	swait.ge [sflag:s23], $0x1  }
0xa3: {  	[sflag:s23] =	ssyncset.done $0x0  }
0xa4: {  	s25 =	simm.s32 $0x1B8E;
	s24 =	sld [smem:$0x3FFE];
	[sflag:s23] =	ssyncadd.s32 $0xFFFFFFFF  }
0xa5: {  	s26 =	simm.s32 $execute0_lowered;
	[smem:$0x3FD2] =	sst s25  }
0xa6: {  	s5 =	sshll.u32 s26, $0x1;
	_ =	strace $0x8000004C;
	[dreg:$0x1] =	wrdreg $0xFFFFFFFF  }
0xa7: {  	s28 =	simm.s32 $_size_execute0_lowered;
	s3 =	sadd.s32 s3, s5;
	[dreg:$0x0] =	wrdreg $0x0  }
0xa8: {  	s5 =	sshll.u32 s28, $0x1;
	[dreg:$0x2] =	wrdreg s3  }
0xa9: {  	[dreg:$0x3] =	wrdreg s5  }
0xaa: {  	[dreg:$0x4] =	wrdreg $0xC0  }
0xab: {  	_ =	task [dreg:s7], $0x5FFFF  }
0xac: {  	[dreg:$0x1] =	wrdreg $0xFFFFFFFF  }
0xad: {  	[dreg:$0x0] =	wrdreg $0x60  }
0xae: {  	[dreg:$0x2] =	wrdreg s2  }
0xaf: {  	[dreg:$0x3] =	wrdreg s24  }
0xb0: {  	[dreg:$0x4] =	wrdreg $0x120000  }
0xb1: {  	[dreg:$0x5] =	wrdreg $0x9  }
0xb2: {  	_ =	task.clear_ibuf [dreg:s7], $0x6FFFF;
	_ =	strace $0x9000004C  }
0xb3: {  	s29 =	simm.s32 $0x9;
	_ =	strace $0x8000004E  }
0xb4: {  	_ =	swait.ge [sflag:s29], $0x1  }
0xb5: {  	[sflag:s29] =	ssyncadd.s32 $0xFFFFFFFF  }
0xb6: {  	_ =	strace $0x9000004E  }
0xb7: {  	_ =	sfence  }
0xb8: {  	s30 =	sld [smem:$0x0];
	_ =	sdelay $0x2  }
0xb9: {  	s31 =	sshll.u32 s1, $0xD;
	s1 =	sshrl.u32 s1, $0x2  }
0xba: {  	s3 =	sand.u32 $0x4000, s31;
	s1 =	sadd.s32 s1, s30  }
0xbb: {  	s0 =	sor.u32 s3, s0;
	s1 =	sshll.u32 s1, $0x11  }
0xbc: {  	s0 =	sor.u32 s1, s0  }
0xbd: {  	s0 =	sadd.s32 $0x8F2B, s0  }
0xbe: {  	[sflag:s0] =	ssyncadd.remote.s32 $0x1  }
0xbf: {  	_ =	sfence.sel $0xFFFF  }
0xc0: {  	[dreg:$0x0] =	wrdreg $0xFFFFFFFF;
	(pc) =	sbr.abs _section_cstart, $3  }
0xc1: {  	[dreg:$0x1] =	wrdreg $0xFFFFFFFF  }
0xc2: {  	_ =	task.clear_ibuf [dreg:s7], $0x2FFFF;
	_ =	strace $0x9FFFFFFF  }
0xc3: {  	(tm) =	ssettm $0x7FFFFFFF  }
tec
execute0_lowered:
.L_overlay_start_1:
0x0: {  	(tag) =	ssettag $0x1  }
0x1: {  	s1 =	rddreg [dreg:$0x0]  }
0x2: {  	s4 =	rddreg [dreg:$0x1]  }
0x3: {  	s2 =	rddreg [dreg:$0x2]  }
0x4: {  	s0 =	rddreg [dreg:$0x3];
	s13 =	stileid.u32  }
0x5: {  	s5 =	srdreg.scid;
	s3 =	simm.s32 $0x0;
	s17 =	simm.s32 $0xA000  }
0x6: {  	s18 =	simm.s32 $0xE000;
	s19 =	simm.s32 $0x1;
	s6 =	smul.u32 $0xA00, s13  }
0x7: {  	s20 =	simm.s32 $0x2;
	s23 =	simm.s32 $0x0;
	s8 =	smul.u32 $0x27000, s13  }
0x8: {  	s5 =	sand.u32 $0x1, s5;
	[smem:$0x7FF] =	sst s3;
	s10 =	smul.u32 $0x138, s13  }
0x9: {  	s11 =	sadd.s32 $0x3F800, s4;
	s22 =	sadd.s32 $0x1388, s13;
	s15 =	sadd.s32 $0x9C000, s2  }
0xa: {  	s16 =	sshll.u32 s13, $0x6;
	p0 =	sne.s32 s13, $0x0;
	s21 =	smul.u32 $0x1388, s5  }
0xb: {  	_ =	strace $0x8000004D;
	s7 =	ssub.s32 $0x2, s5;
	s28 =	smul.u32 $0x9C400, s5  }
0xc: {  	s13 =	sor.u32 $0x1C03, s16;
	s15 =	sshrl.u32 @!p0 s15, $0x3;
	s16 =	simm.s32 $0x80  }
0xd: {  	v0 =	vmov s22;
	s22 =	simm.s32 $0x9F80;
	s6 =	sadd.s32 s6, s4;
	s9 =	sshrl.u32 s7, $0x1  }
0xe: {  	s29 =	sshrl.u32 s8, $0x2;
	s12 =	ssub.s32 s7, s9;
	s4 =	sadd.s32 $0xE600, s6  }
0xf: {  	s5 =	sadd.s32 $0x3E00, s6;
	s30 =	sadd.s32 s10, s21;
	s7 =	sshrl.u32 s28, $0x3  }
0x10: {  	s14 =	sadd.s32 s29, s2;
	v1 =	vmov s21;
	s21 =	simm.s32 $0x9F00;
	s8 =	sshll.u32 s30, $0x4  }
0x11: {  	s31 =	sadd.s32 $0x13800, s7;
	s10 =	smax.u32 s12, $0x1;
	s12 =	simm.s32 $0x5000  }
0x12: {  	s14 =	sshrl.u32 s14, $0x3;
	s6 =	sadd.s32 s1, s8;
	s7 =	sadd.s32 s1, s31  }
0x13: {  	s8 =	sadd.s32 s11, s8;
	s9 =	sadd.s32 s11, s31;
	s11 =	simm.s32 $0x3  }
.LBB2_1:
0x14: {  	[tilespmem:s3], [sflag:$0x3] =	stream.linear.gather [hbm4b:s4+s3], $0x5000, $0x38;
	[tilespmem:$0x1BCC0] =	vst v63  }
0x15: {  	_ =	swait.ge [sflag:s11], $0x5000  }
0x16: {  	[sflag:s11] =	ssyncset.done $0x0  }
0x17: {  	[sflag:s11] =	ssyncadd.s32 $0xFFFFB000  }
0x18: {  	[tilespmem:s12], [sflag:$0x3] =	stream.linear.gather [hbm4b:s5+s3], $0x5000, $0x38;
	[tilespmem:$0x1BCC0] =	vst v63  }
0x19: {  	s24 =	sand.u32 $0x1FE00, s3;
	_ =	swait.ge [sflag:s11], $0x5000  }
0x1a: {  	s25 =	sand.u32 $0x70, s3;
	s24 =	sshrl.u32 s24, $0x2;
	[sflag:s11] =	ssyncset.done $0x0  }
0x1b: {  	s24 =	sor.u32 s25, s24;
	[sflag:s11] =	ssyncadd.s32 $0xFFFFB000  }
0x1c: {  	v2 =	vld [tilespmem:s24+$0x5000];
	_ =	sdelay $0x4  }
0x1d: {  	s31 =	simm.s32 $0x40;
	v2 =	vsub.s32 v2, v1  }
0x1e: {  	s26 =	simm.s32 $0x10;
	s28 =	sand.u32 $0x1FE00, s31;
	s25 =	simm.s32 $0x80;
	vm0 =	vlt.u32 v2, $0x1388  }
.LBB2_2:
0x1f: {  	p1 =	sne.s32 s25, $0x13FC0;
	s29 =	sand.u32 $0x70, s26;
	s28 =	sshrl.u32 s28, $0x2;
	v2 =	vsel vm0, v2, v0  }
0x20: {  	[tilespmem:s24+$0x5000] =	vst v2;
	s24 =	sor.u32 s29, s28  }
0x21: {  	v2 =	vld [tilespmem:s24+$0x5000];
	_ =	sdelay $0x1  }
.Ltmp0:
0x22: {  	(pc) =	sbr.rel @p1 .LBB2_2-.Ltmp0, $3  }
0x23: {  	_ =	sdelay $0x1  }
0x24: {  	v2 =	vsub.s32 v2, v1  }
0x25: {  	s26 =	sadd.s32 $0x10, s26;
	s28 =	sand.u32 $0x1FE00, s25;
	s25 =	sadd.s32 $0x40, s25;
	vm0 =	vlt.u32 v2, $0x1388  }
0x26: {  	s25 =	sand.u32 $0x70, s26;
	s31 =	sshrl.u32 s28, $0x2;
	v2 =	vsel vm0, v2, v0  }
0x27: {  	s25 =	sor.u32 s25, s31;
	[tilespmem:s24+$0x5000] =	vst v2  }
0x28: {  	v2 =	vld [tilespmem:s25+$0x5000];
	_ =	sdelay $0x4  }
0x29: {  	v2 =	vsub.s32 v2, v1  }
0x2a: {  	vm15 =	vlt.u32 v2, $0x1388  }
0x2b: {  	v2 =	vsel vm15, v2, v0  }
0x2c: {  	[tilespmem:s25+$0x5000] =	vst v2  }
0x2d: {  	[spmem:s14], [sflag:s13] =	dma.local [hbm:s6], $0x1380  }
0x2e: {  	_ =	swait.ge [sflag:s11], $0x1380  }
0x2f: {  	[sflag:s11] =	ssyncset.done $0x0  }
0x30: {  	s24 =	simm.s32 @!p0 $0x3;
	[sflag:s11] =	ssyncadd.s32 $0xFFFFEC80  }
0x31: {  	[spmem:s15], [sflag:s13] =	dma.local @!p0 [hbm:s7], $0x80  }
0x32: {  	_ =	swait.ge @!p0 [sflag:s24], $0x80  }
0x33: {  	[sflag:s24] =	ssyncset.done @!p0 $0x0  }
0x34: {  	[sflag:s24] =	ssyncadd.s32 @!p0 $0xFFFFFF80  }
0x35: {  	s28 =	simm.s32 $0x0;
	[bflag:$0x0] =	sbarrier.arrive $0xFFFF  }
0x36: {  	[tilespmem:s17], [sflag:$0x1] =	stream.indirect.gather [hbm4b:s1+s16], $0x80, s28, s16, $0xb8;
	[tilespmem:$0x1BCC0] =	vst v63  }
0x37: {  	_ = 	snop  }
0x38: {  	[tilespmem:s18], [sflag:$0x2] =	stream.indirect.gather [hbm4b:s1+s16], $0x80, s16, s16, $0xb8;
	[tilespmem:$0x1BCC0] =	vst v63  }
0x39: {  	_ =	swait.ge [sflag:s19], $0x4000  }
0x3a: {  	[sflag:s19] =	ssyncset.done $0x0  }
0x3b: {  	s29 =	simm.s32 $0x5000;
	[sflag:s19] =	ssyncadd.s32 $0xFFFFC000  }
0x3c: {  	[spmem:s2] =	stream.indirect.scatter.add.f32 [tilespmem:s17], [sflag:$0x3], $0x80, s29, s16, $0xb8;
	[tilespmem:$0x1BCC0] =	vst v63  }
0x3d: {  	_ =	swait.ge [sflag:s11], $0x4000  }
0x3e: {  	[sflag:s11] =	ssyncset.done $0x0  }
0x3f: {  	s30 =	simm.s32 $0x100;
	[sflag:s11] =	ssyncadd.s32 $0xFFFFC000  }
0x40: {  	[tilespmem:s17], [sflag:$0x1] =	stream.indirect.gather [hbm4b:s1+s16], $0x80, s30, s16, $0xb8;
	[tilespmem:$0x1BCC0] =	vst v63  }
0x41: {  	_ =	swait.ge [sflag:s20], $0x4000  }
0x42: {  	[sflag:s20] =	ssyncset.done $0x0  }
0x43: {  	s31 =	simm.s32 $0x5080;
	[sflag:s20] =	ssyncadd.s32 $0xFFFFC000  }
0x44: {  	[spmem:s2] =	stream.indirect.scatter.add.f32 [tilespmem:s18], [sflag:$0x3], $0x80, s31, s16, $0xb8;
	[tilespmem:$0x1BCC0] =	vst v63  }
0x45: {  	_ =	swait.ge [sflag:s11], $0x4000  }
0x46: {  	[sflag:s11] =	ssyncset.done $0x0  }
0x47: {  	s25 =	simm.s32 $0x180;
	s24 =	simm.s32 $0x400;
	[sflag:s11] =	ssyncadd.s32 $0xFFFFC000  }
.LBB2_4:
0x48: {  	[tilespmem:s18], [sflag:$0x2] =	stream.indirect.gather [hbm4b:s1+s16], $0x80, s25, s16, $0xb8;
	[tilespmem:$0x1BCC0] =	vst v63  }
0x49: {  	s25 =	smov.u32 s24  }
0x4a: {  	p1 =	sne.s32 s24, $0x13800;
	s24 =	sadd.s32 $0x400, s24;
	_ =	swait.ge [sflag:s19], $0x4000  }
0x4b: {  	s25 =	sshra.s32 s25, $0x2;
	[sflag:s19] =	ssyncset.done $0x0  }
0x4c: {  	s26 =	sadd.s32 $0x5000, s25;
	[sflag:s19] =	ssyncadd.s32 $0xFFFFC000  }
0x4d: {  	[spmem:s2] =	stream.indirect.scatter.add.f32 [tilespmem:s17], [sflag:$0x3], $0x80, s26, s16, $0xb8;
	[tilespmem:$0x1BCC0] =	vst v63  }
0x4e: {  	_ =	swait.ge [sflag:s11], $0x4000  }
0x4f: {  	[sflag:s11] =	ssyncset.done $0x0  }
0x50: {  	s26 =	sadd.s32 $0x100, s25;
	[sflag:s11] =	ssyncadd.s32 $0xFFFFC000  }
0x51: {  	[tilespmem:s17], [sflag:$0x1] =	stream.indirect.gather [hbm4b:s1+s16], $0x80, s26, s16, $0xb8;
	[tilespmem:$0x1BCC0] =	vst v63  }
0x52: {  	_ =	swait.ge [sflag:s20], $0x4000  }
0x53: {  	[sflag:s20] =	ssyncset.done $0x0  }
.Ltmp1:
0x54: {  	s26 =	sadd.s32 $0x5080, s25;
	[sflag:s20] =	ssyncadd.s32 $0xFFFFC000;
	(pc) =	sbr.rel @p1 .LBB2_4-.Ltmp1, $4  }
0x55: {  	[spmem:s2] =	stream.indirect.scatter.add.f32 [tilespmem:s18], [sflag:$0x3], $0x80, s26, s16, $0xb8;
	[tilespmem:$0x1BCC0] =	vst v63  }
0x56: {  	_ =	swait.ge [sflag:s11], $0x4000  }
0x57: {  	[sflag:s11] =	ssyncset.done $0x0  }
0x58: {  	s25 =	sadd.s32 $0x180, s25;
	[sflag:s11] =	ssyncadd.s32 $0xFFFFC000  }
0x59: {  	[tilespmem:s18], [sflag:$0x2] =	stream.indirect.gather [hbm4b:s1+s16], $0x80, s25, s16, $0xb8;
	[tilespmem:$0x1BCC0] =	vst v63  }
0x5a: {  	_ =	swait.ge [sflag:s19], $0x4000  }
0x5b: {  	[sflag:s19] =	ssyncset.done $0x0  }
0x5c: {  	[sflag:s19] =	ssyncadd.s32 $0xFFFFC000  }
0x5d: {  	[spmem:s2] =	stream.indirect.scatter.add.f32 [tilespmem:s17], [sflag:$0x3], $0x80, s21, s16, $0xb8;
	[tilespmem:$0x1BCC0] =	vst v63  }
0x5e: {  	_ =	swait.ge [sflag:s11], $0x4000  }
0x5f: {  	[sflag:s11] =	ssyncset.done $0x0  }
0x60: {  	[sflag:s11] =	ssyncadd.s32 $0xFFFFC000  }
0x61: {  	_ =	swait.ge [sflag:s20], $0x4000  }
0x62: {  	[sflag:s20] =	ssyncset.done $0x0  }
0x63: {  	[sflag:s20] =	ssyncadd.s32 $0xFFFFC000  }
0x64: {  	[spmem:s2] =	stream.indirect.scatter.add.f32 [tilespmem:s18], [sflag:$0x3], $0x80, s22, s16, $0xb8;
	[tilespmem:$0x1BCC0] =	vst v63  }
0x65: {  	_ =	swait.ge [sflag:s11], $0x4000  }
0x66: {  	[sflag:s11] =	ssyncset.done $0x0  }
0x67: {  	[sflag:s11] =	ssyncadd.s32 $0xFFFFC000  }
0x68: {  	[bflag:$0x0] =	sbarrier.arrive $0xFFFF  }
0x69: {  	[hbm:s8], [sflag:s13] =	dma.local [spmem:s14], $0x1380  }
0x6a: {  	s23 =	sadd.s32 $0x1, s23;
	_ =	swait.ge [sflag:s11], $0x1380  }
0x6b: {  	p1 =	sne.s32 s23, s10;
	[sflag:s11] =	ssyncset.done $0x0  }
.Ltmp2:
0x6c: {  	s24 =	simm.s32 @!p0 $0x3;
	[sflag:s11] =	ssyncadd.s32 $0xFFFFEC80;
	(pc) =	sbr.rel @p1 .LBB2_1-.Ltmp2, $4  }
0x6d: {  	[hbm:s9], [sflag:s13] =	dma.local @!p0 [spmem:s15], $0x80  }
0x6e: {  	_ =	swait.ge @!p0 [sflag:s24], $0x80  }
0x6f: {  	[sflag:s24] =	ssyncset.done @!p0 $0x0  }
0x70: {  	[sflag:s24] =	ssyncadd.s32 @!p0 $0xFFFFFF80  }
0x71: {  	_ =	sfence.sel $0x180000  }
0x72: {  	[bflag:$0x0] =	sbarrier.arrive $0xFFFF  }
0x73: {  	_ =	strace $0x9000004D  }
0x74: {  	s0 =	sadd.s32 @!p0 $0x100000, s0;
	[bflag:$0x2] =	sbarrier.arrive $0xFFFF  }
0x75: {  	[sflag:s0] =	ssyncadd.tile.s32 @!p0 $0x1;
	_ =	shalt  }
.Lfunc_end2:
_tile_overlayer_lowered:
.L_overlay_start_2:
0x76: {  	(tag) =	ssettag $0x2  }
0x77: {  	s0 =	rddreg [dreg:$0x0];
	s2 =	stileid.u32  }
0x78: {  	s1 =	rddreg [dreg:$0x1];
	p0 =	sne.s32 s2, $0x0  }
0x79: {  	s3 =	rddreg [dreg:$0x2];
	[bflag:$0x3] =	sbarrier.arrive $0xFFFF;
	s2 =	simm.s32 @!p0 $0x1C03  }
0x7a: {  	[timem:s3], [sflag:s2] =	dma.local @!p0 [hbm:s0], s1  }
0x7b: {  	s0 =	simm.s32 @!p0 $0x3  }
0x7c: {  	_ =	swait.ge @!p0 [sflag:s0], s1  }
0x7d: {  	s1 =	ssub.s32 @!p0 $0x0, s1;
	[sflag:s0] =	ssyncset.done @!p0 $0x0  }
0x7e: {  	[sflag:s0] =	ssyncadd.s32 @!p0 s1  }
0x7f: {  	[bflag:$0x3] =	sbarrier.arrive $0xFFFF  }
0x80: {  	_ =	shalt  }

// kernel: kernel.20.cloned.1.call-start
scs
__scs_entry_jumppad:
0x0: {  	(pc) =	sbr.rel $0x88, $3  }
0x1: {  	(tag) =	ssettag $0x0;
	lr =	simm.s32 $0x1  }
0x2: {  	[smem:$0x3F95] =	sst lr;
	_ =	strace $0xD0000000  }
0x3: {  	_ = 	snop  }
0x4: {  	_ = 	snop  }
0x5: {  	_ = 	snop  }
0x6: {  	_ = 	snop  }
0x7: {  	_ = 	snop  }
__scs_overlays_trampoline_lowered:
0x8: {  	[smem:$0x3FA4] =	sst s0  }
0x9: {  	[smem:$0x3FA5] =	sst s1  }
0xa: {  	[smem:$0x3FA6] =	sst s2  }
0xb: {  	[smem:$0x3FA7] =	sst s3  }
0xc: {  	[smem:$0x3FA8] =	sst s4  }
0xd: {  	[smem:$0x3FA9] =	sst s5  }
0xe: {  	[smem:$0x3FAA] =	sst s6  }
0xf: {  	[smem:$0x3FAB] =	sst s7  }
0x10: {  	[smem:$0x3FAC] =	sst s8  }
0x11: {  	[smem:$0x3FAD] =	sst s9;
	s0 =	simm.s32 @!p0 $0x0  }
0x12: {  	s1 =	sld [smem:$0x3F93];
	s0 =	simm.s32 @p0 $0x1  }
0x13: {  	[smem:$0x3FAE] =	sst s0;
	s0 =	simm.s32 @!p1 $0x0  }
0x14: {  	s2 =	sld [smem:$0x3F92];
	s0 =	simm.s32 @p1 $0x1  }
0x15: {  	[smem:$0x3FAF] =	sst s0;
	s0 =	simm.s32 @!p2 $0x0  }
0x16: {  	s3 =	sld [smem:$0x3FDB];
	s0 =	simm.s32 @p2 $0x1  }
0x17: {  	s4 =	simm.s32 $0x1BF5;
	[smem:$0x3FB1] =	sst s0  }
0x18: {  	s0 =	sld [smem:$0x3F94];
	_ =	swait.ge [sflag:s4], $0x0  }
0x19: {  	s7 =	sld [smem:$0x3F95]  }
0x1a: {  	s8 =	sadd.s32 $0xFFFFE003, lr  }
0x1b: {  	s9 =	sadd.s32 $0xFFFFFEF7, lr;
	s5 =	simm.s32 $0xFFFFFFFF;
	p2 =	slt.u32 s8, $0xFFFFF086  }
0x1c: {  	p1 =	slt.u32 s9, $0xF7A;
	s5 =	simm.s32 @!p2 $0x0  }
0x1d: {  	s5 =	simm.s32 @p1 $0x1;
	p0 =	seq.s32 s7, s2  }
0x1e: {  	s7 =	smul.u32 @!p0 $0xF7A, s2;
	p2 =	seq.s32 @!p0 s5, $0x0  }
0x1f: {  	s9 =	smul.u32 $0xF7A, s1;
	s8 =	simm.s32 @!p0 $0x1BF5;
	p2 =	por !p2, p0  }
0x20: {  	[sflag:s8] =	ssyncset.s32 @!p0 $0xFFFFF086;
	s6 =	sadd.s32 @!p0 s3, s7;
	s7 =	simm.s32 @!p0 $0x108  }
0x21: {  	s3 =	sadd.s32 s3, s9;
	s6 =	sadd.s32 @!p0 $0x88, s6;
	s7 =	simm.s32 @p2 $0x1082  }
0x22: {  	[simem:s7], [sflag:s8] =	dma.local @!p0 [hbm:s6], $0xF7A  }
0x23: {  	s9 =	sor.u32 $0xD0000000, s2;
	s6 =	simm.s32 $0x108;
	_ =	swait.ge @!p0 [sflag:s8], $0x0  }
0x24: {  	s3 =	sadd.s32 $0x88, s3;
	s6 =	simm.s32 @!p1 $0x1082;
	[sflag:s4] =	ssyncset.s32 $0xFFFFF086  }
0x25: {  	[simem:s6], [sflag:s4] =	dma.local [hbm:s3], $0xF7A  }
0x26: {  	[smem:$0x3F95] =	sst s1;
	(tag) =	ssettag s2;
	_ =	strace s9  }
0x27: {  	s1 =	sld [smem:$0x3FA5]  }
0x28: {  	s2 =	sld [smem:$0x3FA6]  }
0x29: {  	s4 =	sld [smem:$0x3FA8]  }
0x2a: {  	p0 =	seq.s32 s5, $0x0;
	s5 =	sld [smem:$0x3FA9]  }
0x2b: {  	s6 =	sld [smem:$0x3FAA]  }
0x2c: {  	s7 =	sld [smem:$0x3FAB]  }
0x2d: {  	s3 =	simm.s32 $0x108;
	s8 =	sld [smem:$0x3FAC]  }
0x2e: {  	s3 =	simm.s32 @!p0 $0x1082;
	s9 =	sld [smem:$0x3FAD]  }
0x2f: {  	lr =	sadd.s32 s0, s3;
	s0 =	sld [smem:$0x3FA4]  }
0x30: {  	s3 =	sld [smem:$0x3FA7]  }
0x31: {  	[smem:$0x3FB0] =	sst s10  }
0x32: {  	s10 =	sld [smem:$0x3FAE];
	_ =	sdelay $0x3  }
0x33: {  	p0 =	seq.s32 s10, $0x1;
	s10 =	sld [smem:$0x3FB0];
	_ =	sdelay $0x3  }
0x34: {  	[smem:$0x3FB0] =	sst s10  }
0x35: {  	s10 =	sld [smem:$0x3FAF];
	_ =	sdelay $0x3  }
0x36: {  	p1 =	seq.s32 s10, $0x1;
	s10 =	sld [smem:$0x3FB0];
	_ =	sdelay $0x3  }
0x37: {  	[smem:$0x3FB0] =	sst s10  }
0x38: {  	s10 =	sld [smem:$0x3FB1]  }
0x39: {  	_ = 	snop;
	(pc) =	sbr.ind lr, $3  }
0x3a: {  	_ = 	snop  }
0x3b: {  	_ = 	snop  }
0x3c: {  	p2 =	seq.s32 s10, $0x1;
	s10 =	sld [smem:$0x3FB0]  }
0x3d: {  	_ =	shalt  }
0x3e: {  	_ =	shalt  }
0x3f: {  	_ =	shalt  }
0x40: {  	_ =	shalt  }
0x41: {  	_ =	shalt  }
0x42: {  	_ =	shalt  }
0x43: {  	_ =	shalt  }
0x44: {  	_ =	shalt  }
0x45: {  	_ =	shalt  }
0x46: {  	_ =	shalt  }
0x47: {  	_ =	shalt  }
0x48: {  	_ =	shalt  }
0x49: {  	_ =	shalt  }
0x4a: {  	_ =	shalt  }
0x4b: {  	_ =	shalt  }
0x4c: {  	_ =	shalt  }
0x4d: {  	_ =	shalt  }
0x4e: {  	_ =	shalt  }
0x4f: {  	_ =	shalt  }
0x50: {  	_ =	shalt  }
0x51: {  	_ =	shalt  }
0x52: {  	_ =	shalt  }
0x53: {  	_ =	shalt  }
0x54: {  	_ =	shalt  }
0x55: {  	_ =	shalt  }
0x56: {  	_ =	shalt  }
0x57: {  	_ =	shalt  }
0x58: {  	_ =	shalt  }
0x59: {  	_ =	shalt  }
0x5a: {  	_ =	shalt  }
0x5b: {  	_ =	shalt  }
0x5c: {  	_ =	shalt  }
0x5d: {  	_ =	shalt  }
0x5e: {  	_ =	shalt  }
0x5f: {  	_ =	shalt  }
0x60: {  	_ =	shalt  }
0x61: {  	_ =	shalt  }
0x62: {  	_ =	shalt  }
0x63: {  	_ =	shalt  }
0x64: {  	_ =	shalt  }
0x65: {  	_ =	shalt  }
0x66: {  	_ =	shalt  }
0x67: {  	_ =	shalt  }
0x68: {  	_ =	shalt  }
0x69: {  	_ =	shalt  }
0x6a: {  	_ =	shalt  }
0x6b: {  	_ =	shalt  }
0x6c: {  	_ =	shalt  }
0x6d: {  	_ =	shalt  }
0x6e: {  	_ =	shalt  }
0x6f: {  	_ =	shalt  }
0x70: {  	_ =	shalt  }
0x71: {  	_ =	shalt  }
0x72: {  	_ =	shalt  }
0x73: {  	_ =	shalt  }
0x74: {  	_ =	shalt  }
0x75: {  	_ =	shalt  }
0x76: {  	_ =	shalt  }
0x77: {  	_ =	shalt  }
0x78: {  	_ =	shalt  }
0x79: {  	_ =	shalt  }
0x7a: {  	_ =	shalt  }
0x7b: {  	_ =	shalt  }
0x7c: {  	_ =	shalt  }
0x7d: {  	_ =	shalt  }
0x7e: {  	_ =	shalt  }
0x7f: {  	_ =	shalt  }
0x80: {  	_ =	shalt  }
0x81: {  	_ =	shalt  }
0x82: {  	_ =	shalt  }
0x83: {  	_ =	shalt  }
0x84: {  	_ =	shalt  }
0x85: {  	_ =	shalt  }
0x86: {  	_ =	shalt  }
0x87: {  	_ =	shalt  }
.Lfunc_end0:
.L_simem_size_0:
called_computation.3_lowered:
.L_overlay_start_0:
0x88: {  	s2 =	sld [smem:$0x3FD9]  }
0x89: {  	s3 =	sld [smem:$0x3FFE];
	_ =	sdelay $0x1  }
0x8a: {  	s1 =	srdreg.scid  }
0x8b: {  	s0 =	sand.u32 $0x1, s1  }
0x8c: {  	s17 =	sshll.u32 s0, $0xA;
	s2 =	sadd.s32 s3, s2  }
0x8d: {  	s2 =	sadd.s32 s2, s17  }
0x8e: {  	[smem:$0x3FBC] =	sst s2  }
0x8f: {  	_ = 	snop  }
0x90: {  	(tm) =	ssettm $0x1  }
0x91: {  	s18 =	sld [smem:$0x3FFB];
	_ =	sdelay $0x3  }
0x92: {  	_ =	strace s18  }
0x93: {  	s2 =	sld [smem:$0x3FFC];
	_ =	sdelay $0x3  }
0x94: {  	_ =	strace s2  }
0x95: {  	s2 =	sld [smem:$0x3FFD];
	_ =	sdelay $0x3  }
0x96: {  	_ =	strace s2  }
0x97: {  	_ =	strace $0x8FFFFFFF  }
0x98: {  	s19 =	sld [smem:$0x3FDB];
	_ =	sdelay $0x1  }
0x99: {  	s20 =	simm.s32 $_scs_section_size  }
0x9a: {  	s4 =	simm.s32 $_size__tile_overlayer_lowered;
	s5 =	simm.s32 $_tile_overlayer_lowered  }
0x9b: {  	s6 =	simm.s32 $0x1BFF;
	s21 =	sshll.u32 s5, $0x1;
	s3 =	sadd.s32 s20, s19  }
0x9c: {  	s22 =	simm.s32 $0x0;
	s4 =	sshll.u32 s4, $0x1;
	s5 =	sadd.s32 s21, s3  }
0x9d: {  	[timem:s22], [sflag:s6] =	dma.local [hbm:s5], s4  }
0x9e: {  	_ =	swait.ge [sflag:s6], s4  }
0x9f: {  	s4 =	ssub.s32 $0x0, s4;
	[sflag:s6] =	ssyncset.done $0x0  }
0xa0: {  	[sflag:s6] =	ssyncadd.s32 s4;
	_ =	sdelay $0x1  }
0xa1: {  	s23 =	simm.s32 $0x1B8B  }
0xa2: {  	_ =	swait.ge [sflag:s23], $0x1  }
0xa3: {  	[sflag:s23] =	ssyncset.done $0x0  }
0xa4: {  	[sflag:s23] =	ssyncadd.s32 $0xFFFFFFFF  }
0xa5: {  	s4 =	sld [smem:$0x0]  }
0xa6: {  	s5 =	sand.u32 $0xFFFFFFFE, s1  }
0xa7: {  	p0 =	sne.s32 s1, s5  }
0xa8: {  	s5 =	sshll.u32 @p0 s5, $0xE  }
0xa9: {  	s5 =	sadd.s32 @p0 $0x11B8D, s5;
	s6 =	sshll.u32 @p0 s4, $0x11  }
0xaa: {  	s5 =	sor.u32 @p0 s6, s5  }
0xab: {  	[sflag:s5] =	ssyncadd.remote.s32 @p0 $0x1;
	_ =	sdelay $0x1  }
0xac: {  	s5 =	simm.s32 @p0 $0x1B8D  }
0xad: {  	_ =	swait.eq @p0 [sflag:s5], $0x1  }
0xae: {  	[sflag:s5] =	ssyncadd.s32 @p0 $0xFFFFFFFF  }
0xaf: {  	s6 =	sshll.u32 @!p0 s1, $0xE  }
0xb0: {  	s6 =	sor.u32 @!p0 $0x4000, s6;
	s5 =	simm.s32 @!p0 $0x1B8D  }
0xb1: {  	s4 =	sshll.u32 @!p0 s4, $0x11;
	s6 =	sadd.s32 @!p0 $0x11B8D, s6;
	_ =	swait.eq @!p0 [sflag:s5], $0x1  }
0xb2: {  	s4 =	sor.u32 @!p0 s4, s6;
	[sflag:s5] =	ssyncadd.s32 @!p0 $0xFFFFFFFF  }
0xb3: {  	s25 =	simm.s32 $0x1B8E;
	s24 =	sld [smem:$0x3FFE];
	[sflag:s4] =	ssyncadd.remote.s32 @!p0 $0x1  }
0xb4: {  	s26 =	simm.s32 $execute0_lowered;
	[smem:$0x3FD2] =	sst s25  }
0xb5: {  	s5 =	sshll.u32 s26, $0x1;
	_ =	strace $0x8000004F;
	[dreg:$0x1] =	wrdreg $0xFFFFFFFF  }
0xb6: {  	s28 =	simm.s32 $_size_execute0_lowered;
	s3 =	sadd.s32 s3, s5;
	[dreg:$0x0] =	wrdreg $0x0  }
0xb7: {  	s5 =	sshll.u32 s28, $0x1;
	[dreg:$0x2] =	wrdreg s3  }
0xb8: {  	[dreg:$0x3] =	wrdreg s5  }
0xb9: {  	[dreg:$0x4] =	wrdreg $0xC0  }
0xba: {  	_ =	task [dreg:s22], $0x5FFFF  }
0xbb: {  	[dreg:$0x1] =	wrdreg $0xFFFFFFFF  }
0xbc: {  	[dreg:$0x0] =	wrdreg $0x60  }
0xbd: {  	[dreg:$0x2] =	wrdreg s24  }
0xbe: {  	[dreg:$0x3] =	wrdreg $0x120000  }
0xbf: {  	[dreg:$0x4] =	wrdreg $0xA  }
0xc0: {  	_ =	task.clear_ibuf [dreg:s22], $0x5FFFF;
	_ =	strace $0x9000004F  }
0xc1: {  	s29 =	simm.s32 $0xA;
	_ =	strace $0x80000051  }
0xc2: {  	_ =	swait.ge [sflag:s29], $0x1  }
0xc3: {  	[sflag:s29] =	ssyncadd.s32 $0xFFFFFFFF  }
0xc4: {  	_ =	strace $0x90000051  }
0xc5: {  	_ =	sfence  }
0xc6: {  	s30 =	sld [smem:$0x0];
	_ =	sdelay $0x2  }
0xc7: {  	s31 =	sshll.u32 s1, $0xD;
	s1 =	sshrl.u32 s1, $0x2  }
0xc8: {  	s4 =	sand.u32 $0x4000, s31;
	s1 =	sadd.s32 s1, s30  }
0xc9: {  	s0 =	sor.u32 s4, s0;
	s1 =	sshll.u32 s1, $0x11  }
0xca: {  	s0 =	sor.u32 s1, s0  }
0xcb: {  	s0 =	sadd.s32 $0x8F2B, s0  }
0xcc: {  	[sflag:s0] =	ssyncadd.remote.s32 $0x1  }
0xcd: {  	_ =	sfence.sel $0xFFFF  }
0xce: {  	[dreg:$0x0] =	wrdreg $0xFFFFFFFF;
	(pc) =	sbr.abs _section_cstart, $3  }
0xcf: {  	[dreg:$0x1] =	wrdreg $0xFFFFFFFF  }
0xd0: {  	_ =	task.clear_ibuf [dreg:s22], $0x2FFFF;
	_ =	strace $0x9FFFFFFF  }
0xd1: {  	(tm) =	ssettm $0x7FFFFFFF  }
tec
execute0_lowered:
.L_overlay_start_1:
0x0: {  	(tag) =	ssettag $0x1  }
0x1: {  	s4 =	rddreg [dreg:$0x0]  }
0x2: {  	s1 =	rddreg [dreg:$0x1]  }
0x3: {  	s0 =	rddreg [dreg:$0x2];
	s2 =	simm.s32 $0x0;
	s13 =	stileid.u32  }
0x4: {  	s3 =	srdreg.scid;
	s17 =	simm.s32 $0xA000;
	s18 =	simm.s32 $0xE000  }
0x5: {  	s19 =	simm.s32 $0x1;
	s20 =	simm.s32 $0x2;
	s5 =	smul.u32 $0xA00, s13  }
0x6: {  	s23 =	simm.s32 $0x0;
	[smem:$0x7FF] =	sst s2;
	s8 =	smul.u32 $0x27000, s13  }
0x7: {  	s6 =	sand.u32 $0x1, s3;
	s3 =	sadd.s32 $0x18600, s4;
	s10 =	smul.u32 $0x138, s13  }
0x8: {  	s11 =	sadd.s32 $0x66A00, s4;
	s22 =	sadd.s32 $0x1388, s13;
	s15 =	sadd.s32 $0x9C000, s1  }
0x9: {  	s16 =	sshll.u32 s13, $0x6;
	p0 =	sne.s32 s13, $0x0;
	s21 =	smul.u32 $0x1388, s6  }
0xa: {  	_ =	strace $0x80000050;
	s7 =	ssub.s32 $0x2, s6;
	s6 =	smul.u32 $0x9C400, s6  }
0xb: {  	s13 =	sor.u32 $0x1C03, s16;
	s15 =	sshrl.u32 @!p0 s15, $0x3;
	s16 =	simm.s32 $0x80  }
0xc: {  	v0 =	vmov s22;
	s22 =	simm.s32 $0x9F80;
	s5 =	sadd.s32 s5, s4;
	s9 =	sshrl.u32 s7, $0x1  }
0xd: {  	s29 =	sshrl.u32 s8, $0x2;
	s12 =	ssub.s32 s7, s9;
	s4 =	sadd.s32 $0xE600, s5  }
0xe: {  	s5 =	sadd.s32 $0x3E00, s5;
	s30 =	sadd.s32 s10, s21;
	s6 =	sshrl.u32 s6, $0x3  }
0xf: {  	s14 =	sadd.s32 s29, s1;
	v1 =	vmov s21;
	s21 =	simm.s32 $0x9F00;
	s8 =	sshll.u32 s30, $0x4  }
0x10: {  	s31 =	sadd.s32 $0x13800, s6;
	s10 =	smax.u32 s12, $0x1;
	s12 =	simm.s32 $0x5000  }
0x11: {  	s14 =	sshrl.u32 s14, $0x3;
	s6 =	sadd.s32 s3, s8;
	s7 =	sadd.s32 s3, s31  }
0x12: {  	s8 =	sadd.s32 s11, s8;
	s9 =	sadd.s32 s11, s31;
	s11 =	simm.s32 $0x3  }
.LBB2_1:
0x13: {  	[tilespmem:s2], [sflag:$0x3] =	stream.linear.gather [hbm4b:s4+s2], $0x5000, $0x38;
	[tilespmem:$0x1BCC0] =	vst v63  }
0x14: {  	_ =	swait.ge [sflag:s11], $0x5000  }
0x15: {  	[sflag:s11] =	ssyncset.done $0x0  }
0x16: {  	[sflag:s11] =	ssyncadd.s32 $0xFFFFB000  }
0x17: {  	[tilespmem:s12], [sflag:$0x3] =	stream.linear.gather [hbm4b:s5+s2], $0x5000, $0x38;
	[tilespmem:$0x1BCC0] =	vst v63  }
0x18: {  	s24 =	sand.u32 $0x1FE00, s2;
	_ =	swait.ge [sflag:s11], $0x5000  }
0x19: {  	s25 =	sand.u32 $0x70, s2;
	s24 =	sshrl.u32 s24, $0x2;
	[sflag:s11] =	ssyncset.done $0x0  }
0x1a: {  	s24 =	sor.u32 s25, s24;
	[sflag:s11] =	ssyncadd.s32 $0xFFFFB000  }
0x1b: {  	v2 =	vld [tilespmem:s24+$0x5000];
	_ =	sdelay $0x4  }
0x1c: {  	s31 =	simm.s32 $0x40;
	v2 =	vsub.s32 v2, v1  }
0x1d: {  	s26 =	simm.s32 $0x10;
	s28 =	sand.u32 $0x1FE00, s31;
	s25 =	simm.s32 $0x80;
	vm0 =	vlt.u32 v2, $0x1388  }
.LBB2_2:
0x1e: {  	p1 =	sne.s32 s25, $0x13FC0;
	s29 =	sand.u32 $0x70, s26;
	s28 =	sshrl.u32 s28, $0x2;
	v2 =	vsel vm0, v2, v0  }
0x1f: {  	[tilespmem:s24+$0x5000] =	vst v2;
	s24 =	sor.u32 s29, s28  }
0x20: {  	v2 =	vld [tilespmem:s24+$0x5000];
	_ =	sdelay $0x1  }
.Ltmp0:
0x21: {  	(pc) =	sbr.rel @p1 .LBB2_2-.Ltmp0, $3  }
0x22: {  	_ =	sdelay $0x1  }
0x23: {  	v2 =	vsub.s32 v2, v1  }
0x24: {  	s26 =	sadd.s32 $0x10, s26;
	s28 =	sand.u32 $0x1FE00, s25;
	s25 =	sadd.s32 $0x40, s25;
	vm0 =	vlt.u32 v2, $0x1388  }
0x25: {  	s25 =	sand.u32 $0x70, s26;
	s31 =	sshrl.u32 s28, $0x2;
	v2 =	vsel vm0, v2, v0  }
0x26: {  	s25 =	sor.u32 s25, s31;
	[tilespmem:s24+$0x5000] =	vst v2  }
0x27: {  	v2 =	vld [tilespmem:s25+$0x5000];
	_ =	sdelay $0x4  }
0x28: {  	v2 =	vsub.s32 v2, v1  }
0x29: {  	vm15 =	vlt.u32 v2, $0x1388  }
0x2a: {  	v2 =	vsel vm15, v2, v0  }
0x2b: {  	[tilespmem:s25+$0x5000] =	vst v2  }
0x2c: {  	[spmem:s14], [sflag:s13] =	dma.local [hbm:s6], $0x1380  }
0x2d: {  	_ =	swait.ge [sflag:s11], $0x1380  }
0x2e: {  	[sflag:s11] =	ssyncset.done $0x0  }
0x2f: {  	s24 =	simm.s32 @!p0 $0x3;
	[sflag:s11] =	ssyncadd.s32 $0xFFFFEC80  }
0x30: {  	[spmem:s15], [sflag:s13] =	dma.local @!p0 [hbm:s7], $0x80  }
0x31: {  	_ =	swait.ge @!p0 [sflag:s24], $0x80  }
0x32: {  	[sflag:s24] =	ssyncset.done @!p0 $0x0  }
0x33: {  	[sflag:s24] =	ssyncadd.s32 @!p0 $0xFFFFFF80  }
0x34: {  	s28 =	simm.s32 $0x0;
	[bflag:$0x0] =	sbarrier.arrive $0xFFFF  }
0x35: {  	[tilespmem:s17], [sflag:$0x1] =	stream.indirect.gather [hbm4b:s3+s16], $0x80, s28, s16, $0xb8;
	[tilespmem:$0x1BCC0] =	vst v63  }
0x36: {  	_ = 	snop  }
0x37: {  	[tilespmem:s18], [sflag:$0x2] =	stream.indirect.gather [hbm4b:s3+s16], $0x80, s16, s16, $0xb8;
	[tilespmem:$0x1BCC0] =	vst v63  }
0x38: {  	_ =	swait.ge [sflag:s19], $0x4000  }
0x39: {  	[sflag:s19] =	ssyncset.done $0x0  }
0x3a: {  	s29 =	simm.s32 $0x5000;
	[sflag:s19] =	ssyncadd.s32 $0xFFFFC000  }
0x3b: {  	[spmem:s1] =	stream.indirect.scatter.add.f32 [tilespmem:s17], [sflag:$0x3], $0x80, s29, s16, $0xb8;
	[tilespmem:$0x1BCC0] =	vst v63  }
0x3c: {  	_ =	swait.ge [sflag:s11], $0x4000  }
0x3d: {  	[sflag:s11] =	ssyncset.done $0x0  }
0x3e: {  	s30 =	simm.s32 $0x100;
	[sflag:s11] =	ssyncadd.s32 $0xFFFFC000  }
0x3f: {  	[tilespmem:s17], [sflag:$0x1] =	stream.indirect.gather [hbm4b:s3+s16], $0x80, s30, s16, $0xb8;
	[tilespmem:$0x1BCC0] =	vst v63  }
0x40: {  	_ =	swait.ge [sflag:s20], $0x4000  }
0x41: {  	[sflag:s20] =	ssyncset.done $0x0  }
0x42: {  	s31 =	simm.s32 $0x5080;
	[sflag:s20] =	ssyncadd.s32 $0xFFFFC000  }
0x43: {  	[spmem:s1] =	stream.indirect.scatter.add.f32 [tilespmem:s18], [sflag:$0x3], $0x80, s31, s16, $0xb8;
	[tilespmem:$0x1BCC0] =	vst v63  }
0x44: {  	_ =	swait.ge [sflag:s11], $0x4000  }
0x45: {  	[sflag:s11] =	ssyncset.done $0x0  }
0x46: {  	s25 =	simm.s32 $0x180;
	s24 =	simm.s32 $0x400;
	[sflag:s11] =	ssyncadd.s32 $0xFFFFC000  }
.LBB2_4:
0x47: {  	[tilespmem:s18], [sflag:$0x2] =	stream.indirect.gather [hbm4b:s3+s16], $0x80, s25, s16, $0xb8;
	[tilespmem:$0x1BCC0] =	vst v63  }
0x48: {  	s25 =	smov.u32 s24  }
0x49: {  	p1 =	sne.s32 s24, $0x13800;
	s24 =	sadd.s32 $0x400, s24;
	_ =	swait.ge [sflag:s19], $0x4000  }
0x4a: {  	s25 =	sshra.s32 s25, $0x2;
	[sflag:s19] =	ssyncset.done $0x0  }
0x4b: {  	s26 =	sadd.s32 $0x5000, s25;
	[sflag:s19] =	ssyncadd.s32 $0xFFFFC000  }
0x4c: {  	[spmem:s1] =	stream.indirect.scatter.add.f32 [tilespmem:s17], [sflag:$0x3], $0x80, s26, s16, $0xb8;
	[tilespmem:$0x1BCC0] =	vst v63  }
0x4d: {  	_ =	swait.ge [sflag:s11], $0x4000  }
0x4e: {  	[sflag:s11] =	ssyncset.done $0x0  }
0x4f: {  	s26 =	sadd.s32 $0x100, s25;
	[sflag:s11] =	ssyncadd.s32 $0xFFFFC000  }
0x50: {  	[tilespmem:s17], [sflag:$0x1] =	stream.indirect.gather [hbm4b:s3+s16], $0x80, s26, s16, $0xb8;
	[tilespmem:$0x1BCC0] =	vst v63  }
0x51: {  	_ =	swait.ge [sflag:s20], $0x4000  }
0x52: {  	[sflag:s20] =	ssyncset.done $0x0  }
.Ltmp1:
0x53: {  	s26 =	sadd.s32 $0x5080, s25;
	[sflag:s20] =	ssyncadd.s32 $0xFFFFC000;
	(pc) =	sbr.rel @p1 .LBB2_4-.Ltmp1, $4  }
0x54: {  	[spmem:s1] =	stream.indirect.scatter.add.f32 [tilespmem:s18], [sflag:$0x3], $0x80, s26, s16, $0xb8;
	[tilespmem:$0x1BCC0] =	vst v63  }
0x55: {  	_ =	swait.ge [sflag:s11], $0x4000  }
0x56: {  	[sflag:s11] =	ssyncset.done $0x0  }
0x57: {  	s25 =	sadd.s32 $0x180, s25;
	[sflag:s11] =	ssyncadd.s32 $0xFFFFC000  }
0x58: {  	[tilespmem:s18], [sflag:$0x2] =	stream.indirect.gather [hbm4b:s3+s16], $0x80, s25, s16, $0xb8;
	[tilespmem:$0x1BCC0] =	vst v63  }
0x59: {  	_ =	swait.ge [sflag:s19], $0x4000  }
0x5a: {  	[sflag:s19] =	ssyncset.done $0x0  }
0x5b: {  	[sflag:s19] =	ssyncadd.s32 $0xFFFFC000  }
0x5c: {  	[spmem:s1] =	stream.indirect.scatter.add.f32 [tilespmem:s17], [sflag:$0x3], $0x80, s21, s16, $0xb8;
	[tilespmem:$0x1BCC0] =	vst v63  }
0x5d: {  	_ =	swait.ge [sflag:s11], $0x4000  }
0x5e: {  	[sflag:s11] =	ssyncset.done $0x0  }
0x5f: {  	[sflag:s11] =	ssyncadd.s32 $0xFFFFC000  }
0x60: {  	_ =	swait.ge [sflag:s20], $0x4000  }
0x61: {  	[sflag:s20] =	ssyncset.done $0x0  }
0x62: {  	[sflag:s20] =	ssyncadd.s32 $0xFFFFC000  }
0x63: {  	[spmem:s1] =	stream.indirect.scatter.add.f32 [tilespmem:s18], [sflag:$0x3], $0x80, s22, s16, $0xb8;
	[tilespmem:$0x1BCC0] =	vst v63  }
0x64: {  	_ =	swait.ge [sflag:s11], $0x4000  }
0x65: {  	[sflag:s11] =	ssyncset.done $0x0  }
0x66: {  	[sflag:s11] =	ssyncadd.s32 $0xFFFFC000  }
0x67: {  	[bflag:$0x0] =	sbarrier.arrive $0xFFFF  }
0x68: {  	[hbm:s8], [sflag:s13] =	dma.local [spmem:s14], $0x1380  }
0x69: {  	s23 =	sadd.s32 $0x1, s23;
	_ =	swait.ge [sflag:s11], $0x1380  }
0x6a: {  	p1 =	sne.s32 s23, s10;
	[sflag:s11] =	ssyncset.done $0x0  }
.Ltmp2:
0x6b: {  	s24 =	simm.s32 @!p0 $0x3;
	[sflag:s11] =	ssyncadd.s32 $0xFFFFEC80;
	(pc) =	sbr.rel @p1 .LBB2_1-.Ltmp2, $4  }
0x6c: {  	[hbm:s9], [sflag:s13] =	dma.local @!p0 [spmem:s15], $0x80  }
0x6d: {  	_ =	swait.ge @!p0 [sflag:s24], $0x80  }
0x6e: {  	[sflag:s24] =	ssyncset.done @!p0 $0x0  }
0x6f: {  	[sflag:s24] =	ssyncadd.s32 @!p0 $0xFFFFFF80  }
0x70: {  	_ =	sfence.sel $0x180000  }
0x71: {  	[bflag:$0x0] =	sbarrier.arrive $0xFFFF  }
0x72: {  	_ =	strace $0x90000050  }
0x73: {  	s0 =	sadd.s32 @!p0 $0x100000, s0;
	[bflag:$0x2] =	sbarrier.arrive $0xFFFF  }
0x74: {  	[sflag:s0] =	ssyncadd.tile.s32 @!p0 $0x1;
	_ =	shalt  }
.Lfunc_end2:
_tile_overlayer_lowered:
.L_overlay_start_2:
0x75: {  	(tag) =	ssettag $0x2  }
0x76: {  	s0 =	rddreg [dreg:$0x0];
	s2 =	stileid.u32  }
0x77: {  	s1 =	rddreg [dreg:$0x1];
	p0 =	sne.s32 s2, $0x0  }
0x78: {  	s3 =	rddreg [dreg:$0x2];
	[bflag:$0x3] =	sbarrier.arrive $0xFFFF;
	s2 =	simm.s32 @!p0 $0x1C03  }
0x79: {  	[timem:s3], [sflag:s2] =	dma.local @!p0 [hbm:s0], s1  }
0x7a: {  	s0 =	simm.s32 @!p0 $0x3  }
0x7b: {  	_ =	swait.ge @!p0 [sflag:s0], s1  }
0x7c: {  	s1 =	ssub.s32 @!p0 $0x0, s1;
	[sflag:s0] =	ssyncset.done @!p0 $0x0  }
0x7d: {  	[sflag:s0] =	ssyncadd.s32 @!p0 s1  }
0x7e: {  	[bflag:$0x3] =	sbarrier.arrive $0xFFFF  }
0x7f: {  	_ =	shalt  }

// kernel: kernel.23.cloned.1.call-start
scs
__scs_entry_jumppad:
0x0: {  	(pc) =	sbr.rel $0x88, $3  }
0x1: {  	(tag) =	ssettag $0x0;
	lr =	simm.s32 $0x1  }
0x2: {  	[smem:$0x3F95] =	sst lr;
	_ =	strace $0xD0000000  }
0x3: {  	_ = 	snop  }
0x4: {  	_ = 	snop  }
0x5: {  	_ = 	snop  }
0x6: {  	_ = 	snop  }
0x7: {  	_ = 	snop  }
__scs_overlays_trampoline_lowered:
0x8: {  	[smem:$0x3FA4] =	sst s0  }
0x9: {  	[smem:$0x3FA5] =	sst s1  }
0xa: {  	[smem:$0x3FA6] =	sst s2  }
0xb: {  	[smem:$0x3FA7] =	sst s3  }
0xc: {  	[smem:$0x3FA8] =	sst s4  }
0xd: {  	[smem:$0x3FA9] =	sst s5  }
0xe: {  	[smem:$0x3FAA] =	sst s6  }
0xf: {  	[smem:$0x3FAB] =	sst s7  }
0x10: {  	[smem:$0x3FAC] =	sst s8  }
0x11: {  	[smem:$0x3FAD] =	sst s9;
	s0 =	simm.s32 @!p0 $0x0  }
0x12: {  	s1 =	sld [smem:$0x3F93];
	s0 =	simm.s32 @p0 $0x1  }
0x13: {  	[smem:$0x3FAE] =	sst s0;
	s0 =	simm.s32 @!p1 $0x0  }
0x14: {  	s2 =	sld [smem:$0x3F92];
	s0 =	simm.s32 @p1 $0x1  }
0x15: {  	[smem:$0x3FAF] =	sst s0;
	s0 =	simm.s32 @!p2 $0x0  }
0x16: {  	s3 =	sld [smem:$0x3FDB];
	s0 =	simm.s32 @p2 $0x1  }
0x17: {  	s4 =	simm.s32 $0x1BF5;
	[smem:$0x3FB1] =	sst s0  }
0x18: {  	s0 =	sld [smem:$0x3F94];
	_ =	swait.ge [sflag:s4], $0x0  }
0x19: {  	s7 =	sld [smem:$0x3F95]  }
0x1a: {  	s8 =	sadd.s32 $0xFFFFE003, lr  }
0x1b: {  	s9 =	sadd.s32 $0xFFFFFEF7, lr;
	s5 =	simm.s32 $0xFFFFFFFF;
	p2 =	slt.u32 s8, $0xFFFFF086  }
0x1c: {  	p1 =	slt.u32 s9, $0xF7A;
	s5 =	simm.s32 @!p2 $0x0  }
0x1d: {  	s5 =	simm.s32 @p1 $0x1;
	p0 =	seq.s32 s7, s2  }
0x1e: {  	s7 =	smul.u32 @!p0 $0xF7A, s2;
	p2 =	seq.s32 @!p0 s5, $0x0  }
0x1f: {  	s9 =	smul.u32 $0xF7A, s1;
	s8 =	simm.s32 @!p0 $0x1BF5;
	p2 =	por !p2, p0  }
0x20: {  	[sflag:s8] =	ssyncset.s32 @!p0 $0xFFFFF086;
	s6 =	sadd.s32 @!p0 s3, s7;
	s7 =	simm.s32 @!p0 $0x108  }
0x21: {  	s3 =	sadd.s32 s3, s9;
	s6 =	sadd.s32 @!p0 $0x88, s6;
	s7 =	simm.s32 @p2 $0x1082  }
0x22: {  	[simem:s7], [sflag:s8] =	dma.local @!p0 [hbm:s6], $0xF7A  }
0x23: {  	s9 =	sor.u32 $0xD0000000, s2;
	s6 =	simm.s32 $0x108;
	_ =	swait.ge @!p0 [sflag:s8], $0x0  }
0x24: {  	s3 =	sadd.s32 $0x88, s3;
	s6 =	simm.s32 @!p1 $0x1082;
	[sflag:s4] =	ssyncset.s32 $0xFFFFF086  }
0x25: {  	[simem:s6], [sflag:s4] =	dma.local [hbm:s3], $0xF7A  }
0x26: {  	[smem:$0x3F95] =	sst s1;
	(tag) =	ssettag s2;
	_ =	strace s9  }
0x27: {  	s1 =	sld [smem:$0x3FA5]  }
0x28: {  	s2 =	sld [smem:$0x3FA6]  }
0x29: {  	s4 =	sld [smem:$0x3FA8]  }
0x2a: {  	p0 =	seq.s32 s5, $0x0;
	s5 =	sld [smem:$0x3FA9]  }
0x2b: {  	s6 =	sld [smem:$0x3FAA]  }
0x2c: {  	s7 =	sld [smem:$0x3FAB]  }
0x2d: {  	s3 =	simm.s32 $0x108;
	s8 =	sld [smem:$0x3FAC]  }
0x2e: {  	s3 =	simm.s32 @!p0 $0x1082;
	s9 =	sld [smem:$0x3FAD]  }
0x2f: {  	lr =	sadd.s32 s0, s3;
	s0 =	sld [smem:$0x3FA4]  }
0x30: {  	s3 =	sld [smem:$0x3FA7]  }
0x31: {  	[smem:$0x3FB0] =	sst s10  }
0x32: {  	s10 =	sld [smem:$0x3FAE];
	_ =	sdelay $0x3  }
0x33: {  	p0 =	seq.s32 s10, $0x1;
	s10 =	sld [smem:$0x3FB0];
	_ =	sdelay $0x3  }
0x34: {  	[smem:$0x3FB0] =	sst s10  }
0x35: {  	s10 =	sld [smem:$0x3FAF];
	_ =	sdelay $0x3  }
0x36: {  	p1 =	seq.s32 s10, $0x1;
	s10 =	sld [smem:$0x3FB0];
	_ =	sdelay $0x3  }
0x37: {  	[smem:$0x3FB0] =	sst s10  }
0x38: {  	s10 =	sld [smem:$0x3FB1]  }
0x39: {  	_ = 	snop;
	(pc) =	sbr.ind lr, $3  }
0x3a: {  	_ = 	snop  }
0x3b: {  	_ = 	snop  }
0x3c: {  	p2 =	seq.s32 s10, $0x1;
	s10 =	sld [smem:$0x3FB0]  }
0x3d: {  	_ =	shalt  }
0x3e: {  	_ =	shalt  }
0x3f: {  	_ =	shalt  }
0x40: {  	_ =	shalt  }
0x41: {  	_ =	shalt  }
0x42: {  	_ =	shalt  }
0x43: {  	_ =	shalt  }
0x44: {  	_ =	shalt  }
0x45: {  	_ =	shalt  }
0x46: {  	_ =	shalt  }
0x47: {  	_ =	shalt  }
0x48: {  	_ =	shalt  }
0x49: {  	_ =	shalt  }
0x4a: {  	_ =	shalt  }
0x4b: {  	_ =	shalt  }
0x4c: {  	_ =	shalt  }
0x4d: {  	_ =	shalt  }
0x4e: {  	_ =	shalt  }
0x4f: {  	_ =	shalt  }
0x50: {  	_ =	shalt  }
0x51: {  	_ =	shalt  }
0x52: {  	_ =	shalt  }
0x53: {  	_ =	shalt  }
0x54: {  	_ =	shalt  }
0x55: {  	_ =	shalt  }
0x56: {  	_ =	shalt  }
0x57: {  	_ =	shalt  }
0x58: {  	_ =	shalt  }
0x59: {  	_ =	shalt  }
0x5a: {  	_ =	shalt  }
0x5b: {  	_ =	shalt  }
0x5c: {  	_ =	shalt  }
0x5d: {  	_ =	shalt  }
0x5e: {  	_ =	shalt  }
0x5f: {  	_ =	shalt  }
0x60: {  	_ =	shalt  }
0x61: {  	_ =	shalt  }
0x62: {  	_ =	shalt  }
0x63: {  	_ =	shalt  }
0x64: {  	_ =	shalt  }
0x65: {  	_ =	shalt  }
0x66: {  	_ =	shalt  }
0x67: {  	_ =	shalt  }
0x68: {  	_ =	shalt  }
0x69: {  	_ =	shalt  }
0x6a: {  	_ =	shalt  }
0x6b: {  	_ =	shalt  }
0x6c: {  	_ =	shalt  }
0x6d: {  	_ =	shalt  }
0x6e: {  	_ =	shalt  }
0x6f: {  	_ =	shalt  }
0x70: {  	_ =	shalt  }
0x71: {  	_ =	shalt  }
0x72: {  	_ =	shalt  }
0x73: {  	_ =	shalt  }
0x74: {  	_ =	shalt  }
0x75: {  	_ =	shalt  }
0x76: {  	_ =	shalt  }
0x77: {  	_ =	shalt  }
0x78: {  	_ =	shalt  }
0x79: {  	_ =	shalt  }
0x7a: {  	_ =	shalt  }
0x7b: {  	_ =	shalt  }
0x7c: {  	_ =	shalt  }
0x7d: {  	_ =	shalt  }
0x7e: {  	_ =	shalt  }
0x7f: {  	_ =	shalt  }
0x80: {  	_ =	shalt  }
0x81: {  	_ =	shalt  }
0x82: {  	_ =	shalt  }
0x83: {  	_ =	shalt  }
0x84: {  	_ =	shalt  }
0x85: {  	_ =	shalt  }
0x86: {  	_ =	shalt  }
0x87: {  	_ =	shalt  }
.Lfunc_end0:
.L_simem_size_0:
called_computation.4_lowered:
.L_overlay_start_0:
0x88: {  	s2 =	sld [smem:$0x3FD9]  }
0x89: {  	s3 =	sld [smem:$0x3FFE];
	_ =	sdelay $0x1  }
0x8a: {  	s1 =	srdreg.scid  }
0x8b: {  	s0 =	sand.u32 $0x1, s1  }
0x8c: {  	s17 =	sshll.u32 s0, $0xA;
	s2 =	sadd.s32 s3, s2  }
0x8d: {  	s2 =	sadd.s32 s2, s17  }
0x8e: {  	[smem:$0x3FBC] =	sst s2  }
0x8f: {  	_ = 	snop  }
0x90: {  	s2 =	sld [smem:$0x3FD0];
	(tm) =	ssettm $0x1  }
0x91: {  	s18 =	sld [smem:$0x3FFB];
	_ =	sdelay $0x3  }
0x92: {  	_ =	strace s18  }
0x93: {  	s3 =	sld [smem:$0x3FFC];
	_ =	sdelay $0x3  }
0x94: {  	_ =	strace s3  }
0x95: {  	s3 =	sld [smem:$0x3FFD];
	_ =	sdelay $0x3  }
0x96: {  	_ =	strace s3  }
0x97: {  	_ =	strace $0x8FFFFFFF  }
0x98: {  	s19 =	sld [smem:$0x3FDB];
	_ =	sdelay $0x1  }
0x99: {  	s4 =	simm.s32 $_scs_section_size  }
0x9a: {  	s5 =	simm.s32 $_size__tile_overlayer_lowered;
	s6 =	simm.s32 $_tile_overlayer_lowered  }
0x9b: {  	s22 =	simm.s32 $0x1BFF;
	s21 =	sshll.u32 s6, $0x1;
	s3 =	sadd.s32 s4, s19  }
0x9c: {  	s7 =	simm.s32 $0x0;
	s20 =	sshll.u32 s5, $0x1;
	s5 =	sadd.s32 s21, s3  }
0x9d: {  	[timem:s7], [sflag:s22] =	dma.local [hbm:s5], s20  }
0x9e: {  	_ =	swait.ge [sflag:s22], s20  }
0x9f: {  	s4 =	ssub.s32 $0x0, s20;
	[sflag:s22] =	ssyncset.done $0x0  }
0xa0: {  	[sflag:s22] =	ssyncadd.s32 s4;
	_ =	sdelay $0x1  }
0xa1: {  	s23 =	simm.s32 $0x1B8B  }
0xa2: {  	_ =	swait.ge [sflag:s23], $0x1  }
0xa3: {  	[sflag:s23] =	ssyncset.done $0x0  }
0xa4: {  	s25 =	simm.s32 $0x1B8E;
	s24 =	sld [smem:$0x3FFE];
	[sflag:s23] =	ssyncadd.s32 $0xFFFFFFFF  }
0xa5: {  	s26 =	simm.s32 $execute0_lowered;
	[smem:$0x3FD2] =	sst s25  }
0xa6: {  	s5 =	sshll.u32 s26, $0x1;
	_ =	strace $0x80000052;
	[dreg:$0x1] =	wrdreg $0xFFFFFFFF  }
0xa7: {  	s28 =	simm.s32 $_size_execute0_lowered;
	s3 =	sadd.s32 s3, s5;
	[dreg:$0x0] =	wrdreg $0x0  }
0xa8: {  	s5 =	sshll.u32 s28, $0x1;
	[dreg:$0x2] =	wrdreg s3  }
0xa9: {  	[dreg:$0x3] =	wrdreg s5  }
0xaa: {  	[dreg:$0x4] =	wrdreg $0xC0  }
0xab: {  	_ =	task [dreg:s7], $0x5FFFF  }
0xac: {  	[dreg:$0x1] =	wrdreg $0xFFFFFFFF  }
0xad: {  	[dreg:$0x0] =	wrdreg $0x60  }
0xae: {  	[dreg:$0x2] =	wrdreg s2  }
0xaf: {  	[dreg:$0x3] =	wrdreg s24  }
0xb0: {  	[dreg:$0x4] =	wrdreg $0x120000  }
0xb1: {  	[dreg:$0x5] =	wrdreg $0x9  }
0xb2: {  	_ =	task.clear_ibuf [dreg:s7], $0x6FFFF;
	_ =	strace $0x90000052  }
0xb3: {  	s29 =	simm.s32 $0x9;
	_ =	strace $0x80000054  }
0xb4: {  	_ =	swait.ge [sflag:s29], $0x1  }
0xb5: {  	[sflag:s29] =	ssyncadd.s32 $0xFFFFFFFF  }
0xb6: {  	_ =	strace $0x90000054  }
0xb7: {  	_ =	sfence  }
0xb8: {  	s30 =	sld [smem:$0x0];
	_ =	sdelay $0x2  }
0xb9: {  	s31 =	sshll.u32 s1, $0xD;
	s1 =	sshrl.u32 s1, $0x2  }
0xba: {  	s3 =	sand.u32 $0x4000, s31;
	s1 =	sadd.s32 s1, s30  }
0xbb: {  	s0 =	sor.u32 s3, s0;
	s1 =	sshll.u32 s1, $0x11  }
0xbc: {  	s0 =	sor.u32 s1, s0  }
0xbd: {  	s0 =	sadd.s32 $0x8F2B, s0  }
0xbe: {  	[sflag:s0] =	ssyncadd.remote.s32 $0x1  }
0xbf: {  	_ =	sfence.sel $0xFFFF  }
0xc0: {  	[dreg:$0x0] =	wrdreg $0xFFFFFFFF;
	(pc) =	sbr.abs _section_cstart, $3  }
0xc1: {  	[dreg:$0x1] =	wrdreg $0xFFFFFFFF  }
0xc2: {  	_ =	task.clear_ibuf [dreg:s7], $0x2FFFF;
	_ =	strace $0x9FFFFFFF  }
0xc3: {  	(tm) =	ssettm $0x7FFFFFFF  }
tec
execute0_lowered:
.L_overlay_start_1:
0x0: {  	(tag) =	ssettag $0x1  }
0x1: {  	s1 =	rddreg [dreg:$0x0]  }
0x2: {  	s4 =	rddreg [dreg:$0x1]  }
0x3: {  	s2 =	rddreg [dreg:$0x2]  }
0x4: {  	s0 =	rddreg [dreg:$0x3];
	s13 =	stileid.u32  }
0x5: {  	s5 =	srdreg.scid;
	s3 =	simm.s32 $0x0;
	s17 =	simm.s32 $0xA000  }
0x6: {  	s18 =	simm.s32 $0xE000;
	s19 =	simm.s32 $0x1;
	s6 =	smul.u32 $0xA00, s13  }
0x7: {  	s20 =	simm.s32 $0x2;
	s23 =	simm.s32 $0x0;
	s8 =	smul.u32 $0x27000, s13  }
0x8: {  	s5 =	sand.u32 $0x1, s5;
	[smem:$0x7FF] =	sst s3;
	s10 =	smul.u32 $0x138, s13  }
0x9: {  	s11 =	sadd.s32 $0x18600, s4;
	s22 =	sadd.s32 $0x1388, s13;
	s15 =	sadd.s32 $0x9C000, s2  }
0xa: {  	s16 =	sshll.u32 s13, $0x6;
	p0 =	sne.s32 s13, $0x0;
	s21 =	smul.u32 $0x1388, s5  }
0xb: {  	_ =	strace $0x80000053;
	s7 =	ssub.s32 $0x2, s5;
	s28 =	smul.u32 $0x9C400, s5  }
0xc: {  	s13 =	sor.u32 $0x1C03, s16;
	s15 =	sshrl.u32 @!p0 s15, $0x3;
	s16 =	simm.s32 $0x80  }
0xd: {  	v0 =	vmov s22;
	s22 =	simm.s32 $0x9F80;
	s6 =	sadd.s32 s6, s4;
	s9 =	sshrl.u32 s7, $0x1  }
0xe: {  	s29 =	sshrl.u32 s8, $0x2;
	s12 =	ssub.s32 s7, s9;
	s4 =	sadd.s32 $0xE600, s6  }
0xf: {  	s5 =	sadd.s32 $0x3E00, s6;
	s30 =	sadd.s32 s10, s21;
	s7 =	sshrl.u32 s28, $0x3  }
0x10: {  	s14 =	sadd.s32 s29, s2;
	v1 =	vmov s21;
	s21 =	simm.s32 $0x9F00;
	s8 =	sshll.u32 s30, $0x4  }
0x11: {  	s31 =	sadd.s32 $0x13800, s7;
	s10 =	smax.u32 s12, $0x1;
	s12 =	simm.s32 $0x5000  }
0x12: {  	s14 =	sshrl.u32 s14, $0x3;
	s6 =	sadd.s32 s1, s8;
	s7 =	sadd.s32 s1, s31  }
0x13: {  	s8 =	sadd.s32 s11, s8;
	s9 =	sadd.s32 s11, s31;
	s11 =	simm.s32 $0x3  }
.LBB2_1:
0x14: {  	[tilespmem:s3], [sflag:$0x3] =	stream.linear.gather [hbm4b:s4+s3], $0x5000, $0x38;
	[tilespmem:$0x1BCC0] =	vst v63  }
0x15: {  	_ =	swait.ge [sflag:s11], $0x5000  }
0x16: {  	[sflag:s11] =	ssyncset.done $0x0  }
0x17: {  	[sflag:s11] =	ssyncadd.s32 $0xFFFFB000  }
0x18: {  	[tilespmem:s12], [sflag:$0x3] =	stream.linear.gather [hbm4b:s5+s3], $0x5000, $0x38;
	[tilespmem:$0x1BCC0] =	vst v63  }
0x19: {  	s24 =	sand.u32 $0x1FE00, s3;
	_ =	swait.ge [sflag:s11], $0x5000  }
0x1a: {  	s25 =	sand.u32 $0x70, s3;
	s24 =	sshrl.u32 s24, $0x2;
	[sflag:s11] =	ssyncset.done $0x0  }
0x1b: {  	s24 =	sor.u32 s25, s24;
	[sflag:s11] =	ssyncadd.s32 $0xFFFFB000  }
0x1c: {  	v2 =	vld [tilespmem:s24+$0x5000];
	_ =	sdelay $0x4  }
0x1d: {  	s31 =	simm.s32 $0x40;
	v2 =	vsub.s32 v2, v1  }
0x1e: {  	s26 =	simm.s32 $0x10;
	s28 =	sand.u32 $0x1FE00, s31;
	s25 =	simm.s32 $0x80;
	vm0 =	vlt.u32 v2, $0x1388  }
.LBB2_2:
0x1f: {  	p1 =	sne.s32 s25, $0x13FC0;
	s29 =	sand.u32 $0x70, s26;
	s28 =	sshrl.u32 s28, $0x2;
	v2 =	vsel vm0, v2, v0  }
0x20: {  	[tilespmem:s24+$0x5000] =	vst v2;
	s24 =	sor.u32 s29, s28  }
0x21: {  	v2 =	vld [tilespmem:s24+$0x5000];
	_ =	sdelay $0x1  }
.Ltmp0:
0x22: {  	(pc) =	sbr.rel @p1 .LBB2_2-.Ltmp0, $3  }
0x23: {  	_ =	sdelay $0x1  }
0x24: {  	v2 =	vsub.s32 v2, v1  }
0x25: {  	s26 =	sadd.s32 $0x10, s26;
	s28 =	sand.u32 $0x1FE00, s25;
	s25 =	sadd.s32 $0x40, s25;
	vm0 =	vlt.u32 v2, $0x1388  }
0x26: {  	s25 =	sand.u32 $0x70, s26;
	s31 =	sshrl.u32 s28, $0x2;
	v2 =	vsel vm0, v2, v0  }
0x27: {  	s25 =	sor.u32 s25, s31;
	[tilespmem:s24+$0x5000] =	vst v2  }
0x28: {  	v2 =	vld [tilespmem:s25+$0x5000];
	_ =	sdelay $0x4  }
0x29: {  	v2 =	vsub.s32 v2, v1  }
0x2a: {  	vm15 =	vlt.u32 v2, $0x1388  }
0x2b: {  	v2 =	vsel vm15, v2, v0  }
0x2c: {  	[tilespmem:s25+$0x5000] =	vst v2  }
0x2d: {  	[spmem:s14], [sflag:s13] =	dma.local [hbm:s6], $0x1380  }
0x2e: {  	_ =	swait.ge [sflag:s11], $0x1380  }
0x2f: {  	[sflag:s11] =	ssyncset.done $0x0  }
0x30: {  	s24 =	simm.s32 @!p0 $0x3;
	[sflag:s11] =	ssyncadd.s32 $0xFFFFEC80  }
0x31: {  	[spmem:s15], [sflag:s13] =	dma.local @!p0 [hbm:s7], $0x80  }
0x32: {  	_ =	swait.ge @!p0 [sflag:s24], $0x80  }
0x33: {  	[sflag:s24] =	ssyncset.done @!p0 $0x0  }
0x34: {  	[sflag:s24] =	ssyncadd.s32 @!p0 $0xFFFFFF80  }
0x35: {  	s28 =	simm.s32 $0x0;
	[bflag:$0x0] =	sbarrier.arrive $0xFFFF  }
0x36: {  	[tilespmem:s17], [sflag:$0x1] =	stream.indirect.gather [hbm4b:s1+s16], $0x80, s28, s16, $0xb8;
	[tilespmem:$0x1BCC0] =	vst v63  }
0x37: {  	_ = 	snop  }
0x38: {  	[tilespmem:s18], [sflag:$0x2] =	stream.indirect.gather [hbm4b:s1+s16], $0x80, s16, s16, $0xb8;
	[tilespmem:$0x1BCC0] =	vst v63  }
0x39: {  	_ =	swait.ge [sflag:s19], $0x4000  }
0x3a: {  	[sflag:s19] =	ssyncset.done $0x0  }
0x3b: {  	s29 =	simm.s32 $0x5000;
	[sflag:s19] =	ssyncadd.s32 $0xFFFFC000  }
0x3c: {  	[spmem:s2] =	stream.indirect.scatter.add.f32 [tilespmem:s17], [sflag:$0x3], $0x80, s29, s16, $0xb8;
	[tilespmem:$0x1BCC0] =	vst v63  }
0x3d: {  	_ =	swait.ge [sflag:s11], $0x4000  }
0x3e: {  	[sflag:s11] =	ssyncset.done $0x0  }
0x3f: {  	s30 =	simm.s32 $0x100;
	[sflag:s11] =	ssyncadd.s32 $0xFFFFC000  }
0x40: {  	[tilespmem:s17], [sflag:$0x1] =	stream.indirect.gather [hbm4b:s1+s16], $0x80, s30, s16, $0xb8;
	[tilespmem:$0x1BCC0] =	vst v63  }
0x41: {  	_ =	swait.ge [sflag:s20], $0x4000  }
0x42: {  	[sflag:s20] =	ssyncset.done $0x0  }
0x43: {  	s31 =	simm.s32 $0x5080;
	[sflag:s20] =	ssyncadd.s32 $0xFFFFC000  }
0x44: {  	[spmem:s2] =	stream.indirect.scatter.add.f32 [tilespmem:s18], [sflag:$0x3], $0x80, s31, s16, $0xb8;
	[tilespmem:$0x1BCC0] =	vst v63  }
0x45: {  	_ =	swait.ge [sflag:s11], $0x4000  }
0x46: {  	[sflag:s11] =	ssyncset.done $0x0  }
0x47: {  	s25 =	simm.s32 $0x180;
	s24 =	simm.s32 $0x400;
	[sflag:s11] =	ssyncadd.s32 $0xFFFFC000  }
.LBB2_4:
0x48: {  	[tilespmem:s18], [sflag:$0x2] =	stream.indirect.gather [hbm4b:s1+s16], $0x80, s25, s16, $0xb8;
	[tilespmem:$0x1BCC0] =	vst v63  }
0x49: {  	s25 =	smov.u32 s24  }
0x4a: {  	p1 =	sne.s32 s24, $0x13800;
	s24 =	sadd.s32 $0x400, s24;
	_ =	swait.ge [sflag:s19], $0x4000  }
0x4b: {  	s25 =	sshra.s32 s25, $0x2;
	[sflag:s19] =	ssyncset.done $0x0  }
0x4c: {  	s26 =	sadd.s32 $0x5000, s25;
	[sflag:s19] =	ssyncadd.s32 $0xFFFFC000  }
0x4d: {  	[spmem:s2] =	stream.indirect.scatter.add.f32 [tilespmem:s17], [sflag:$0x3], $0x80, s26, s16, $0xb8;
	[tilespmem:$0x1BCC0] =	vst v63  }
0x4e: {  	_ =	swait.ge [sflag:s11], $0x4000  }
0x4f: {  	[sflag:s11] =	ssyncset.done $0x0  }
0x50: {  	s26 =	sadd.s32 $0x100, s25;
	[sflag:s11] =	ssyncadd.s32 $0xFFFFC000  }
0x51: {  	[tilespmem:s17], [sflag:$0x1] =	stream.indirect.gather [hbm4b:s1+s16], $0x80, s26, s16, $0xb8;
	[tilespmem:$0x1BCC0] =	vst v63  }
0x52: {  	_ =	swait.ge [sflag:s20], $0x4000  }
0x53: {  	[sflag:s20] =	ssyncset.done $0x0  }
.Ltmp1:
0x54: {  	s26 =	sadd.s32 $0x5080, s25;
	[sflag:s20] =	ssyncadd.s32 $0xFFFFC000;
	(pc) =	sbr.rel @p1 .LBB2_4-.Ltmp1, $4  }
0x55: {  	[spmem:s2] =	stream.indirect.scatter.add.f32 [tilespmem:s18], [sflag:$0x3], $0x80, s26, s16, $0xb8;
	[tilespmem:$0x1BCC0] =	vst v63  }
0x56: {  	_ =	swait.ge [sflag:s11], $0x4000  }
0x57: {  	[sflag:s11] =	ssyncset.done $0x0  }
0x58: {  	s25 =	sadd.s32 $0x180, s25;
	[sflag:s11] =	ssyncadd.s32 $0xFFFFC000  }
0x59: {  	[tilespmem:s18], [sflag:$0x2] =	stream.indirect.gather [hbm4b:s1+s16], $0x80, s25, s16, $0xb8;
	[tilespmem:$0x1BCC0] =	vst v63  }
0x5a: {  	_ =	swait.ge [sflag:s19], $0x4000  }
0x5b: {  	[sflag:s19] =	ssyncset.done $0x0  }
0x5c: {  	[sflag:s19] =	ssyncadd.s32 $0xFFFFC000  }
0x5d: {  	[spmem:s2] =	stream.indirect.scatter.add.f32 [tilespmem:s17], [sflag:$0x3], $0x80, s21, s16, $0xb8;
	[tilespmem:$0x1BCC0] =	vst v63  }
0x5e: {  	_ =	swait.ge [sflag:s11], $0x4000  }
0x5f: {  	[sflag:s11] =	ssyncset.done $0x0  }
0x60: {  	[sflag:s11] =	ssyncadd.s32 $0xFFFFC000  }
0x61: {  	_ =	swait.ge [sflag:s20], $0x4000  }
0x62: {  	[sflag:s20] =	ssyncset.done $0x0  }
0x63: {  	[sflag:s20] =	ssyncadd.s32 $0xFFFFC000  }
0x64: {  	[spmem:s2] =	stream.indirect.scatter.add.f32 [tilespmem:s18], [sflag:$0x3], $0x80, s22, s16, $0xb8;
	[tilespmem:$0x1BCC0] =	vst v63  }
0x65: {  	_ =	swait.ge [sflag:s11], $0x4000  }
0x66: {  	[sflag:s11] =	ssyncset.done $0x0  }
0x67: {  	[sflag:s11] =	ssyncadd.s32 $0xFFFFC000  }
0x68: {  	[bflag:$0x0] =	sbarrier.arrive $0xFFFF  }
0x69: {  	[hbm:s8], [sflag:s13] =	dma.local [spmem:s14], $0x1380  }
0x6a: {  	s23 =	sadd.s32 $0x1, s23;
	_ =	swait.ge [sflag:s11], $0x1380  }
0x6b: {  	p1 =	sne.s32 s23, s10;
	[sflag:s11] =	ssyncset.done $0x0  }
.Ltmp2:
0x6c: {  	s24 =	simm.s32 @!p0 $0x3;
	[sflag:s11] =	ssyncadd.s32 $0xFFFFEC80;
	(pc) =	sbr.rel @p1 .LBB2_1-.Ltmp2, $4  }
0x6d: {  	[hbm:s9], [sflag:s13] =	dma.local @!p0 [spmem:s15], $0x80  }
0x6e: {  	_ =	swait.ge @!p0 [sflag:s24], $0x80  }
0x6f: {  	[sflag:s24] =	ssyncset.done @!p0 $0x0  }
0x70: {  	[sflag:s24] =	ssyncadd.s32 @!p0 $0xFFFFFF80  }
0x71: {  	_ =	sfence.sel $0x180000  }
0x72: {  	[bflag:$0x0] =	sbarrier.arrive $0xFFFF  }
0x73: {  	_ =	strace $0x90000053  }
0x74: {  	s0 =	sadd.s32 @!p0 $0x100000, s0;
	[bflag:$0x2] =	sbarrier.arrive $0xFFFF  }
0x75: {  	[sflag:s0] =	ssyncadd.tile.s32 @!p0 $0x1;
	_ =	shalt  }
.Lfunc_end2:
_tile_overlayer_lowered:
.L_overlay_start_2:
0x76: {  	(tag) =	ssettag $0x2  }
0x77: {  	s0 =	rddreg [dreg:$0x0];
	s2 =	stileid.u32  }
0x78: {  	s1 =	rddreg [dreg:$0x1];
	p0 =	sne.s32 s2, $0x0  }
0x79: {  	s3 =	rddreg [dreg:$0x2];
	[bflag:$0x3] =	sbarrier.arrive $0xFFFF;
	s2 =	simm.s32 @!p0 $0x1C03  }
0x7a: {  	[timem:s3], [sflag:s2] =	dma.local @!p0 [hbm:s0], s1  }
0x7b: {  	s0 =	simm.s32 @!p0 $0x3  }
0x7c: {  	_ =	swait.ge @!p0 [sflag:s0], s1  }
0x7d: {  	s1 =	ssub.s32 @!p0 $0x0, s1;
	[sflag:s0] =	ssyncset.done @!p0 $0x0  }
0x7e: {  	[sflag:s0] =	ssyncadd.s32 @!p0 s1  }
0x7f: {  	[bflag:$0x3] =	sbarrier.arrive $0xFFFF  }
0x80: {  	_ =	shalt  }

</sc_bundles>
